<compile_context>
chip_gen: v7x
topology: tpu7x:2x2x1
jax: 0.10.2.dev20260603
libtpu: 0.0.44.dev20260713+nightly
codegen_flags: <defaults>
</compile_context>

<pallas_src>
import jax
import jax.numpy as jnp
from jax.experimental import pallas as pl
from jax.experimental.pallas import tpu as pltpu
from jax.experimental.pallas import tpu_sc as plsc

_INTERPRET = False

B, S, D, H, F, E = 1, 2048, 1024, 16, 4096, 8
HD = D // H
HALF = HD // 2
SBLK = 256
NSB = S // SBLK
QBLK = 512
EPAD = 128
FBLK = F // 2
NEG = -1e30
M = 256
NB = (2 * S) // M + E
RMAX = NB * M
_vector_mesh = None


def _get_mesh():
    global _vector_mesh
    if _vector_mesh is None:
        _vector_mesh = plsc.VectorSubcoreMesh(core_axis_name="c",
                                              subcore_axis_name="s")
    return _vector_mesh


def _ln_f32(xb, g, b):
    m = jnp.mean(xb, axis=-1, keepdims=True)
    v = jnp.mean((xb - m) ** 2, axis=-1, keepdims=True)
    return (xb - m) / jnp.sqrt(v + 1e-5) * g + b


def _qkv_kernel(x_ref, inwT_ref, inb_ref, g_ref, b_ref, inv_ref, pswap_ref,
                q2_ref, k2_ref, v2_ref):
    s = pl.program_id(0)
    xb = x_ref[...]
    h = _ln_f32(xb, g_ref[...], b_ref[...])
    w = inwT_ref[...]
    qkv = jnp.dot(h.astype(jnp.bfloat16), w,
                  preferred_element_type=jnp.float32) + inb_ref[...]
    q, k, v = qkv[:, :D], qkv[:, D:2 * D], qkv[:, 2 * D:]
    pos = (s * SBLK
           + jax.lax.broadcasted_iota(jnp.int32, (SBLK, HALF), 0)).astype(jnp.float32)
    ang = pos * inv_ref[...]
    c32, s32 = jnp.cos(ang), jnp.sin(ang)
    c64 = jnp.concatenate([c32, c32], axis=1)
    s64 = jnp.concatenate([s32, s32], axis=1)
    cf = jnp.concatenate([c64] * H, axis=1)
    sf = jnp.concatenate([s64] * H, axis=1)
    psw = pswap_ref[...]
    qsw = jnp.dot(q.astype(jnp.bfloat16), psw, preferred_element_type=jnp.float32)
    ksw = jnp.dot(k.astype(jnp.bfloat16), psw, preferred_element_type=jnp.float32)
    rq = (q * cf + qsw * sf).astype(jnp.bfloat16)
    rk = (k * cf + ksw * sf).astype(jnp.bfloat16)
    q2_ref[...] = (jnp.dot(rq, w[:, :D], preferred_element_type=jnp.float32)
                   + inb_ref[:, :D]).astype(jnp.bfloat16)
    k2_ref[...] = (jnp.dot(rk, w[:, D:2 * D], preferred_element_type=jnp.float32)
                   + inb_ref[:, D:2 * D]).astype(jnp.bfloat16)
    v2_ref[...] = (jnp.dot(v.astype(jnp.bfloat16), w[:, 2 * D:],
                           preferred_element_type=jnp.float32)
                   + inb_ref[:, 2 * D:]).astype(jnp.bfloat16)


def _attn_kernel(q_ref, k_ref, v_ref, o_ref):
    qb = q_ref[...]
    kb = k_ref[...]
    vb = v_ref[...]
    outs = []
    for hh in range(2):
        q1 = qb[:, hh * HD:(hh + 1) * HD]
        k1 = kb[:, hh * HD:(hh + 1) * HD]
        v1 = vb[:, hh * HD:(hh + 1) * HD]
        sc = jax.lax.dot_general(q1, k1, (((1,), (1,)), ((), ())),
                                 preferred_element_type=jnp.float32) * 0.125
        m = jnp.max(sc, axis=1, keepdims=True)
        p = jnp.exp(sc - m)
        z = jnp.sum(p, axis=1, keepdims=True)
        pb = (p / z).astype(jnp.bfloat16)
        outs.append(jnp.dot(pb, v1, preferred_element_type=jnp.float32))
    o_ref[...] = jnp.concatenate(outs, axis=1).astype(jnp.bfloat16)


def _post_kernel(ctx_ref, x_ref, outwT_ref, outb_ref, g2_ref, b2_ref, rwT_ref,
                 x1_ref, h2_ref, w_ref):
    ctx = ctx_ref[...]
    attn = jnp.dot(ctx, outwT_ref[...],
                   preferred_element_type=jnp.float32) + outb_ref[...]
    x1 = x_ref[...] + attn
    x1_ref[...] = x1
    h2 = _ln_f32(x1, g2_ref[...], b2_ref[...])
    h2_ref[...] = h2.astype(jnp.bfloat16)
    logits = jnp.dot(h2, rwT_ref[...], preferred_element_type=jnp.float32)
    lane = jax.lax.broadcasted_iota(jnp.int32, (SBLK, EPAD), 1)
    l = jnp.where(lane < E, logits, NEG)
    m1 = jnp.max(l, axis=1, keepdims=True)
    i1 = jnp.min(jnp.where(l == m1, lane, EPAD), axis=1, keepdims=True)
    l2 = jnp.where(lane == i1, NEG, l)
    m2 = jnp.max(l2, axis=1, keepdims=True)
    i2 = jnp.min(jnp.where(l2 == m2, lane, EPAD), axis=1, keepdims=True)
    ex = jnp.where(lane < E, jnp.exp(l - m1), 0.0)
    zz = jnp.sum(ex, axis=1, keepdims=True)
    p = ex / zz
    w_ref[...] = jnp.where((lane == i1) | (lane == i2), p, -1.0)


def _route_kernel(w_ref, pk_ref):
    w = w_ref[...]
    lane = jax.lax.broadcasted_iota(jnp.int32, (S, EPAD), 1)
    sub = jax.lax.broadcasted_iota(jnp.int32, (S, EPAD), 0)
    sel = w >= 0.0
    oh = jnp.where(sel, 1.0, 0.0)
    r_i = jax.lax.broadcasted_iota(jnp.int32, (M, M), 0)
    c_i = jax.lax.broadcasted_iota(jnp.int32, (M, M), 1)
    tri = jnp.where(r_i > c_i, 1.0, 0.0).astype(jnp.bfloat16)
    carry = jnp.zeros((1, EPAD), jnp.float32)
    ranks = []
    for blk in range(S // M):
        ob = oh[blk * M:(blk + 1) * M, :]
        rb = jax.lax.dot_general(tri, ob.astype(jnp.bfloat16),
                                 (((1,), (0,)), ((), ())),
                                 preferred_element_type=jnp.float32)
        ranks.append(rb + carry)
        carry = carry + jnp.sum(ob, axis=0, keepdims=True)
    rank = jnp.concatenate(ranks, axis=0)
    counts = carry
    pc = jnp.ceil(counts * (1.0 / M)) * M
    off_sc = []
    run = jnp.float32(0.0)
    for e in range(E):
        off_sc.append(run)
        run = run + pc[0, e]
    nact = run * (1.0 / M)
    off_vec = jnp.zeros((1, EPAD), jnp.float32)
    end_vec = jnp.full((1, EPAD), jnp.float32(NEG * -1.0))
    for e in range(E):
        lm = (lane[:1, :] == e)
        off_vec = jnp.where(lm, off_sc[e], off_vec)
        end_vec = jnp.where(lm, off_sc[e] + pc[0, e], end_vec)
    val = rank + off_vec
    lane_sel = jnp.where(sel, lane, EPAD)
    e_lo = jnp.min(lane_sel, axis=1, keepdims=True)
    lane_sel2 = jnp.where(sel, lane, -1)
    e_hi = jnp.max(lane_sel2, axis=1, keepdims=True)
    d_lo = jnp.sum(jnp.where(lane == e_lo, val, 0.0), axis=1, keepdims=True)
    d_hi = jnp.sum(jnp.where(lane == e_hi, val, 0.0), axis=1, keepdims=True)
    w_lo = jnp.sum(jnp.where(lane == e_lo, jnp.maximum(w, 0.0), 0.0),
                   axis=1, keepdims=True)
    w_hi = jnp.sum(jnp.where(lane == e_hi, jnp.maximum(w, 0.0), 0.0),
                   axis=1, keepdims=True)
    bvals = (sub[:, :1] * M).astype(jnp.float32)
    ge = (bvals >= end_vec) & (lane[:1, :] < E)
    be = jnp.sum(jnp.where(ge, 1.0, 0.0), axis=1, keepdims=True)
    be = jnp.minimum(be, E - 1)
    pk = jnp.where(lane == 0, d_lo, 0.0)
    pk = pk + jnp.where(lane == 1, d_hi, 0.0)
    pk = pk + jnp.where(lane == 2, w_lo, 0.0)
    pk = pk + jnp.where(lane == 3, w_hi, 0.0)
    pk = pk + jnp.where(lane == 4, be, 0.0)
    pk = pk + jnp.where(lane == 5, nact, 0.0)
    pk_ref[...] = pk


def _gmm_kernel(be_ref, na_ref, xd_ref, gw_ref, vw_ref, ow_ref,
                gb_ref, vb_ref, ob_ref, y_ref):
    f = pl.program_id(0)
    b = pl.program_id(1)

    @pl.when(b < na_ref[0])
    def _():
        xb = xd_ref[...]
        g = jax.lax.dot_general(xb, gw_ref[0], (((1,), (1,)), ((), ())),
                                preferred_element_type=jnp.float32) + gb_ref[0, 0]
        v = jax.lax.dot_general(xb, vw_ref[0], (((1,), (1,)), ((), ())),
                                preferred_element_type=jnp.float32) + vb_ref[0, 0]
        hh = (v * (g * jax.nn.sigmoid(g))).astype(jnp.bfloat16)
        o = jax.lax.dot_general(hh, ow_ref[0], (((1,), (1,)), ((), ())),
                                preferred_element_type=jnp.float32)
        ob = ob_ref[0, 0][None, :] * (f == 0).astype(jnp.float32)
        y_ref[0] = (o + ob).astype(jnp.bfloat16)


def _combine_kernel(x1_ref, wlo_ref, whi_ref, ya_ref, yb_ref, yc_ref, yd_ref,
                    out_ref):
    f32 = jnp.float32
    ylo = ya_ref[...].astype(f32) + yc_ref[...].astype(f32)
    yhi = yb_ref[...].astype(f32) + yd_ref[...].astype(f32)
    out_ref[...] = x1_ref[...] + wlo_ref[...] * ylo + whi_ref[...] * yhi


CHUNK = 128
RPT = 4
SCW = 128


def _subrow_idx(rows_idx):
    return (rows_idx[..., None] * RPT
            + jnp.arange(RPT, dtype=jnp.int32)).reshape(1, -1)


def _to_i32_rows(a2d):
    n = a2d.shape[0]
    return jax.lax.bitcast_convert_type(
        a2d.reshape(n, D // 2, 2), jnp.int32).reshape(n * RPT, CHUNK)


def _from_i32_rows(a2d, n):
    return jax.lax.bitcast_convert_type(
        a2d.reshape(n, D // 2), jnp.bfloat16).reshape(n, D)


def _sc_scatter(h2b, dT):
    h2r = _to_i32_rows(h2b)
    idx = _subrow_idx(dT)
    nblk = S * RPT // SCW

    @pl.kernel(out_type=jax.ShapeDtypeStruct((RMAX * RPT, CHUNK), jnp.int32),
               mesh=_get_mesh())
    def k(h2_hbm, i_hbm, o_hbm):
        def body(x_vmem, i_vmem):
            pltpu.sync_copy(x_vmem, o_hbm.at[i_vmem.at[0]])
        pltpu.emit_pipeline(
            body,
            grid=(2 * nblk,),
            in_specs=[pl.BlockSpec((SCW, CHUNK),
                                   lambda i: (jax.lax.rem(i, nblk), 0)),
                      pl.BlockSpec((1, SCW), lambda i: (0, i))],
            out_specs=[],
            core_axis_name=("c", "s"),
            dimension_semantics=(pltpu.PARALLEL,),
        )(h2_hbm, i_hbm)
    return _from_i32_rows(k(h2r, idx), RMAX)


def _sc_gather(yflat, gidx):
    yr = _to_i32_rows(yflat)
    idx = _subrow_idx(gidx)

    @pl.kernel(out_type=jax.ShapeDtypeStruct((4 * S * RPT, CHUNK), jnp.int32),
               mesh=_get_mesh())
    def k(y_hbm, i_hbm, o_hbm):
        def body(i_vmem, o_vmem):
            pltpu.sync_copy(y_hbm.at[i_vmem.at[0]], o_vmem)
        pltpu.emit_pipeline(
            body,
            grid=(4 * S * RPT // SCW,),
            in_specs=[pl.BlockSpec((1, SCW), lambda i: (0, i))],
            out_specs=[pl.BlockSpec((SCW, CHUNK), lambda i: (i, 0))],
            core_axis_name=("c", "s"),
            dimension_semantics=(pltpu.PARALLEL,),
        )(i_hbm, o_hbm)
    return _from_i32_rows(k(yr, idx), 4 * S)


def _cparams(sem):
    return pltpu.CompilerParams(dimension_semantics=sem)


def kernel(x, ln1_g, ln1_b, in_w, in_b, out_w, out_b, ln2_g, ln2_b,
           router_w, gate_w, gate_b, val_w, val_b, wo_w, wo_b):
    f32, bf16 = jnp.float32, jnp.bfloat16
    x2 = x.reshape(S, D)
    inwT = in_w.T.astype(bf16)
    inb = in_b.reshape(1, 3 * D)
    g1 = ln1_g.reshape(1, D)
    b1 = ln1_b.reshape(1, D)
    inv = (1.0 / (10000.0 ** (jnp.arange(HALF, dtype=f32) / HALF))).reshape(1, HALF)
    eye = jnp.eye(HALF, dtype=f32)
    zer = jnp.zeros((HALF, HALF), f32)
    p64 = jnp.concatenate([
        jnp.concatenate([zer, eye], axis=1),
        jnp.concatenate([-eye, zer], axis=1)], axis=0)
    pswap = jnp.kron(jnp.eye(H, dtype=f32), p64).astype(bf16)

    q2, k2, v2 = pl.pallas_call(
        _qkv_kernel,
        grid=(NSB,),
        in_specs=[
            pl.BlockSpec((SBLK, D), lambda s: (s, 0)),
            pl.BlockSpec((D, 3 * D), lambda s: (0, 0)),
            pl.BlockSpec((1, 3 * D), lambda s: (0, 0)),
            pl.BlockSpec((1, D), lambda s: (0, 0)),
            pl.BlockSpec((1, D), lambda s: (0, 0)),
            pl.BlockSpec((1, HALF), lambda s: (0, 0)),
            pl.BlockSpec((D, D), lambda s: (0, 0)),
        ],
        out_specs=[pl.BlockSpec((SBLK, D), lambda s: (s, 0))] * 3,
        out_shape=[jax.ShapeDtypeStruct((S, D), bf16)] * 3,
        compiler_params=_cparams(("arbitrary",)),
        interpret=_INTERPRET,
    )(x2, inwT, inb, g1, b1, inv, pswap)

    ctx = pl.pallas_call(
        _attn_kernel,
        grid=(H // 2, S // QBLK),
        in_specs=[
            pl.BlockSpec((QBLK, 2 * HD), lambda hp, sq: (sq, hp)),
            pl.BlockSpec((S, 2 * HD), lambda hp, sq: (0, hp)),
            pl.BlockSpec((S, 2 * HD), lambda hp, sq: (0, hp)),
        ],
        out_specs=pl.BlockSpec((QBLK, 2 * HD), lambda hp, sq: (sq, hp)),
        out_shape=jax.ShapeDtypeStruct((S, D), bf16),
        compiler_params=_cparams(("arbitrary", "arbitrary")),
        interpret=_INTERPRET,
    )(q2, k2, v2)

    outwT = out_w.T.astype(bf16)
    outb = out_b.reshape(1, D)
    g2 = ln2_g.reshape(1, D)
    b2 = ln2_b.reshape(1, D)
    rwT = jnp.zeros((D, EPAD), f32).at[:, :E].set(router_w.T)

    x1, h2b, w = pl.pallas_call(
        _post_kernel,
        grid=(NSB,),
        in_specs=[
            pl.BlockSpec((SBLK, D), lambda s: (s, 0)),
            pl.BlockSpec((SBLK, D), lambda s: (s, 0)),
            pl.BlockSpec((D, D), lambda s: (0, 0)),
            pl.BlockSpec((1, D), lambda s: (0, 0)),
            pl.BlockSpec((1, D), lambda s: (0, 0)),
            pl.BlockSpec((1, D), lambda s: (0, 0)),
            pl.BlockSpec((D, EPAD), lambda s: (0, 0)),
        ],
        out_specs=[
            pl.BlockSpec((SBLK, D), lambda s: (s, 0)),
            pl.BlockSpec((SBLK, D), lambda s: (s, 0)),
            pl.BlockSpec((SBLK, EPAD), lambda s: (s, 0)),
        ],
        out_shape=[
            jax.ShapeDtypeStruct((S, D), f32),
            jax.ShapeDtypeStruct((S, D), bf16),
            jax.ShapeDtypeStruct((S, EPAD), f32),
        ],
        compiler_params=_cparams(("arbitrary",)),
        interpret=_INTERPRET,
    )(ctx, x2, outwT, outb, g2, b2, rwT)

    pk = pl.pallas_call(
        _route_kernel,
        in_specs=[pl.BlockSpec((S, EPAD), lambda: (0, 0))],
        out_specs=pl.BlockSpec((S, EPAD), lambda: (0, 0)),
        out_shape=jax.ShapeDtypeStruct((S, EPAD), f32),
        interpret=_INTERPRET,
    )(w)

    dT = pk[:, 0:2].T.astype(jnp.int32)
    gidx = jnp.concatenate([dT, dT + RMAX], axis=0)
    wlo = pk[:, 2:3]
    whi = pk[:, 3:4]
    be = pk[:NB, 4].astype(jnp.int32)
    nact = pk[0:1, 5].astype(jnp.int32)

    xdisp = _sc_scatter(h2b, dT)

    gwb = gate_w.astype(bf16)
    vwb = val_w.astype(bf16)
    owb = wo_w.astype(bf16)
    gb3 = gate_b.reshape(E * 2, 1, FBLK)
    vb3 = val_b.reshape(E * 2, 1, FBLK)
    ob3 = wo_b.reshape(E, 1, D)

    ydisp = pl.pallas_call(
        _gmm_kernel,
        grid_spec=pltpu.PrefetchScalarGridSpec(
            num_scalar_prefetch=2,
            grid=(2, NB),
            in_specs=[
                pl.BlockSpec((M, D), lambda f, b, be_r, na_r: (b, 0)),
                pl.BlockSpec((1, FBLK, D), lambda f, b, be_r, na_r: (be_r[b], f, 0)),
                pl.BlockSpec((1, FBLK, D), lambda f, b, be_r, na_r: (be_r[b], f, 0)),
                pl.BlockSpec((1, D, FBLK), lambda f, b, be_r, na_r: (be_r[b], 0, f)),
                pl.BlockSpec((1, 1, FBLK), lambda f, b, be_r, na_r: (be_r[b] * 2 + f, 0, 0)),
                pl.BlockSpec((1, 1, FBLK), lambda f, b, be_r, na_r: (be_r[b] * 2 + f, 0, 0)),
                pl.BlockSpec((1, 1, D), lambda f, b, be_r, na_r: (be_r[b], 0, 0)),
            ],
            out_specs=pl.BlockSpec((1, M, D), lambda f, b, be_r, na_r: (f, b, 0)),
        ),
        out_shape=jax.ShapeDtypeStruct((2, RMAX, D), bf16),
        compiler_params=_cparams(("arbitrary", "arbitrary")),
        interpret=_INTERPRET,
    )(be, nact, xdisp, gwb, vwb, owb, gb3, vb3, ob3)

    ygat = _sc_gather(ydisp.reshape(2 * RMAX, D), gidx)

    out = pl.pallas_call(
        _combine_kernel,
        grid=(NSB,),
        in_specs=[
            pl.BlockSpec((SBLK, D), lambda s: (s, 0)),
            pl.BlockSpec((SBLK, 1), lambda s: (s, 0)),
            pl.BlockSpec((SBLK, 1), lambda s: (s, 0)),
            pl.BlockSpec((SBLK, D), lambda s: (s, 0)),
            pl.BlockSpec((SBLK, D), lambda s: (s + NSB, 0)),
            pl.BlockSpec((SBLK, D), lambda s: (s + 2 * NSB, 0)),
            pl.BlockSpec((SBLK, D), lambda s: (s + 3 * NSB, 0)),
        ],
        out_specs=pl.BlockSpec((SBLK, D), lambda s: (s, 0)),
        out_shape=jax.ShapeDtypeStruct((S, D), f32),
        compiler_params=_cparams(("arbitrary",)),
        interpret=_INTERPRET,
    )(x1, wlo, whi, ygat, ygat, ygat, ygat)

    return out.reshape(B, S, D)

# --- scband reference (transcript-rebuilt; emitter-appended) ---
"""Pipeline reference for scband-sparse-transformer-layer-50422916055413 (READ-ONLY COPY).

The authoritative reference and input builder live on the scoring server;
editing this copy changes nothing except your own understanding.
"""

import jax, jax.numpy as jnp
import numpy as np

B, S, D, H, F, E, K = 1, 2048, 1024, 16, 4096, 8, 2
HD = D // H


def _ln(x, g, b):
    m = jnp.mean(x, axis=-1, keepdims=True)
    v = jnp.var(x, axis=-1, keepdims=True)
    return (x - m) / jnp.sqrt(v + 1e-5) * g + b


def _rope(t, pos):
    half = t.shape[-1] // 2
    inv = 1.0 / (10000.0 ** (jnp.arange(half, dtype=jnp.float32) / half))
    ang = pos[:, :, None].astype(jnp.float32) * inv
    cos = jnp.cos(ang)[:, :, None, :]
    sin = jnp.sin(ang)[:, :, None, :]
    t1, t2 = jnp.split(t, 2, axis=-1)
    return jnp.concatenate([t1 * cos - t2 * sin, t1 * sin + t2 * cos], axis=-1)


def _attention(x, ln1_g, ln1_b, in_w, in_b, out_w, out_b):
    h = _ln(x, ln1_g, ln1_b)
    qkv = h @ in_w.T + in_b
    q, k, v = jnp.split(qkv, 3, axis=-1)
    pos = jnp.broadcast_to(jnp.arange(S), (B, S))
    q = _rope(q.reshape(B, S, H, HD), pos).reshape(B, S, D)
    k = _rope(k.reshape(B, S, H, HD), pos).reshape(B, S, D)
    # faithful quirk: nn.MultiheadAttention applies its in_proj a second time
    Wq, Wk, Wv = jnp.split(in_w, 3, axis=0)
    bq, bk, bv = jnp.split(in_b, 3, axis=0)
    q2 = (q @ Wq.T + bq).reshape(B, S, H, HD).transpose(0, 2, 1, 3)
    k2 = (k @ Wk.T + bk).reshape(B, S, H, HD).transpose(0, 2, 1, 3)
    v2 = (v @ Wv.T + bv).reshape(B, S, H, HD).transpose(0, 2, 1, 3)
    scores = jnp.einsum('bhqd,bhkd->bhqk', q2, k2) / jnp.sqrt(float(HD))
    attn = jax.nn.softmax(scores, axis=-1)
    ctx = jnp.einsum('bhqk,bhkd->bhqd', attn, v2).transpose(0, 2, 1, 3).reshape(B, S, D)
    return ctx @ out_w.T + out_b


def setup_inputs(seed: int = 0):
    key = jax.random.key(seed)
    ks = jax.random.split(key, 12)
    s = 0.02
    return {
        'x': jax.random.normal(ks[0], (B, S, D), jnp.float32),
        'ln1_g': jnp.ones((D,), jnp.float32),
        'ln1_b': jnp.zeros((D,), jnp.float32),
        'in_w': jax.random.normal(ks[1], (3 * D, D), jnp.float32) * s,
        'in_b': jnp.zeros((3 * D,), jnp.float32),
        'out_w': jax.random.normal(ks[2], (D, D), jnp.float32) * s,
        'out_b': jnp.zeros((D,), jnp.float32),
        'ln2_g': jnp.ones((D,), jnp.float32),
        'ln2_b': jnp.zeros((D,), jnp.float32),
        'router_w': jax.random.normal(ks[3], (E, D), jnp.float32) * s,
        'gate_w': jax.random.normal(ks[4], (E, F, D), jnp.float32) * s,
        'gate_b': jnp.zeros((E, F), jnp.float32),
        'val_w': jax.random.normal(ks[5], (E, F, D), jnp.float32) * s,
        'val_b': jnp.zeros((E, F), jnp.float32),
        'wo_w': jax.random.normal(ks[6], (E, D, F), jnp.float32) * s,
        'wo_b': jnp.zeros((E, D), jnp.float32),
    }


def reference(x, ln1_g, ln1_b, in_w, in_b, out_w, out_b, ln2_g, ln2_b, router_w, gate_w, gate_b, val_w, val_b, wo_w, wo_b):
    # pre-norm residual attention
    x = x + _attention(x, ln1_g, ln1_b, in_w, in_b, out_w, out_b)
    # SparseFFN (top-k MoE with capacity)
    h2 = _ln(x, ln2_g, ln2_b)
    flat = h2.reshape(B * S, D)
    logits = flat @ router_w.T
    probs = jax.nn.softmax(logits, axis=-1)
    _, topi = jax.lax.top_k(probs, K)
    T = B * S
    capacity = int(1.0 * T)
    out = jnp.zeros_like(flat)
    for e in range(E):
        sel = (topi == e).any(axis=1)
        gate = flat @ gate_w[e].T + gate_b[e]
        val = flat @ val_w[e].T + val_b[e]
        hexp = val * jax.nn.silu(gate)
        oexp = hexp @ wo_w[e].T + wo_b[e]
        w = jnp.where(sel, probs[:, e], 0.0)
        out = out + oexp * w[:, None]
    return x + out.reshape(B, S, D)

if __name__ == "__main__":
    import jax
    _d = setup_inputs()
    print(jax.jit(kernel)(*tuple(_d.values())))

</pallas_src>

<mosaic_0001>
#map = affine_map<(d0, d1) -> (0, 0)>
module attributes {stable_mosaic.version = 14 : i64} {
  func.func @k(%arg0: i32, %arg1: i32, %arg2: memref<8192x128xi32, #tpu.memory_space<hbm>>, %arg3: memref<1x16384xi32, #tpu.memory_space<hbm>>, %arg4: memref<24576x128xi32, #tpu.memory_space<hbm>>) attributes {dimension_semantics = [#tpu.dimension_semantics<core_parallel>, #tpu.dimension_semantics<subcore_parallel>], iteration_bounds = array<i64: 2, 16>, scalar_prefetch = 0 : i64, scratch_operands = 0 : i64, tpu.core_type = #tpu.core_type<sc_vector_subcore>, window_params = [{transform_indices = #map}, {transform_indices = #map}, {transform_indices = #map}]} {
    %mul3A = arith.constant 1 : i32
    %mul3A_0 = arith.muli %arg1, %mul3A : i32
    %add3A = arith.constant 0 : i32
    %add3A_1 = arith.addi %add3A, %mul3A_0 : i32
    %mul3A_2 = arith.constant 16 : i32
    %mul3A_3 = arith.muli %arg0, %mul3A_2 : i32
    %add3A_4 = arith.addi %add3A_1, %mul3A_3 : i32
    %mul3A_5 = arith.constant 4 : i32
    %mul3A_6 = arith.muli %add3A_4, %mul3A_5 : i32
    "tpu.region"() ({
      %run_scoped3A = memref.alloca() : memref<2x128x128xi32, #tpu.memory_space<vmem>>
      %run_scoped3A_7 = tpu.sem_alloc : memref<2x!tpu.dma_semaphore, #tpu.memory_space<semaphore_mem>>
      %run_scoped3A_8 = memref.alloca() : memref<2x1x128xi32, #tpu.memory_space<vmem>>
      %run_scoped3A_9 = tpu.sem_alloc : memref<2x!tpu.dma_semaphore, #tpu.memory_space<semaphore_mem>>
      %add3A_10 = arith.constant 0 : i32
      %add3A_11 = arith.addi %add3A_10, %mul3A_6 : i32
      %select_n3A = arith.constant true
      %select_n3A_12 = arith.constant 0 : i32
      %select_n3A_13 = arith.constant -1 : i32
      %select_n3A_14 = arith.select %select_n3A, %select_n3A_13, %select_n3A_12 : i32
      %eq3A = arith.constant -1 : i32
      %eq3A_15 = arith.cmpi eq, %select_n3A_14, %eq3A : i32
      %select_n3A_16 = arith.constant 3 : i32
      %select_n3A_17 = arith.select %eq3A_15, %select_n3A_16, %select_n3A_14 : i32
      %add3A_18 = arith.addi %select_n3A_17, %mul3A_6 : i32
      %select_n3A_19 = arith.constant true
      %select_n3A_20 = arith.constant 0 : i32
      %select_n3A_21 = arith.constant 1 : i32
      %select_n3A_22 = arith.select %select_n3A_19, %select_n3A_21, %select_n3A_20 : i32
      %eq3A_23 = arith.constant 4 : i32
      %eq3A_24 = arith.cmpi eq, %select_n3A_22, %eq3A_23 : i32
      %select_n3A_25 = arith.constant 0 : i32
      %select_n3A_26 = arith.select %eq3A_24, %select_n3A_25, %select_n3A_22 : i32
      %add3A_27 = arith.addi %select_n3A_26, %mul3A_6 : i32
      %add3A_28 = arith.constant 1 : i32
      %add3A_29 = arith.addi %select_n3A_26, %add3A_28 : i32
      %select_n3A_30 = arith.constant true
      %select_n3A_31 = arith.select %select_n3A_30, %add3A_29, %select_n3A_26 : i32
      %eq3A_32 = arith.constant 4 : i32
      %eq3A_33 = arith.cmpi eq, %select_n3A_31, %eq3A_32 : i32
      %select_n3A_34 = arith.constant 0 : i32
      %select_n3A_35 = arith.select %eq3A_33, %select_n3A_34, %select_n3A_31 : i32
      %add3A_36 = arith.addi %select_n3A_35, %mul3A_6 : i32
      "tpu.trace_start"() <{level = 10 : i32, message = "ep_initialize_0"}> : () -> ()
      %rem3A = arith.constant 0 : i32
      %rem3A_37 = arith.constant 2 : i32
      %rem3A_38 = arith.remui %rem3A, %rem3A_37 : i32
      %rem3A_39 = arith.constant 64 : i32
      %rem3A_40 = arith.remsi %add3A_11, %rem3A_39 : i32
      %mul3A_41 = arith.constant 128 : i32
      %mul3A_42 = arith.muli %mul3A_41, %rem3A_40 : i32
      %dma_start3A = arith.constant 0 : i32
      %dma_start3A_43 = arith.constant 0 : i32
      %dma_start3A_44 = tpu.memref_slice %run_scoped3A[%rem3A_38, %dma_start3A, %dma_start3A_43] : memref<2x128x128xi32, #tpu.memory_space<vmem>> -> memref<1x128x128xi32, #tpu.memory_space<vmem>>
      %dma_start3A_45 = tpu.memref_squeeze %dma_start3A_44 : memref<1x128x128xi32, #tpu.memory_space<vmem>> -> memref<128x128xi32, #tpu.memory_space<vmem>>
      %dma_start3A_46 = arith.constant 0 : i32
      %dma_start3A_47 = tpu.memref_slice %arg2[%mul3A_42, %dma_start3A_46] : memref<8192x128xi32, #tpu.memory_space<hbm>> -> memref<128x128xi32, #tpu.memory_space<hbm>>
      %dma_start3A_48 = tpu.memref_slice %run_scoped3A_7[%rem3A_38] : memref<2x!tpu.dma_semaphore, #tpu.memory_space<semaphore_mem>> -> memref<1x!tpu.dma_semaphore, #tpu.memory_space<semaphore_mem>>
      %dma_start3A_49 = tpu.memref_squeeze %dma_start3A_48 : memref<1x!tpu.dma_semaphore, #tpu.memory_space<semaphore_mem>> -> memref<!tpu.dma_semaphore, #tpu.memory_space<semaphore_mem>>
      %dma_start3A_50 = arith.constant 0 : i32
      %dma_start3A_51 = arith.constant 0 : i32
      %dma_start3A_52 = tpu.memref_slice %run_scoped3A[%rem3A_38, %dma_start3A_50, %dma_start3A_51] : memref<2x128x128xi32, #tpu.memory_space<vmem>> -> memref<1x128x128xi32, #tpu.memory_space<vmem>>
      %dma_start3A_53 = tpu.memref_squeeze %dma_start3A_52 : memref<1x128x128xi32, #tpu.memory_space<vmem>> -> memref<128x128xi32, #tpu.memory_space<vmem>>
      %dma_start3A_54 = arith.constant 0 : i32
      %dma_start3A_55 = tpu.memref_slice %arg2[%mul3A_42, %dma_start3A_54] : memref<8192x128xi32, #tpu.memory_space<hbm>> -> memref<128x128xi32, #tpu.memory_space<hbm>>
      tpu.enqueue_dma source(%dma_start3A_55 : memref<128x128xi32, #tpu.memory_space<hbm>>) target(%dma_start3A_53 : memref<128x128xi32, #tpu.memory_space<vmem>>) target_semaphore(%dma_start3A_49 : memref<!tpu.dma_semaphore, #tpu.memory_space<semaphore_mem>>)
      %add3A_56 = arith.constant 0 : i32
      %add3A_57 = arith.constant 1 : i32
      %add3A_58 = arith.addi %add3A_56, %add3A_57 : i32
      %select_n3A_59 = arith.constant true
      %select_n3A_60 = arith.constant 0 : i32
      %select_n3A_61 = arith.select %select_n3A_59, %add3A_58, %select_n3A_60 : i32
      %rem3A_62 = arith.constant 0 : i32
      %rem3A_63 = arith.constant 2 : i32
      %rem3A_64 = arith.remui %rem3A_62, %rem3A_63 : i32
      %mul3A_65 = arith.constant 128 : i32
      %mul3A_66 = arith.muli %mul3A_65, %add3A_11 : i32
      %dma_start3A_67 = arith.constant 0 : i32
      %dma_start3A_68 = arith.constant 0 : i32
      %dma_start3A_69 = tpu.memref_slice %run_scoped3A_8[%rem3A_64, %dma_start3A_67, %dma_start3A_68] : memref<2x1x128xi32, #tpu.memory_space<vmem>> -> memref<1x1x128xi32, #tpu.memory_space<vmem>>
      %dma_start3A_70 = tpu.memref_squeeze %dma_start3A_69 : memref<1x1x128xi32, #tpu.memory_space<vmem>> -> memref<1x128xi32, #tpu.memory_space<vmem>>
      %dma_start3A_71 = arith.constant 0 : i32
      %dma_start3A_72 = tpu.memref_slice %arg3[%dma_start3A_71, %mul3A_66] : memref<1x16384xi32, #tpu.memory_space<hbm>> -> memref<1x128xi32, #tpu.memory_space<hbm>>
      %dma_start3A_73 = tpu.memref_slice %run_scoped3A_9[%rem3A_64] : memref<2x!tpu.dma_semaphore, #tpu.memory_space<semaphore_mem>> -> memref<1x!tpu.dma_semaphore, #tpu.memory_space<semaphore_mem>>
      %dma_start3A_74 = tpu.memref_squeeze %dma_start3A_73 : memref<1x!tpu.dma_semaphore, #tpu.memory_space<semaphore_mem>> -> memref<!tpu.dma_semaphore, #tpu.memory_space<semaphore_mem>>
      %dma_start3A_75 = arith.constant 0 : i32
      %dma_start3A_76 = arith.constant 0 : i32
      %dma_start3A_77 = tpu.memref_slice %run_scoped3A_8[%rem3A_64, %dma_start3A_75, %dma_start3A_76] : memref<2x1x128xi32, #tpu.memory_space<vmem>> -> memref<1x1x128xi32, #tpu.memory_space<vmem>>
      %dma_start3A_78 = tpu.memref_squeeze %dma_start3A_77 : memref<1x1x128xi32, #tpu.memory_space<vmem>> -> memref<1x128xi32, #tpu.memory_space<vmem>>
      %dma_start3A_79 = arith.constant 0 : i32
      %dma_start3A_80 = tpu.memref_slice %arg3[%dma_start3A_79, %mul3A_66] : memref<1x16384xi32, #tpu.memory_space<hbm>> -> memref<1x128xi32, #tpu.memory_space<hbm>>
      tpu.enqueue_dma source(%dma_start3A_80 : memref<1x128xi32, #tpu.memory_space<hbm>>) target(%dma_start3A_78 : memref<1x128xi32, #tpu.memory_space<vmem>>) target_semaphore(%dma_start3A_74 : memref<!tpu.dma_semaphore, #tpu.memory_space<semaphore_mem>>)
      %add3A_81 = arith.constant 0 : i32
      %add3A_82 = arith.constant 1 : i32
      %add3A_83 = arith.addi %add3A_81, %add3A_82 : i32
      %select_n3A_84 = arith.constant true
      %select_n3A_85 = arith.constant 0 : i32
      %select_n3A_86 = arith.select %select_n3A_84, %add3A_83, %select_n3A_85 : i32
      "tpu.trace_stop"() : () -> ()
      %scan3A = arith.constant 0 : i32
      %scan3A_87 = arith.constant 0 : i32
      %scan3A_88 = arith.constant 0 : i32
      %scan3A_89 = arith.constant 0 : i32
      %scan3A_90 = arith.constant 4 : i32
      %scan3A_91 = arith.addi %scan3A_89, %scan3A_90 : i32
      %scan3A_92 = arith.constant 1 : i32
      %scan3A_93:5 = scf.for %scan3A_130 = %scan3A_89 to %scan3A_91 step %scan3A_92 iter_args(%scan3A_131 = %select_n3A_61, %scan3A_132 = %scan3A, %scan3A_133 = %select_n3A_86, %scan3A_134 = %scan3A_87, %scan3A_135 = %scan3A_88) -> (i32, i32, i32, i32, i32)  : i32 {
        %eq3A_136 = arith.constant 0 : i32
        %eq3A_137 = arith.cmpi eq, %scan3A_130, %eq3A_136 : i32
        %eq3A_138 = arith.constant 3 : i32
        %eq3A_139 = arith.cmpi eq, %scan3A_130, %eq3A_138 : i32
        %add3A_140 = arith.addi %scan3A_135, %mul3A_6 : i32
        %sub3A_141 = arith.constant 1 : i32
        %sub3A_142 = arith.subi %scan3A_135, %sub3A_141 : i32
        %select_n3A_143 = arith.constant true
        %select_n3A_144 = arith.select %select_n3A_143, %sub3A_142, %scan3A_135 : i32
        %eq3A_145 = arith.constant -1 : i32
        %eq3A_146 = arith.cmpi eq, %select_n3A_144, %eq3A_145 : i32
        %select_n3A_147 = arith.constant 3 : i32
        %select_n3A_148 = arith.select %eq3A_146, %select_n3A_147, %select_n3A_144 : i32
        %add3A_149 = arith.addi %select_n3A_148, %mul3A_6 : i32
        %add3A_150 = arith.constant 1 : i32
        %add3A_151 = arith.addi %scan3A_135, %add3A_150 : i32
        %select_n3A_152 = arith.constant true
        %select_n3A_153 = arith.select %select_n3A_152, %add3A_151, %scan3A_135 : i32
        %eq3A_154 = arith.constant 4 : i32
        %eq3A_155 = arith.cmpi eq, %select_n3A_153, %eq3A_154 : i32
        %select_n3A_156 = arith.constant 0 : i32
        %select_n3A_157 = arith.select %eq3A_155, %select_n3A_156, %select_n3A_153 : i32
        %add3A_158 = arith.addi %select_n3A_157, %mul3A_6 : i32
        %add3A_159 = arith.constant 1 : i32
        %add3A_160 = arith.addi %select_n3A_157, %add3A_159 : i32
        %select_n3A_161 = arith.constant true
        %select_n3A_162 = arith.select %select_n3A_161, %add3A_160, %select_n3A_157 : i32
        %eq3A_163 = arith.constant 4 : i32
        %eq3A_164 = arith.cmpi eq, %select_n3A_162, %eq3A_163 : i32
        %select_n3A_165 = arith.constant 0 : i32
        %select_n3A_166 = arith.select %eq3A_164, %select_n3A_165, %select_n3A_162 : i32
        %add3A_167 = arith.addi %select_n3A_166, %mul3A_6 : i32
        %rem3A_168 = arith.constant 64 : i32
        %rem3A_169 = arith.remsi %add3A_140, %rem3A_168 : i32
        %rem3A_170 = arith.constant 64 : i32
        %rem3A_171 = arith.remsi %add3A_158, %rem3A_170 : i32
        %ne3A = arith.cmpi ne, %rem3A_169, %rem3A_171 : i32
        %or3A = arith.constant false
        %or3A_172 = arith.ori %or3A, %ne3A : i1
        %or3A_173 = arith.constant false
        %or3A_174 = arith.ori %or3A_172, %or3A_173 : i1
        %ge3A = arith.constant 3 : i32
        %ge3A_175 = arith.cmpi sge, %scan3A_130, %ge3A : i32
        %not3A = arith.constant true
        %not3A_176 = arith.xori %ge3A_175, %not3A : i1
        %and3A = arith.andi %or3A_174, %not3A_176 : i1
        %convert_element_type3A = arith.extui %and3A : i1 to i32
        %cond3A = arith.constant 0 : i32
        %cond3A_177 = arith.cmpi ne, %convert_element_type3A, %cond3A : i32
        scf.if %cond3A_177 {
          "tpu.trace_start"() <{level = 10 : i32, message = "ep_copy_in"}> : () -> ()
          %rem3A_304 = arith.constant 2 : i32
          %rem3A_305 = arith.remui %scan3A_131, %rem3A_304 : i32
          %rem3A_306 = arith.constant 64 : i32
          %rem3A_307 = arith.remsi %add3A_158, %rem3A_306 : i32
          %mul3A_308 = arith.constant 128 : i32
          %mul3A_309 = arith.muli %mul3A_308, %rem3A_307 : i32
          %dma_start3A_310 = arith.constant 0 : i32
          %dma_start3A_311 = arith.constant 0 : i32
          %dma_start3A_312 = tpu.memref_slice %run_scoped3A[%rem3A_305, %dma_start3A_310, %dma_start3A_311] : memref<2x128x128xi32, #tpu.memory_space<vmem>> -> memref<1x128x128xi32, #tpu.memory_space<vmem>>
          %dma_start3A_313 = tpu.memref_squeeze %dma_start3A_312 : memref<1x128x128xi32, #tpu.memory_space<vmem>> -> memref<128x128xi32, #tpu.memory_space<vmem>>
          %dma_start3A_314 = arith.constant 0 : i32
          %dma_start3A_315 = tpu.memref_slice %arg2[%mul3A_309, %dma_start3A_314] : memref<8192x128xi32, #tpu.memory_space<hbm>> -> memref<128x128xi32, #tpu.memory_space<hbm>>
          %dma_start3A_316 = tpu.memref_slice %run_scoped3A_7[%rem3A_305] : memref<2x!tpu.dma_semaphore, #tpu.memory_space<semaphore_mem>> -> memref<1x!tpu.dma_semaphore, #tpu.memory_space<semaphore_mem>>
          %dma_start3A_317 = tpu.memref_squeeze %dma_start3A_316 : memref<1x!tpu.dma_semaphore, #tpu.memory_space<semaphore_mem>> -> memref<!tpu.dma_semaphore, #tpu.memory_space<semaphore_mem>>
          %dma_start3A_318 = arith.constant 0 : i32
          %dma_start3A_319 = arith.constant 0 : i32
          %dma_start3A_320 = tpu.memref_slice %run_scoped3A[%rem3A_305, %dma_start3A_318, %dma_start3A_319] : memref<2x128x128xi32, #tpu.memory_space<vmem>> -> memref<1x128x128xi32, #tpu.memory_space<vmem>>
          %dma_start3A_321 = tpu.memref_squeeze %dma_start3A_320 : memref<1x128x128xi32, #tpu.memory_space<vmem>> -> memref<128x128xi32, #tpu.memory_space<vmem>>
          %dma_start3A_322 = arith.constant 0 : i32
          %dma_start3A_323 = tpu.memref_slice %arg2[%mul3A_309, %dma_start3A_322] : memref<8192x128xi32, #tpu.memory_space<hbm>> -> memref<128x128xi32, #tpu.memory_space<hbm>>
          tpu.enqueue_dma source(%dma_start3A_323 : memref<128x128xi32, #tpu.memory_space<hbm>>) target(%dma_start3A_321 : memref<128x128xi32, #tpu.memory_space<vmem>>) target_semaphore(%dma_start3A_317 : memref<!tpu.dma_semaphore, #tpu.memory_space<semaphore_mem>>)
          "tpu.trace_stop"() : () -> ()
        } else {
        }
        %and3A_178 = arith.constant true
        %and3A_179 = arith.andi %and3A, %and3A_178 : i1
        %add3A_180 = arith.constant 1 : i32
        %add3A_181 = arith.addi %scan3A_131, %add3A_180 : i32
        %select_n3A_182 = arith.select %and3A_179, %add3A_181, %scan3A_131 : i32
        %ne3A_183 = arith.cmpi ne, %add3A_140, %add3A_158 : i32
        %or3A_184 = arith.constant false
        %or3A_185 = arith.ori %or3A_184, %ne3A_183 : i1
        %ge3A_186 = arith.constant 3 : i32
        %ge3A_187 = arith.cmpi sge, %scan3A_130, %ge3A_186 : i32
        %not3A_188 = arith.constant true
        %not3A_189 = arith.xori %ge3A_187, %not3A_188 : i1
        %and3A_190 = arith.andi %or3A_185, %not3A_189 : i1
        %convert_element_type3A_191 = arith.extui %and3A_190 : i1 to i32
        %cond3A_192 = arith.constant 0 : i32
        %cond3A_193 = arith.cmpi ne, %convert_element_type3A_191, %cond3A_192 : i32
        scf.if %cond3A_193 {
          "tpu.trace_start"() <{level = 10 : i32, message = "ep_copy_in"}> : () -> ()
          %rem3A_304 = arith.constant 2 : i32
          %rem3A_305 = arith.remui %scan3A_133, %rem3A_304 : i32
          %mul3A_306 = arith.constant 128 : i32
          %mul3A_307 = arith.muli %mul3A_306, %add3A_158 : i32
          %dma_start3A_308 = arith.constant 0 : i32
          %dma_start3A_309 = arith.constant 0 : i32
          %dma_start3A_310 = tpu.memref_slice %run_scoped3A_8[%rem3A_305, %dma_start3A_308, %dma_start3A_309] : memref<2x1x128xi32, #tpu.memory_space<vmem>> -> memref<1x1x128xi32, #tpu.memory_space<vmem>>
          %dma_start3A_311 = tpu.memref_squeeze %dma_start3A_310 : memref<1x1x128xi32, #tpu.memory_space<vmem>> -> memref<1x128xi32, #tpu.memory_space<vmem>>
          %dma_start3A_312 = arith.constant 0 : i32
          %dma_start3A_313 = tpu.memref_slice %arg3[%dma_start3A_312, %mul3A_307] : memref<1x16384xi32, #tpu.memory_space<hbm>> -> memref<1x128xi32, #tpu.memory_space<hbm>>
          %dma_start3A_314 = tpu.memref_slice %run_scoped3A_9[%rem3A_305] : memref<2x!tpu.dma_semaphore, #tpu.memory_space<semaphore_mem>> -> memref<1x!tpu.dma_semaphore, #tpu.memory_space<semaphore_mem>>
          %dma_start3A_315 = tpu.memref_squeeze %dma_start3A_314 : memref<1x!tpu.dma_semaphore, #tpu.memory_space<semaphore_mem>> -> memref<!tpu.dma_semaphore, #tpu.memory_space<semaphore_mem>>
          %dma_start3A_316 = arith.constant 0 : i32
          %dma_start3A_317 = arith.constant 0 : i32
          %dma_start3A_318 = tpu.memref_slice %run_scoped3A_8[%rem3A_305, %dma_start3A_316, %dma_start3A_317] : memref<2x1x128xi32, #tpu.memory_space<vmem>> -> memref<1x1x128xi32, #tpu.memory_space<vmem>>
          %dma_start3A_319 = tpu.memref_squeeze %dma_start3A_318 : memref<1x1x128xi32, #tpu.memory_space<vmem>> -> memref<1x128xi32, #tpu.memory_space<vmem>>
          %dma_start3A_320 = arith.constant 0 : i32
          %dma_start3A_321 = tpu.memref_slice %arg3[%dma_start3A_320, %mul3A_307] : memref<1x16384xi32, #tpu.memory_space<hbm>> -> memref<1x128xi32, #tpu.memory_space<hbm>>
          tpu.enqueue_dma source(%dma_start3A_321 : memref<1x128xi32, #tpu.memory_space<hbm>>) target(%dma_start3A_319 : memref<1x128xi32, #tpu.memory_space<vmem>>) target_semaphore(%dma_start3A_315 : memref<!tpu.dma_semaphore, #tpu.memory_space<semaphore_mem>>)
          "tpu.trace_stop"() : () -> ()
        } else {
        }
        %and3A_194 = arith.constant true
        %and3A_195 = arith.andi %and3A_190, %and3A_194 : i1
        %add3A_196 = arith.constant 1 : i32
        %add3A_197 = arith.addi %scan3A_133, %add3A_196 : i32
        %select_n3A_198 = arith.select %and3A_195, %add3A_197, %scan3A_133 : i32
        %rem3A_199 = arith.constant 64 : i32
        %rem3A_200 = arith.remsi %add3A_140, %rem3A_199 : i32
        %rem3A_201 = arith.constant 64 : i32
        %rem3A_202 = arith.remsi %add3A_149, %rem3A_201 : i32
        %ne3A_203 = arith.cmpi ne, %rem3A_200, %rem3A_202 : i32
        %or3A_204 = arith.constant false
        %or3A_205 = arith.ori %or3A_204, %ne3A_203 : i1
        %or3A_206 = arith.constant false
        %or3A_207 = arith.ori %or3A_205, %or3A_206 : i1
        %or3A_208 = arith.ori %or3A_207, %eq3A_137 : i1
        %convert_element_type3A_209 = arith.extui %or3A_208 : i1 to i32
        %cond3A_210 = arith.constant 0 : i32
        %cond3A_211 = arith.cmpi ne, %convert_element_type3A_209, %cond3A_210 : i32
        scf.if %cond3A_211 {
          "tpu.trace_start"() <{level = 10 : i32, message = "ep_wait_in"}> : () -> ()
          %rem3A_304 = arith.constant 64 : i32
          %rem3A_305 = arith.remsi %add3A_140, %rem3A_304 : i32
          %mul3A_306 = arith.constant 128 : i32
          %mul3A_307 = arith.muli %mul3A_306, %rem3A_305 : i32
          %rem3A_308 = arith.constant 2 : i32
          %rem3A_309 = arith.remui %scan3A_132, %rem3A_308 : i32
          %dma_wait3A = arith.constant 0 : i32
          %dma_wait3A_310 = arith.constant 0 : i32
          %dma_wait3A_311 = tpu.memref_slice %run_scoped3A[%rem3A_309, %dma_wait3A, %dma_wait3A_310] : memref<2x128x128xi32, #tpu.memory_space<vmem>> -> memref<1x128x128xi32, #tpu.memory_space<vmem>>
          %dma_wait3A_312 = tpu.memref_squeeze %dma_wait3A_311 : memref<1x128x128xi32, #tpu.memory_space<vmem>> -> memref<128x128xi32, #tpu.memory_space<vmem>>
          %dma_wait3A_313 = arith.constant 0 : i32
          %dma_wait3A_314 = tpu.memref_slice %arg2[%mul3A_307, %dma_wait3A_313] : memref<8192x128xi32, #tpu.memory_space<hbm>> -> memref<128x128xi32, #tpu.memory_space<hbm>>
          %dma_wait3A_315 = tpu.memref_slice %run_scoped3A_7[%rem3A_309] : memref<2x!tpu.dma_semaphore, #tpu.memory_space<semaphore_mem>> -> memref<1x!tpu.dma_semaphore, #tpu.memory_space<semaphore_mem>>
          %dma_wait3A_316 = tpu.memref_squeeze %dma_wait3A_315 : memref<1x!tpu.dma_semaphore, #tpu.memory_space<semaphore_mem>> -> memref<!tpu.dma_semaphore, #tpu.memory_space<semaphore_mem>>
          %dma_wait3A_317 = arith.constant 0 : i32
          %dma_wait3A_318 = arith.constant 0 : i32
          %dma_wait3A_319 = tpu.memref_slice %run_scoped3A[%rem3A_309, %dma_wait3A_317, %dma_wait3A_318] : memref<2x128x128xi32, #tpu.memory_space<vmem>> -> memref<1x128x128xi32, #tpu.memory_space<vmem>>
          %dma_wait3A_320 = tpu.memref_squeeze %dma_wait3A_319 : memref<1x128x128xi32, #tpu.memory_space<vmem>> -> memref<128x128xi32, #tpu.memory_space<vmem>>
          %dma_wait3A_321 = arith.constant 0 : i32
          %dma_wait3A_322 = tpu.memref_slice %arg2[%mul3A_307, %dma_wait3A_321] : memref<8192x128xi32, #tpu.memory_space<hbm>> -> memref<128x128xi32, #tpu.memory_space<hbm>>
          tpu.wait_dma2 semaphore(%dma_wait3A_316 : memref<!tpu.dma_semaphore, #tpu.memory_space<semaphore_mem>>) src(%dma_wait3A_322 : memref<128x128xi32, #tpu.memory_space<hbm>>) dst(%dma_wait3A_320 : memref<128x128xi32, #tpu.memory_space<vmem>>)
          "tpu.trace_stop"() : () -> ()
        } else {
        }
        %ne3A_212 = arith.cmpi ne, %add3A_140, %add3A_149 : i32
        %or3A_213 = arith.constant false
        %or3A_214 = arith.ori %or3A_213, %ne3A_212 : i1
        %or3A_215 = arith.ori %or3A_214, %eq3A_137 : i1
        %convert_element_type3A_216 = arith.extui %or3A_215 : i1 to i32
        %cond3A_217 = arith.constant 0 : i32
        %cond3A_218 = arith.cmpi ne, %convert_element_type3A_216, %cond3A_217 : i32
        scf.if %cond3A_218 {
          "tpu.trace_start"() <{level = 10 : i32, message = "ep_wait_in"}> : () -> ()
          %mul3A_304 = arith.constant 128 : i32
          %mul3A_305 = arith.muli %mul3A_304, %add3A_140 : i32
          %rem3A_306 = arith.constant 2 : i32
          %rem3A_307 = arith.remui %scan3A_134, %rem3A_306 : i32
          %dma_wait3A = arith.constant 0 : i32
          %dma_wait3A_308 = arith.constant 0 : i32
          %dma_wait3A_309 = tpu.memref_slice %run_scoped3A_8[%rem3A_307, %dma_wait3A, %dma_wait3A_308] : memref<2x1x128xi32, #tpu.memory_space<vmem>> -> memref<1x1x128xi32, #tpu.memory_space<vmem>>
          %dma_wait3A_310 = tpu.memref_squeeze %dma_wait3A_309 : memref<1x1x128xi32, #tpu.memory_space<vmem>> -> memref<1x128xi32, #tpu.memory_space<vmem>>
          %dma_wait3A_311 = arith.constant 0 : i32
          %dma_wait3A_312 = tpu.memref_slice %arg3[%dma_wait3A_311, %mul3A_305] : memref<1x16384xi32, #tpu.memory_space<hbm>> -> memref<1x128xi32, #tpu.memory_space<hbm>>
          %dma_wait3A_313 = tpu.memref_slice %run_scoped3A_9[%rem3A_307] : memref<2x!tpu.dma_semaphore, #tpu.memory_space<semaphore_mem>> -> memref<1x!tpu.dma_semaphore, #tpu.memory_space<semaphore_mem>>
          %dma_wait3A_314 = tpu.memref_squeeze %dma_wait3A_313 : memref<1x!tpu.dma_semaphore, #tpu.memory_space<semaphore_mem>> -> memref<!tpu.dma_semaphore, #tpu.memory_space<semaphore_mem>>
          %dma_wait3A_315 = arith.constant 0 : i32
          %dma_wait3A_316 = arith.constant 0 : i32
          %dma_wait3A_317 = tpu.memref_slice %run_scoped3A_8[%rem3A_307, %dma_wait3A_315, %dma_wait3A_316] : memref<2x1x128xi32, #tpu.memory_space<vmem>> -> memref<1x1x128xi32, #tpu.memory_space<vmem>>
          %dma_wait3A_318 = tpu.memref_squeeze %dma_wait3A_317 : memref<1x1x128xi32, #tpu.memory_space<vmem>> -> memref<1x128xi32, #tpu.memory_space<vmem>>
          %dma_wait3A_319 = arith.constant 0 : i32
          %dma_wait3A_320 = tpu.memref_slice %arg3[%dma_wait3A_319, %mul3A_305] : memref<1x16384xi32, #tpu.memory_space<hbm>> -> memref<1x128xi32, #tpu.memory_space<hbm>>
          tpu.wait_dma2 semaphore(%dma_wait3A_314 : memref<!tpu.dma_semaphore, #tpu.memory_space<semaphore_mem>>) src(%dma_wait3A_320 : memref<1x128xi32, #tpu.memory_space<hbm>>) dst(%dma_wait3A_318 : memref<1x128xi32, #tpu.memory_space<vmem>>)
          "tpu.trace_stop"() : () -> ()
        } else {
        }
        %rem3A_219 = arith.constant 2 : i32
        %rem3A_220 = arith.remui %scan3A_132, %rem3A_219 : i32
        %rem3A_221 = arith.constant 2 : i32
        %rem3A_222 = arith.remui %scan3A_134, %rem3A_221 : i32
        %run_scoped3A_223 = arith.constant 0 : i32
        "tpu.trace_start"() <{level = 10 : i32, message = "ep_run_kernel"}> : () -> ()
        "tpu.region"() ({
          %run_scoped3A_304 = tpu.sem_alloc : memref<!tpu.dma_semaphore, #tpu.memory_space<semaphore_mem>>
          %dma_start3A_305 = arith.constant 0 : i32
          %dma_start3A_306 = arith.constant 0 : i32
          %dma_start3A_307 = tpu.memref_slice %run_scoped3A[%rem3A_220, %dma_start3A_305, %dma_start3A_306] : memref<2x128x128xi32, #tpu.memory_space<vmem>> -> memref<1x128x128xi32, #tpu.memory_space<vmem>>
          %dma_start3A_308 = tpu.memref_squeeze %dma_start3A_307 : memref<1x128x128xi32, #tpu.memory_space<vmem>> -> memref<128x128xi32, #tpu.memory_space<vmem>>
          %dma_start3A_309 = arith.constant 0 : i32
          %dma_start3A_310 = arith.constant 0 : i32
          %dma_start3A_311 = tpu.memref_slice %run_scoped3A_8[%rem3A_222, %dma_start3A_309, %dma_start3A_310] : memref<2x1x128xi32, #tpu.memory_space<vmem>> -> memref<1x1x128xi32, #tpu.memory_space<vmem>>
          %dma_start3A_312 = tpu.memref_squeeze %dma_start3A_311 : memref<1x1x128xi32, #tpu.memory_space<vmem>> -> memref<1x128xi32, #tpu.memory_space<vmem>>
          %dma_start3A_313 = arith.constant 0 : i32
          %dma_start3A_314 = tpu.memref_slice %dma_start3A_312[%run_scoped3A_223, %dma_start3A_313] : memref<1x128xi32, #tpu.memory_space<vmem>> -> memref<1x128xi32, #tpu.memory_space<vmem>>
          %dma_start3A_315 = tpu.memref_squeeze %dma_start3A_314 : memref<1x128xi32, #tpu.memory_space<vmem>> -> memref<128xi32, #tpu.memory_space<vmem>>
          %dma_start3A_316 = arith.constant 0 : i32
          %dma_start3A_317 = arith.constant 0 : i32
          %dma_start3A_318 = tpu.memref_slice %arg4[%dma_start3A_316, %dma_start3A_317] : memref<24576x128xi32, #tpu.memory_space<hbm>> -> memref<24576x128xi32, #tpu.memory_space<hbm>>
          tpu.enqueue_indirect_dma source(%dma_start3A_308 : memref<128x128xi32, #tpu.memory_space<vmem>>) target(%dma_start3A_318 : memref<24576x128xi32, #tpu.memory_space<hbm>>) offsets(%dma_start3A_315 : memref<128xi32, #tpu.memory_space<vmem>>) semaphore(%run_scoped3A_304 : memref<!tpu.dma_semaphore, #tpu.memory_space<semaphore_mem>>)
          %dma_wait3A = arith.constant 0 : i32
          %dma_wait3A_319 = arith.constant 0 : i32
          %dma_wait3A_320 = tpu.memref_slice %run_scoped3A[%rem3A_220, %dma_wait3A, %dma_wait3A_319] : memref<2x128x128xi32, #tpu.memory_space<vmem>> -> memref<1x128x128xi32, #tpu.memory_space<vmem>>
          %dma_wait3A_321 = tpu.memref_squeeze %dma_wait3A_320 : memref<1x128x128xi32, #tpu.memory_space<vmem>> -> memref<128x128xi32, #tpu.memory_space<vmem>>
          %dma_wait3A_322 = arith.constant 0 : i32
          %dma_wait3A_323 = arith.constant 0 : i32
          %dma_wait3A_324 = tpu.memref_slice %run_scoped3A_8[%rem3A_222, %dma_wait3A_322, %dma_wait3A_323] : memref<2x1x128xi32, #tpu.memory_space<vmem>> -> memref<1x1x128xi32, #tpu.memory_space<vmem>>
          %dma_wait3A_325 = tpu.memref_squeeze %dma_wait3A_324 : memref<1x1x128xi32, #tpu.memory_space<vmem>> -> memref<1x128xi32, #tpu.memory_space<vmem>>
          %dma_wait3A_326 = arith.constant 0 : i32
          %dma_wait3A_327 = tpu.memref_slice %dma_wait3A_325[%run_scoped3A_223, %dma_wait3A_326] : memref<1x128xi32, #tpu.memory_space<vmem>> -> memref<1x128xi32, #tpu.memory_space<vmem>>
          %dma_wait3A_328 = tpu.memref_squeeze %dma_wait3A_327 : memref<1x128xi32, #tpu.memory_space<vmem>> -> memref<128xi32, #tpu.memory_space<vmem>>
          %dma_wait3A_329 = arith.constant 0 : i32
          %dma_wait3A_330 = arith.constant 0 : i32
          %dma_wait3A_331 = tpu.memref_slice %arg4[%dma_wait3A_329, %dma_wait3A_330] : memref<24576x128xi32, #tpu.memory_space<hbm>> -> memref<24576x128xi32, #tpu.memory_space<hbm>>
          tpu.wait_indirect_dma semaphore(%run_scoped3A_304 : memref<!tpu.dma_semaphore, #tpu.memory_space<semaphore_mem>>) src(%dma_wait3A_321 : memref<128x128xi32, #tpu.memory_space<vmem>>) dst(%dma_wait3A_331 : memref<24576x128xi32, #tpu.memory_space<hbm>>)
          tpu.yield
        }) : () -> ()
        "tpu.trace_stop"() : () -> ()
        %rem3A_224 = arith.constant 64 : i32
        %rem3A_225 = arith.remsi %add3A_140, %rem3A_224 : i32
        %rem3A_226 = arith.constant 64 : i32
        %rem3A_227 = arith.remsi %add3A_158, %rem3A_226 : i32
        %ne3A_228 = arith.cmpi ne, %rem3A_225, %rem3A_227 : i32
        %or3A_229 = arith.constant false
        %or3A_230 = arith.ori %or3A_229, %ne3A_228 : i1
        %or3A_231 = arith.constant false
        %or3A_232 = arith.ori %or3A_230, %or3A_231 : i1
        %or3A_233 = arith.ori %or3A_232, %eq3A_139 : i1
        %convert_element_type3A_234 = arith.extui %or3A_233 : i1 to i32
        %cond3A_235 = arith.constant 0 : i32
        %cond3A_236 = arith.cmpi ne, %convert_element_type3A_234, %cond3A_235 : i32
        scf.if %cond3A_236 {
        } else {
        }
        %and3A_237 = arith.constant false
        %and3A_238 = arith.andi %or3A_233, %and3A_237 : i1
        %ne3A_239 = arith.cmpi ne, %add3A_140, %add3A_158 : i32
        %or3A_240 = arith.constant false
        %or3A_241 = arith.ori %or3A_240, %ne3A_239 : i1
        %or3A_242 = arith.ori %or3A_241, %eq3A_139 : i1
        %convert_element_type3A_243 = arith.extui %or3A_242 : i1 to i32
        %cond3A_244 = arith.constant 0 : i32
        %cond3A_245 = arith.cmpi ne, %convert_element_type3A_243, %cond3A_244 : i32
        scf.if %cond3A_245 {
        } else {
        }
        %and3A_246 = arith.constant false
        %and3A_247 = arith.andi %or3A_242, %and3A_246 : i1
        %rem3A_248 = arith.constant 64 : i32
        %rem3A_249 = arith.remsi %add3A_140, %rem3A_248 : i32
        %rem3A_250 = arith.constant 64 : i32
        %rem3A_251 = arith.remsi %add3A_149, %rem3A_250 : i32
        %ne3A_252 = arith.cmpi ne, %rem3A_249, %rem3A_251 : i32
        %or3A_253 = arith.constant false
        %or3A_254 = arith.ori %or3A_253, %ne3A_252 : i1
        %or3A_255 = arith.constant false
        %or3A_256 = arith.ori %or3A_254, %or3A_255 : i1
        %not3A_257 = arith.constant true
        %not3A_258 = arith.xori %eq3A_137, %not3A_257 : i1
        %and3A_259 = arith.andi %or3A_256, %not3A_258 : i1
        %convert_element_type3A_260 = arith.extui %and3A_259 : i1 to i32
        %cond3A_261 = arith.constant 0 : i32
        %cond3A_262 = arith.cmpi ne, %convert_element_type3A_260, %cond3A_261 : i32
        scf.if %cond3A_262 {
        } else {
        }
        %and3A_263 = arith.constant false
        %and3A_264 = arith.andi %and3A_259, %and3A_263 : i1
        %ne3A_265 = arith.cmpi ne, %add3A_140, %add3A_149 : i32
        %or3A_266 = arith.constant false
        %or3A_267 = arith.ori %or3A_266, %ne3A_265 : i1
        %not3A_268 = arith.constant true
        %not3A_269 = arith.xori %eq3A_137, %not3A_268 : i1
        %and3A_270 = arith.andi %or3A_267, %not3A_269 : i1
        %convert_element_type3A_271 = arith.extui %and3A_270 : i1 to i32
        %cond3A_272 = arith.constant 0 : i32
        %cond3A_273 = arith.cmpi ne, %convert_element_type3A_271, %cond3A_272 : i32
        scf.if %cond3A_273 {
        } else {
        }
        %and3A_274 = arith.constant false
        %and3A_275 = arith.andi %and3A_270, %and3A_274 : i1
        %rem3A_276 = arith.constant 64 : i32
        %rem3A_277 = arith.remsi %add3A_140, %rem3A_276 : i32
        %rem3A_278 = arith.constant 64 : i32
        %rem3A_279 = arith.remsi %add3A_158, %rem3A_278 : i32
        %ne3A_280 = arith.cmpi ne, %rem3A_277, %rem3A_279 : i32
        %or3A_281 = arith.constant false
        %or3A_282 = arith.ori %or3A_281, %ne3A_280 : i1
        %or3A_283 = arith.constant false
        %or3A_284 = arith.ori %or3A_282, %or3A_283 : i1
        %or3A_285 = arith.ori %or3A_284, %eq3A_139 : i1
        %add3A_286 = arith.constant 1 : i32
        %add3A_287 = arith.addi %scan3A_132, %add3A_286 : i32
        %select_n3A_288 = arith.select %or3A_285, %add3A_287, %scan3A_132 : i32
        %ne3A_289 = arith.cmpi ne, %add3A_140, %add3A_158 : i32
        %or3A_290 = arith.constant false
        %or3A_291 = arith.ori %or3A_290, %ne3A_289 : i1
        %or3A_292 = arith.ori %or3A_291, %eq3A_139 : i1
        %add3A_293 = arith.constant 1 : i32
        %add3A_294 = arith.addi %scan3A_134, %add3A_293 : i32
        %select_n3A_295 = arith.select %or3A_292, %add3A_294, %scan3A_134 : i32
        %add3A_296 = arith.constant 1 : i32
        %add3A_297 = arith.addi %scan3A_135, %add3A_296 : i32
        %select_n3A_298 = arith.constant true
        %select_n3A_299 = arith.select %select_n3A_298, %add3A_297, %scan3A_135 : i32
        %eq3A_300 = arith.constant 4 : i32
        %eq3A_301 = arith.cmpi eq, %select_n3A_299, %eq3A_300 : i32
        %select_n3A_302 = arith.constant 0 : i32
        %select_n3A_303 = arith.select %eq3A_301, %select_n3A_302, %select_n3A_299 : i32
        scf.yield %select_n3A_182, %select_n3A_288, %select_n3A_198, %select_n3A_295, %select_n3A_303 : i32, i32, i32, i32, i32
      }
      %scan3A_94 = arith.constant 4 : i32
      %sub3A = arith.constant 1 : i32
      %sub3A_95 = arith.subi %scan3A_93#4, %sub3A : i32
      %select_n3A_96 = arith.constant true
      %select_n3A_97 = arith.select %select_n3A_96, %sub3A_95, %scan3A_93#4 : i32
      %eq3A_98 = arith.constant -1 : i32
      %eq3A_99 = arith.cmpi eq, %select_n3A_97, %eq3A_98 : i32
      %select_n3A_100 = arith.constant 3 : i32
      %select_n3A_101 = arith.select %eq3A_99, %select_n3A_100, %select_n3A_97 : i32
      %add3A_102 = arith.addi %select_n3A_101, %mul3A_6 : i32
      %sub3A_103 = arith.constant 1 : i32
      %sub3A_104 = arith.subi %select_n3A_101, %sub3A_103 : i32
      %select_n3A_105 = arith.constant true
      %select_n3A_106 = arith.select %select_n3A_105, %sub3A_104, %select_n3A_101 : i32
      %eq3A_107 = arith.constant -1 : i32
      %eq3A_108 = arith.cmpi eq, %select_n3A_106, %eq3A_107 : i32
      %select_n3A_109 = arith.constant 3 : i32
      %select_n3A_110 = arith.select %eq3A_108, %select_n3A_109, %select_n3A_106 : i32
      %add3A_111 = arith.addi %select_n3A_110, %mul3A_6 : i32
      %add3A_112 = arith.constant 1 : i32
      %add3A_113 = arith.addi %select_n3A_101, %add3A_112 : i32
      %select_n3A_114 = arith.constant true
      %select_n3A_115 = arith.select %select_n3A_114, %add3A_113, %select_n3A_101 : i32
      %eq3A_116 = arith.constant 4 : i32
      %eq3A_117 = arith.cmpi eq, %select_n3A_115, %eq3A_116 : i32
      %select_n3A_118 = arith.constant 0 : i32
      %select_n3A_119 = arith.select %eq3A_117, %select_n3A_118, %select_n3A_115 : i32
      %add3A_120 = arith.addi %select_n3A_119, %mul3A_6 : i32
      %add3A_121 = arith.constant 1 : i32
      %add3A_122 = arith.addi %select_n3A_119, %add3A_121 : i32
      %select_n3A_123 = arith.constant true
      %select_n3A_124 = arith.select %select_n3A_123, %add3A_122, %select_n3A_119 : i32
      %eq3A_125 = arith.constant 4 : i32
      %eq3A_126 = arith.cmpi eq, %select_n3A_124, %eq3A_125 : i32
      %select_n3A_127 = arith.constant 0 : i32
      %select_n3A_128 = arith.select %eq3A_126, %select_n3A_127, %select_n3A_124 : i32
      %add3A_129 = arith.addi %select_n3A_128, %mul3A_6 : i32
      tpu.yield
    }) : () -> ()
    return
  }
}

#map = affine_map<(d0, d1) -> (0, 0)>
module attributes {stable_mosaic.version = 14 : i64} {
  func.func @k(%arg0: i32, %arg1: i32, %arg2: memref<49152x128xi32, #tpu.memory_space<hbm>>, %arg3: memref<1x32768xi32, #tpu.memory_space<hbm>>, %arg4: memref<32768x128xi32, #tpu.memory_space<hbm>>) attributes {dimension_semantics = [#tpu.dimension_semantics<core_parallel>, #tpu.dimension_semantics<subcore_parallel>], iteration_bounds = array<i64: 2, 16>, scalar_prefetch = 0 : i64, scratch_operands = 0 : i64, tpu.core_type = #tpu.core_type<sc_vector_subcore>, window_params = [{transform_indices = #map}, {transform_indices = #map}, {transform_indices = #map}]} {
    %mul3A = arith.constant 1 : i32
    %mul3A_0 = arith.muli %arg1, %mul3A : i32
    %add3A = arith.constant 0 : i32
    %add3A_1 = arith.addi %add3A, %mul3A_0 : i32
    %mul3A_2 = arith.constant 16 : i32
    %mul3A_3 = arith.muli %arg0, %mul3A_2 : i32
    %add3A_4 = arith.addi %add3A_1, %mul3A_3 : i32
    %mul3A_5 = arith.constant 8 : i32
    %mul3A_6 = arith.muli %add3A_4, %mul3A_5 : i32
    "tpu.region"() ({
      %run_scoped3A = memref.alloca() : memref<2x1x128xi32, #tpu.memory_space<vmem>>
      %run_scoped3A_7 = tpu.sem_alloc : memref<2x!tpu.dma_semaphore, #tpu.memory_space<semaphore_mem>>
      %run_scoped3A_8 = memref.alloca() : memref<2x128x128xi32, #tpu.memory_space<vmem>>
      %run_scoped3A_9 = tpu.sem_alloc : memref<2x!tpu.dma_semaphore, #tpu.memory_space<semaphore_mem>>
      %add3A_10 = arith.constant 0 : i32
      %add3A_11 = arith.addi %add3A_10, %mul3A_6 : i32
      %select_n3A = arith.constant true
      %select_n3A_12 = arith.constant 0 : i32
      %select_n3A_13 = arith.constant -1 : i32
      %select_n3A_14 = arith.select %select_n3A, %select_n3A_13, %select_n3A_12 : i32
      %eq3A = arith.constant -1 : i32
      %eq3A_15 = arith.cmpi eq, %select_n3A_14, %eq3A : i32
      %select_n3A_16 = arith.constant 7 : i32
      %select_n3A_17 = arith.select %eq3A_15, %select_n3A_16, %select_n3A_14 : i32
      %add3A_18 = arith.addi %select_n3A_17, %mul3A_6 : i32
      %select_n3A_19 = arith.constant true
      %select_n3A_20 = arith.constant 0 : i32
      %select_n3A_21 = arith.constant 1 : i32
      %select_n3A_22 = arith.select %select_n3A_19, %select_n3A_21, %select_n3A_20 : i32
      %eq3A_23 = arith.constant 8 : i32
      %eq3A_24 = arith.cmpi eq, %select_n3A_22, %eq3A_23 : i32
      %select_n3A_25 = arith.constant 0 : i32
      %select_n3A_26 = arith.select %eq3A_24, %select_n3A_25, %select_n3A_22 : i32
      %add3A_27 = arith.addi %select_n3A_26, %mul3A_6 : i32
      %add3A_28 = arith.constant 1 : i32
      %add3A_29 = arith.addi %select_n3A_26, %add3A_28 : i32
      %select_n3A_30 = arith.constant true
      %select_n3A_31 = arith.select %select_n3A_30, %add3A_29, %select_n3A_26 : i32
      %eq3A_32 = arith.constant 8 : i32
      %eq3A_33 = arith.cmpi eq, %select_n3A_31, %eq3A_32 : i32
      %select_n3A_34 = arith.constant 0 : i32
      %select_n3A_35 = arith.select %eq3A_33, %select_n3A_34, %select_n3A_31 : i32
      %add3A_36 = arith.addi %select_n3A_35, %mul3A_6 : i32
      "tpu.trace_start"() <{level = 10 : i32, message = "ep_initialize_0"}> : () -> ()
      %rem3A = arith.constant 0 : i32
      %rem3A_37 = arith.constant 2 : i32
      %rem3A_38 = arith.remui %rem3A, %rem3A_37 : i32
      %mul3A_39 = arith.constant 128 : i32
      %mul3A_40 = arith.muli %mul3A_39, %add3A_11 : i32
      %dma_start3A = arith.constant 0 : i32
      %dma_start3A_41 = arith.constant 0 : i32
      %dma_start3A_42 = tpu.memref_slice %run_scoped3A[%rem3A_38, %dma_start3A, %dma_start3A_41] : memref<2x1x128xi32, #tpu.memory_space<vmem>> -> memref<1x1x128xi32, #tpu.memory_space<vmem>>
      %dma_start3A_43 = tpu.memref_squeeze %dma_start3A_42 : memref<1x1x128xi32, #tpu.memory_space<vmem>> -> memref<1x128xi32, #tpu.memory_space<vmem>>
      %dma_start3A_44 = arith.constant 0 : i32
      %dma_start3A_45 = tpu.memref_slice %arg3[%dma_start3A_44, %mul3A_40] : memref<1x32768xi32, #tpu.memory_space<hbm>> -> memref<1x128xi32, #tpu.memory_space<hbm>>
      %dma_start3A_46 = tpu.memref_slice %run_scoped3A_7[%rem3A_38] : memref<2x!tpu.dma_semaphore, #tpu.memory_space<semaphore_mem>> -> memref<1x!tpu.dma_semaphore, #tpu.memory_space<semaphore_mem>>
      %dma_start3A_47 = tpu.memref_squeeze %dma_start3A_46 : memref<1x!tpu.dma_semaphore, #tpu.memory_space<semaphore_mem>> -> memref<!tpu.dma_semaphore, #tpu.memory_space<semaphore_mem>>
      %dma_start3A_48 = arith.constant 0 : i32
      %dma_start3A_49 = arith.constant 0 : i32
      %dma_start3A_50 = tpu.memref_slice %run_scoped3A[%rem3A_38, %dma_start3A_48, %dma_start3A_49] : memref<2x1x128xi32, #tpu.memory_space<vmem>> -> memref<1x1x128xi32, #tpu.memory_space<vmem>>
      %dma_start3A_51 = tpu.memref_squeeze %dma_start3A_50 : memref<1x1x128xi32, #tpu.memory_space<vmem>> -> memref<1x128xi32, #tpu.memory_space<vmem>>
      %dma_start3A_52 = arith.constant 0 : i32
      %dma_start3A_53 = tpu.memref_slice %arg3[%dma_start3A_52, %mul3A_40] : memref<1x32768xi32, #tpu.memory_space<hbm>> -> memref<1x128xi32, #tpu.memory_space<hbm>>
      tpu.enqueue_dma source(%dma_start3A_53 : memref<1x128xi32, #tpu.memory_space<hbm>>) target(%dma_start3A_51 : memref<1x128xi32, #tpu.memory_space<vmem>>) target_semaphore(%dma_start3A_47 : memref<!tpu.dma_semaphore, #tpu.memory_space<semaphore_mem>>)
      %add3A_54 = arith.constant 0 : i32
      %add3A_55 = arith.constant 1 : i32
      %add3A_56 = arith.addi %add3A_54, %add3A_55 : i32
      %select_n3A_57 = arith.constant true
      %select_n3A_58 = arith.constant 0 : i32
      %select_n3A_59 = arith.select %select_n3A_57, %add3A_56, %select_n3A_58 : i32
      "tpu.trace_stop"() : () -> ()
      %scan3A = arith.constant 0 : i32
      %scan3A_60 = arith.constant 0 : i32
      %scan3A_61 = arith.constant 0 : i32
      %scan3A_62 = arith.constant 0 : i32
      %scan3A_63 = arith.constant 0 : i32
      %scan3A_64 = arith.constant 8 : i32
      %scan3A_65 = arith.addi %scan3A_63, %scan3A_64 : i32
      %scan3A_66 = arith.constant 1 : i32
      %scan3A_67:5 = scf.for %scan3A_121 = %scan3A_63 to %scan3A_65 step %scan3A_66 iter_args(%scan3A_122 = %select_n3A_59, %scan3A_123 = %scan3A, %scan3A_124 = %scan3A_60, %scan3A_125 = %scan3A_61, %scan3A_126 = %scan3A_62) -> (i32, i32, i32, i32, i32)  : i32 {
        %eq3A_127 = arith.constant 0 : i32
        %eq3A_128 = arith.cmpi eq, %scan3A_121, %eq3A_127 : i32
        %eq3A_129 = arith.constant 7 : i32
        %eq3A_130 = arith.cmpi eq, %scan3A_121, %eq3A_129 : i32
        %add3A_131 = arith.addi %scan3A_126, %mul3A_6 : i32
        %sub3A_132 = arith.constant 1 : i32
        %sub3A_133 = arith.subi %scan3A_126, %sub3A_132 : i32
        %select_n3A_134 = arith.constant true
        %select_n3A_135 = arith.select %select_n3A_134, %sub3A_133, %scan3A_126 : i32
        %eq3A_136 = arith.constant -1 : i32
        %eq3A_137 = arith.cmpi eq, %select_n3A_135, %eq3A_136 : i32
        %select_n3A_138 = arith.constant 7 : i32
        %select_n3A_139 = arith.select %eq3A_137, %select_n3A_138, %select_n3A_135 : i32
        %add3A_140 = arith.addi %select_n3A_139, %mul3A_6 : i32
        %add3A_141 = arith.constant 1 : i32
        %add3A_142 = arith.addi %scan3A_126, %add3A_141 : i32
        %select_n3A_143 = arith.constant true
        %select_n3A_144 = arith.select %select_n3A_143, %add3A_142, %scan3A_126 : i32
        %eq3A_145 = arith.constant 8 : i32
        %eq3A_146 = arith.cmpi eq, %select_n3A_144, %eq3A_145 : i32
        %select_n3A_147 = arith.constant 0 : i32
        %select_n3A_148 = arith.select %eq3A_146, %select_n3A_147, %select_n3A_144 : i32
        %add3A_149 = arith.addi %select_n3A_148, %mul3A_6 : i32
        %add3A_150 = arith.constant 1 : i32
        %add3A_151 = arith.addi %select_n3A_148, %add3A_150 : i32
        %select_n3A_152 = arith.constant true
        %select_n3A_153 = arith.select %select_n3A_152, %add3A_151, %select_n3A_148 : i32
        %eq3A_154 = arith.constant 8 : i32
        %eq3A_155 = arith.cmpi eq, %select_n3A_153, %eq3A_154 : i32
        %select_n3A_156 = arith.constant 0 : i32
        %select_n3A_157 = arith.select %eq3A_155, %select_n3A_156, %select_n3A_153 : i32
        %add3A_158 = arith.addi %select_n3A_157, %mul3A_6 : i32
        %ne3A = arith.cmpi ne, %add3A_131, %add3A_149 : i32
        %or3A = arith.constant false
        %or3A_159 = arith.ori %or3A, %ne3A : i1
        %ge3A = arith.constant 7 : i32
        %ge3A_160 = arith.cmpi sge, %scan3A_121, %ge3A : i32
        %not3A = arith.constant true
        %not3A_161 = arith.xori %ge3A_160, %not3A : i1
        %and3A = arith.andi %or3A_159, %not3A_161 : i1
        %convert_element_type3A = arith.extui %and3A : i1 to i32
        %cond3A = arith.constant 0 : i32
        %cond3A_162 = arith.cmpi ne, %convert_element_type3A, %cond3A : i32
        scf.if %cond3A_162 {
          "tpu.trace_start"() <{level = 10 : i32, message = "ep_copy_in"}> : () -> ()
          %rem3A_264 = arith.constant 2 : i32
          %rem3A_265 = arith.remui %scan3A_122, %rem3A_264 : i32
          %mul3A_266 = arith.constant 128 : i32
          %mul3A_267 = arith.muli %mul3A_266, %add3A_149 : i32
          %dma_start3A_268 = arith.constant 0 : i32
          %dma_start3A_269 = arith.constant 0 : i32
          %dma_start3A_270 = tpu.memref_slice %run_scoped3A[%rem3A_265, %dma_start3A_268, %dma_start3A_269] : memref<2x1x128xi32, #tpu.memory_space<vmem>> -> memref<1x1x128xi32, #tpu.memory_space<vmem>>
          %dma_start3A_271 = tpu.memref_squeeze %dma_start3A_270 : memref<1x1x128xi32, #tpu.memory_space<vmem>> -> memref<1x128xi32, #tpu.memory_space<vmem>>
          %dma_start3A_272 = arith.constant 0 : i32
          %dma_start3A_273 = tpu.memref_slice %arg3[%dma_start3A_272, %mul3A_267] : memref<1x32768xi32, #tpu.memory_space<hbm>> -> memref<1x128xi32, #tpu.memory_space<hbm>>
          %dma_start3A_274 = tpu.memref_slice %run_scoped3A_7[%rem3A_265] : memref<2x!tpu.dma_semaphore, #tpu.memory_space<semaphore_mem>> -> memref<1x!tpu.dma_semaphore, #tpu.memory_space<semaphore_mem>>
          %dma_start3A_275 = tpu.memref_squeeze %dma_start3A_274 : memref<1x!tpu.dma_semaphore, #tpu.memory_space<semaphore_mem>> -> memref<!tpu.dma_semaphore, #tpu.memory_space<semaphore_mem>>
          %dma_start3A_276 = arith.constant 0 : i32
          %dma_start3A_277 = arith.constant 0 : i32
          %dma_start3A_278 = tpu.memref_slice %run_scoped3A[%rem3A_265, %dma_start3A_276, %dma_start3A_277] : memref<2x1x128xi32, #tpu.memory_space<vmem>> -> memref<1x1x128xi32, #tpu.memory_space<vmem>>
          %dma_start3A_279 = tpu.memref_squeeze %dma_start3A_278 : memref<1x1x128xi32, #tpu.memory_space<vmem>> -> memref<1x128xi32, #tpu.memory_space<vmem>>
          %dma_start3A_280 = arith.constant 0 : i32
          %dma_start3A_281 = tpu.memref_slice %arg3[%dma_start3A_280, %mul3A_267] : memref<1x32768xi32, #tpu.memory_space<hbm>> -> memref<1x128xi32, #tpu.memory_space<hbm>>
          tpu.enqueue_dma source(%dma_start3A_281 : memref<1x128xi32, #tpu.memory_space<hbm>>) target(%dma_start3A_279 : memref<1x128xi32, #tpu.memory_space<vmem>>) target_semaphore(%dma_start3A_275 : memref<!tpu.dma_semaphore, #tpu.memory_space<semaphore_mem>>)
          "tpu.trace_stop"() : () -> ()
        } else {
        }
        %and3A_163 = arith.constant true
        %and3A_164 = arith.andi %and3A, %and3A_163 : i1
        %add3A_165 = arith.constant 1 : i32
        %add3A_166 = arith.addi %scan3A_122, %add3A_165 : i32
        %select_n3A_167 = arith.select %and3A_164, %add3A_166, %scan3A_122 : i32
        %ne3A_168 = arith.cmpi ne, %add3A_131, %add3A_149 : i32
        %or3A_169 = arith.constant false
        %or3A_170 = arith.ori %or3A_169, %ne3A_168 : i1
        %or3A_171 = arith.constant false
        %or3A_172 = arith.ori %or3A_170, %or3A_171 : i1
        %ge3A_173 = arith.constant 7 : i32
        %ge3A_174 = arith.cmpi sge, %scan3A_121, %ge3A_173 : i32
        %not3A_175 = arith.constant true
        %not3A_176 = arith.xori %ge3A_174, %not3A_175 : i1
        %and3A_177 = arith.andi %or3A_172, %not3A_176 : i1
        %ne3A_178 = arith.cmpi ne, %add3A_131, %add3A_140 : i32
        %or3A_179 = arith.constant false
        %or3A_180 = arith.ori %or3A_179, %ne3A_178 : i1
        %or3A_181 = arith.ori %or3A_180, %eq3A_128 : i1
        %convert_element_type3A_182 = arith.extui %or3A_181 : i1 to i32
        %cond3A_183 = arith.constant 0 : i32
        %cond3A_184 = arith.cmpi ne, %convert_element_type3A_182, %cond3A_183 : i32
        scf.if %cond3A_184 {
          "tpu.trace_start"() <{level = 10 : i32, message = "ep_wait_in"}> : () -> ()
          %mul3A_264 = arith.constant 128 : i32
          %mul3A_265 = arith.muli %mul3A_264, %add3A_131 : i32
          %rem3A_266 = arith.constant 2 : i32
          %rem3A_267 = arith.remui %scan3A_123, %rem3A_266 : i32
          %dma_wait3A_268 = arith.constant 0 : i32
          %dma_wait3A_269 = arith.constant 0 : i32
          %dma_wait3A_270 = tpu.memref_slice %run_scoped3A[%rem3A_267, %dma_wait3A_268, %dma_wait3A_269] : memref<2x1x128xi32, #tpu.memory_space<vmem>> -> memref<1x1x128xi32, #tpu.memory_space<vmem>>
          %dma_wait3A_271 = tpu.memref_squeeze %dma_wait3A_270 : memref<1x1x128xi32, #tpu.memory_space<vmem>> -> memref<1x128xi32, #tpu.memory_space<vmem>>
          %dma_wait3A_272 = arith.constant 0 : i32
          %dma_wait3A_273 = tpu.memref_slice %arg3[%dma_wait3A_272, %mul3A_265] : memref<1x32768xi32, #tpu.memory_space<hbm>> -> memref<1x128xi32, #tpu.memory_space<hbm>>
          %dma_wait3A_274 = tpu.memref_slice %run_scoped3A_7[%rem3A_267] : memref<2x!tpu.dma_semaphore, #tpu.memory_space<semaphore_mem>> -> memref<1x!tpu.dma_semaphore, #tpu.memory_space<semaphore_mem>>
          %dma_wait3A_275 = tpu.memref_squeeze %dma_wait3A_274 : memref<1x!tpu.dma_semaphore, #tpu.memory_space<semaphore_mem>> -> memref<!tpu.dma_semaphore, #tpu.memory_space<semaphore_mem>>
          %dma_wait3A_276 = arith.constant 0 : i32
          %dma_wait3A_277 = arith.constant 0 : i32
          %dma_wait3A_278 = tpu.memref_slice %run_scoped3A[%rem3A_267, %dma_wait3A_276, %dma_wait3A_277] : memref<2x1x128xi32, #tpu.memory_space<vmem>> -> memref<1x1x128xi32, #tpu.memory_space<vmem>>
          %dma_wait3A_279 = tpu.memref_squeeze %dma_wait3A_278 : memref<1x1x128xi32, #tpu.memory_space<vmem>> -> memref<1x128xi32, #tpu.memory_space<vmem>>
          %dma_wait3A_280 = arith.constant 0 : i32
          %dma_wait3A_281 = tpu.memref_slice %arg3[%dma_wait3A_280, %mul3A_265] : memref<1x32768xi32, #tpu.memory_space<hbm>> -> memref<1x128xi32, #tpu.memory_space<hbm>>
          tpu.wait_dma2 semaphore(%dma_wait3A_275 : memref<!tpu.dma_semaphore, #tpu.memory_space<semaphore_mem>>) src(%dma_wait3A_281 : memref<1x128xi32, #tpu.memory_space<hbm>>) dst(%dma_wait3A_279 : memref<1x128xi32, #tpu.memory_space<vmem>>)
          "tpu.trace_stop"() : () -> ()
        } else {
        }
        %ne3A_185 = arith.cmpi ne, %add3A_131, %add3A_140 : i32
        %or3A_186 = arith.constant false
        %or3A_187 = arith.ori %or3A_186, %ne3A_185 : i1
        %or3A_188 = arith.constant false
        %or3A_189 = arith.ori %or3A_187, %or3A_188 : i1
        %or3A_190 = arith.ori %or3A_189, %eq3A_128 : i1
        %convert_element_type3A_191 = arith.extui %or3A_190 : i1 to i32
        %cond3A_192 = arith.constant 0 : i32
        %cond3A_193 = arith.cmpi ne, %convert_element_type3A_191, %cond3A_192 : i32
        scf.if %cond3A_193 {
        } else {
        }
        %rem3A_194 = arith.constant 2 : i32
        %rem3A_195 = arith.remui %scan3A_123, %rem3A_194 : i32
        %rem3A_196 = arith.constant 2 : i32
        %rem3A_197 = arith.remui %scan3A_124, %rem3A_196 : i32
        %run_scoped3A_198 = arith.constant 0 : i32
        "tpu.trace_start"() <{level = 10 : i32, message = "ep_run_kernel"}> : () -> ()
        "tpu.region"() ({
          %run_scoped3A_264 = tpu.sem_alloc : memref<!tpu.dma_semaphore, #tpu.memory_space<semaphore_mem>>
          %dma_start3A_265 = arith.constant 0 : i32
          %dma_start3A_266 = arith.constant 0 : i32
          %dma_start3A_267 = tpu.memref_slice %run_scoped3A_8[%rem3A_197, %dma_start3A_265, %dma_start3A_266] : memref<2x128x128xi32, #tpu.memory_space<vmem>> -> memref<1x128x128xi32, #tpu.memory_space<vmem>>
          %dma_start3A_268 = tpu.memref_squeeze %dma_start3A_267 : memref<1x128x128xi32, #tpu.memory_space<vmem>> -> memref<128x128xi32, #tpu.memory_space<vmem>>
          %dma_start3A_269 = arith.constant 0 : i32
          %dma_start3A_270 = arith.constant 0 : i32
          %dma_start3A_271 = tpu.memref_slice %run_scoped3A[%rem3A_195, %dma_start3A_269, %dma_start3A_270] : memref<2x1x128xi32, #tpu.memory_space<vmem>> -> memref<1x1x128xi32, #tpu.memory_space<vmem>>
          %dma_start3A_272 = tpu.memref_squeeze %dma_start3A_271 : memref<1x1x128xi32, #tpu.memory_space<vmem>> -> memref<1x128xi32, #tpu.memory_space<vmem>>
          %dma_start3A_273 = arith.constant 0 : i32
          %dma_start3A_274 = tpu.memref_slice %dma_start3A_272[%run_scoped3A_198, %dma_start3A_273] : memref<1x128xi32, #tpu.memory_space<vmem>> -> memref<1x128xi32, #tpu.memory_space<vmem>>
          %dma_start3A_275 = tpu.memref_squeeze %dma_start3A_274 : memref<1x128xi32, #tpu.memory_space<vmem>> -> memref<128xi32, #tpu.memory_space<vmem>>
          %dma_start3A_276 = arith.constant 0 : i32
          %dma_start3A_277 = arith.constant 0 : i32
          %dma_start3A_278 = tpu.memref_slice %arg2[%dma_start3A_276, %dma_start3A_277] : memref<49152x128xi32, #tpu.memory_space<hbm>> -> memref<49152x128xi32, #tpu.memory_space<hbm>>
          tpu.enqueue_indirect_dma source(%dma_start3A_278 : memref<49152x128xi32, #tpu.memory_space<hbm>>) target(%dma_start3A_268 : memref<128x128xi32, #tpu.memory_space<vmem>>) offsets(%dma_start3A_275 : memref<128xi32, #tpu.memory_space<vmem>>) semaphore(%run_scoped3A_264 : memref<!tpu.dma_semaphore, #tpu.memory_space<semaphore_mem>>)
          %dma_wait3A_279 = arith.constant 0 : i32
          %dma_wait3A_280 = arith.constant 0 : i32
          %dma_wait3A_281 = tpu.memref_slice %run_scoped3A_8[%rem3A_197, %dma_wait3A_279, %dma_wait3A_280] : memref<2x128x128xi32, #tpu.memory_space<vmem>> -> memref<1x128x128xi32, #tpu.memory_space<vmem>>
          %dma_wait3A_282 = tpu.memref_squeeze %dma_wait3A_281 : memref<1x128x128xi32, #tpu.memory_space<vmem>> -> memref<128x128xi32, #tpu.memory_space<vmem>>
          %dma_wait3A_283 = arith.constant 0 : i32
          %dma_wait3A_284 = arith.constant 0 : i32
          %dma_wait3A_285 = tpu.memref_slice %run_scoped3A[%rem3A_195, %dma_wait3A_283, %dma_wait3A_284] : memref<2x1x128xi32, #tpu.memory_space<vmem>> -> memref<1x1x128xi32, #tpu.memory_space<vmem>>
          %dma_wait3A_286 = tpu.memref_squeeze %dma_wait3A_285 : memref<1x1x128xi32, #tpu.memory_space<vmem>> -> memref<1x128xi32, #tpu.memory_space<vmem>>
          %dma_wait3A_287 = arith.constant 0 : i32
          %dma_wait3A_288 = tpu.memref_slice %dma_wait3A_286[%run_scoped3A_198, %dma_wait3A_287] : memref<1x128xi32, #tpu.memory_space<vmem>> -> memref<1x128xi32, #tpu.memory_space<vmem>>
          %dma_wait3A_289 = tpu.memref_squeeze %dma_wait3A_288 : memref<1x128xi32, #tpu.memory_space<vmem>> -> memref<128xi32, #tpu.memory_space<vmem>>
          %dma_wait3A_290 = arith.constant 0 : i32
          %dma_wait3A_291 = arith.constant 0 : i32
          %dma_wait3A_292 = tpu.memref_slice %arg2[%dma_wait3A_290, %dma_wait3A_291] : memref<49152x128xi32, #tpu.memory_space<hbm>> -> memref<49152x128xi32, #tpu.memory_space<hbm>>
          tpu.wait_indirect_dma semaphore(%run_scoped3A_264 : memref<!tpu.dma_semaphore, #tpu.memory_space<semaphore_mem>>) src(%dma_wait3A_292 : memref<49152x128xi32, #tpu.memory_space<hbm>>) dst(%dma_wait3A_282 : memref<128x128xi32, #tpu.memory_space<vmem>>)
          tpu.yield
        }) : () -> ()
        "tpu.trace_stop"() : () -> ()
        %ne3A_199 = arith.cmpi ne, %add3A_131, %add3A_149 : i32
        %or3A_200 = arith.constant false
        %or3A_201 = arith.ori %or3A_200, %ne3A_199 : i1
        %or3A_202 = arith.ori %or3A_201, %eq3A_130 : i1
        %convert_element_type3A_203 = arith.extui %or3A_202 : i1 to i32
        %cond3A_204 = arith.constant 0 : i32
        %cond3A_205 = arith.cmpi ne, %convert_element_type3A_203, %cond3A_204 : i32
        scf.if %cond3A_205 {
        } else {
        }
        %and3A_206 = arith.constant false
        %and3A_207 = arith.andi %or3A_202, %and3A_206 : i1
        %ne3A_208 = arith.cmpi ne, %add3A_131, %add3A_149 : i32
        %or3A_209 = arith.constant false
        %or3A_210 = arith.ori %or3A_209, %ne3A_208 : i1
        %or3A_211 = arith.constant false
        %or3A_212 = arith.ori %or3A_210, %or3A_211 : i1
        %or3A_213 = arith.ori %or3A_212, %eq3A_130 : i1
        %convert_element_type3A_214 = arith.extui %or3A_213 : i1 to i32
        %cond3A_215 = arith.constant 0 : i32
        %cond3A_216 = arith.cmpi ne, %convert_element_type3A_214, %cond3A_215 : i32
        scf.if %cond3A_216 {
          "tpu.trace_start"() <{level = 10 : i32, message = "ep_copy_out"}> : () -> ()
          %rem3A_264 = arith.constant 2 : i32
          %rem3A_265 = arith.remui %scan3A_124, %rem3A_264 : i32
          %mul3A_266 = arith.constant 128 : i32
          %mul3A_267 = arith.muli %mul3A_266, %add3A_131 : i32
          %dma_start3A_268 = arith.constant 0 : i32
          %dma_start3A_269 = arith.constant 0 : i32
          %dma_start3A_270 = tpu.memref_slice %run_scoped3A_8[%rem3A_265, %dma_start3A_268, %dma_start3A_269] : memref<2x128x128xi32, #tpu.memory_space<vmem>> -> memref<1x128x128xi32, #tpu.memory_space<vmem>>
          %dma_start3A_271 = tpu.memref_squeeze %dma_start3A_270 : memref<1x128x128xi32, #tpu.memory_space<vmem>> -> memref<128x128xi32, #tpu.memory_space<vmem>>
          %dma_start3A_272 = arith.constant 0 : i32
          %dma_start3A_273 = tpu.memref_slice %arg4[%mul3A_267, %dma_start3A_272] : memref<32768x128xi32, #tpu.memory_space<hbm>> -> memref<128x128xi32, #tpu.memory_space<hbm>>
          %dma_start3A_274 = tpu.memref_slice %run_scoped3A_9[%rem3A_265] : memref<2x!tpu.dma_semaphore, #tpu.memory_space<semaphore_mem>> -> memref<1x!tpu.dma_semaphore, #tpu.memory_space<semaphore_mem>>
          %dma_start3A_275 = tpu.memref_squeeze %dma_start3A_274 : memref<1x!tpu.dma_semaphore, #tpu.memory_space<semaphore_mem>> -> memref<!tpu.dma_semaphore, #tpu.memory_space<semaphore_mem>>
          %dma_start3A_276 = arith.constant 0 : i32
          %dma_start3A_277 = tpu.memref_slice %arg4[%mul3A_267, %dma_start3A_276] : memref<32768x128xi32, #tpu.memory_space<hbm>> -> memref<128x128xi32, #tpu.memory_space<hbm>>
          %dma_start3A_278 = arith.constant 0 : i32
          %dma_start3A_279 = arith.constant 0 : i32
          %dma_start3A_280 = tpu.memref_slice %run_scoped3A_8[%rem3A_265, %dma_start3A_278, %dma_start3A_279] : memref<2x128x128xi32, #tpu.memory_space<vmem>> -> memref<1x128x128xi32, #tpu.memory_space<vmem>>
          %dma_start3A_281 = tpu.memref_squeeze %dma_start3A_280 : memref<1x128x128xi32, #tpu.memory_space<vmem>> -> memref<128x128xi32, #tpu.memory_space<vmem>>
          tpu.enqueue_dma source(%dma_start3A_281 : memref<128x128xi32, #tpu.memory_space<vmem>>) target(%dma_start3A_277 : memref<128x128xi32, #tpu.memory_space<hbm>>) target_semaphore(%dma_start3A_275 : memref<!tpu.dma_semaphore, #tpu.memory_space<semaphore_mem>>)
          "tpu.trace_stop"() : () -> ()
        } else {
        }
        %and3A_217 = arith.constant true
        %and3A_218 = arith.andi %or3A_213, %and3A_217 : i1
        %add3A_219 = arith.constant 1 : i32
        %add3A_220 = arith.addi %scan3A_124, %add3A_219 : i32
        %select_n3A_221 = arith.select %and3A_218, %add3A_220, %scan3A_124 : i32
        %ne3A_222 = arith.cmpi ne, %add3A_131, %add3A_140 : i32
        %or3A_223 = arith.constant false
        %or3A_224 = arith.ori %or3A_223, %ne3A_222 : i1
        %not3A_225 = arith.constant true
        %not3A_226 = arith.xori %eq3A_128, %not3A_225 : i1
        %and3A_227 = arith.andi %or3A_224, %not3A_226 : i1
        %convert_element_type3A_228 = arith.extui %and3A_227 : i1 to i32
        %cond3A_229 = arith.constant 0 : i32
        %cond3A_230 = arith.cmpi ne, %convert_element_type3A_228, %cond3A_229 : i32
        scf.if %cond3A_230 {
        } else {
        }
        %and3A_231 = arith.constant false
        %and3A_232 = arith.andi %and3A_227, %and3A_231 : i1
        %ne3A_233 = arith.cmpi ne, %add3A_131, %add3A_140 : i32
        %or3A_234 = arith.constant false
        %or3A_235 = arith.ori %or3A_234, %ne3A_233 : i1
        %or3A_236 = arith.constant false
        %or3A_237 = arith.ori %or3A_235, %or3A_236 : i1
        %not3A_238 = arith.constant true
        %not3A_239 = arith.xori %eq3A_128, %not3A_238 : i1
        %and3A_240 = arith.andi %or3A_237, %not3A_239 : i1
        %convert_element_type3A_241 = arith.extui %and3A_240 : i1 to i32
        %cond3A_242 = arith.constant 0 : i32
        %cond3A_243 = arith.cmpi ne, %convert_element_type3A_241, %cond3A_242 : i32
        scf.if %cond3A_243 {
          "tpu.trace_start"() <{level = 10 : i32, message = "ep_wait_out"}> : () -> ()
          %rem3A_264 = arith.constant 2 : i32
          %rem3A_265 = arith.remui %scan3A_125, %rem3A_264 : i32
          %mul3A_266 = arith.constant 128 : i32
          %mul3A_267 = arith.muli %mul3A_266, %add3A_140 : i32
          %dma_wait3A_268 = arith.constant 0 : i32
          %dma_wait3A_269 = arith.constant 0 : i32
          %dma_wait3A_270 = tpu.memref_slice %run_scoped3A_8[%rem3A_265, %dma_wait3A_268, %dma_wait3A_269] : memref<2x128x128xi32, #tpu.memory_space<vmem>> -> memref<1x128x128xi32, #tpu.memory_space<vmem>>
          %dma_wait3A_271 = tpu.memref_squeeze %dma_wait3A_270 : memref<1x128x128xi32, #tpu.memory_space<vmem>> -> memref<128x128xi32, #tpu.memory_space<vmem>>
          %dma_wait3A_272 = arith.constant 0 : i32
          %dma_wait3A_273 = tpu.memref_slice %arg4[%mul3A_267, %dma_wait3A_272] : memref<32768x128xi32, #tpu.memory_space<hbm>> -> memref<128x128xi32, #tpu.memory_space<hbm>>
          %dma_wait3A_274 = tpu.memref_slice %run_scoped3A_9[%rem3A_265] : memref<2x!tpu.dma_semaphore, #tpu.memory_space<semaphore_mem>> -> memref<1x!tpu.dma_semaphore, #tpu.memory_space<semaphore_mem>>
          %dma_wait3A_275 = tpu.memref_squeeze %dma_wait3A_274 : memref<1x!tpu.dma_semaphore, #tpu.memory_space<semaphore_mem>> -> memref<!tpu.dma_semaphore, #tpu.memory_space<semaphore_mem>>
          %dma_wait3A_276 = arith.constant 0 : i32
          %dma_wait3A_277 = tpu.memref_slice %arg4[%mul3A_267, %dma_wait3A_276] : memref<32768x128xi32, #tpu.memory_space<hbm>> -> memref<128x128xi32, #tpu.memory_space<hbm>>
          %dma_wait3A_278 = arith.constant 0 : i32
          %dma_wait3A_279 = arith.constant 0 : i32
          %dma_wait3A_280 = tpu.memref_slice %run_scoped3A_8[%rem3A_265, %dma_wait3A_278, %dma_wait3A_279] : memref<2x128x128xi32, #tpu.memory_space<vmem>> -> memref<1x128x128xi32, #tpu.memory_space<vmem>>
          %dma_wait3A_281 = tpu.memref_squeeze %dma_wait3A_280 : memref<1x128x128xi32, #tpu.memory_space<vmem>> -> memref<128x128xi32, #tpu.memory_space<vmem>>
          tpu.wait_dma2 semaphore(%dma_wait3A_275 : memref<!tpu.dma_semaphore, #tpu.memory_space<semaphore_mem>>) src(%dma_wait3A_281 : memref<128x128xi32, #tpu.memory_space<vmem>>) dst(%dma_wait3A_277 : memref<128x128xi32, #tpu.memory_space<hbm>>)
          "tpu.trace_stop"() : () -> ()
        } else {
        }
        %and3A_244 = arith.constant true
        %and3A_245 = arith.andi %and3A_240, %and3A_244 : i1
        %add3A_246 = arith.constant 1 : i32
        %add3A_247 = arith.addi %scan3A_125, %add3A_246 : i32
        %select_n3A_248 = arith.select %and3A_245, %add3A_247, %scan3A_125 : i32
        %ne3A_249 = arith.cmpi ne, %add3A_131, %add3A_149 : i32
        %or3A_250 = arith.constant false
        %or3A_251 = arith.ori %or3A_250, %ne3A_249 : i1
        %or3A_252 = arith.ori %or3A_251, %eq3A_130 : i1
        %add3A_253 = arith.constant 1 : i32
        %add3A_254 = arith.addi %scan3A_123, %add3A_253 : i32
        %select_n3A_255 = arith.select %or3A_252, %add3A_254, %scan3A_123 : i32
        %add3A_256 = arith.constant 1 : i32
        %add3A_257 = arith.addi %scan3A_126, %add3A_256 : i32
        %select_n3A_258 = arith.constant true
        %select_n3A_259 = arith.select %select_n3A_258, %add3A_257, %scan3A_126 : i32
        %eq3A_260 = arith.constant 8 : i32
        %eq3A_261 = arith.cmpi eq, %select_n3A_259, %eq3A_260 : i32
        %select_n3A_262 = arith.constant 0 : i32
        %select_n3A_263 = arith.select %eq3A_261, %select_n3A_262, %select_n3A_259 : i32
        scf.yield %select_n3A_167, %select_n3A_255, %select_n3A_221, %select_n3A_248, %select_n3A_263 : i32, i32, i32, i32, i32
      }
      %scan3A_68 = arith.constant 8 : i32
      %sub3A = arith.constant 1 : i32
      %sub3A_69 = arith.subi %scan3A_67#4, %sub3A : i32
      %select_n3A_70 = arith.constant true
      %select_n3A_71 = arith.select %select_n3A_70, %sub3A_69, %scan3A_67#4 : i32
      %eq3A_72 = arith.constant -1 : i32
      %eq3A_73 = arith.cmpi eq, %select_n3A_71, %eq3A_72 : i32
      %select_n3A_74 = arith.constant 7 : i32
      %select_n3A_75 = arith.select %eq3A_73, %select_n3A_74, %select_n3A_71 : i32
      %add3A_76 = arith.addi %select_n3A_75, %mul3A_6 : i32
      %sub3A_77 = arith.constant 1 : i32
      %sub3A_78 = arith.subi %select_n3A_75, %sub3A_77 : i32
      %select_n3A_79 = arith.constant true
      %select_n3A_80 = arith.select %select_n3A_79, %sub3A_78, %select_n3A_75 : i32
      %eq3A_81 = arith.constant -1 : i32
      %eq3A_82 = arith.cmpi eq, %select_n3A_80, %eq3A_81 : i32
      %select_n3A_83 = arith.constant 7 : i32
      %select_n3A_84 = arith.select %eq3A_82, %select_n3A_83, %select_n3A_80 : i32
      %add3A_85 = arith.addi %select_n3A_84, %mul3A_6 : i32
      %add3A_86 = arith.constant 1 : i32
      %add3A_87 = arith.addi %select_n3A_75, %add3A_86 : i32
      %select_n3A_88 = arith.constant true
      %select_n3A_89 = arith.select %select_n3A_88, %add3A_87, %select_n3A_75 : i32
      %eq3A_90 = arith.constant 8 : i32
      %eq3A_91 = arith.cmpi eq, %select_n3A_89, %eq3A_90 : i32
      %select_n3A_92 = arith.constant 0 : i32
      %select_n3A_93 = arith.select %eq3A_91, %select_n3A_92, %select_n3A_89 : i32
      %add3A_94 = arith.addi %select_n3A_93, %mul3A_6 : i32
      %add3A_95 = arith.constant 1 : i32
      %add3A_96 = arith.addi %select_n3A_93, %add3A_95 : i32
      %select_n3A_97 = arith.constant true
      %select_n3A_98 = arith.select %select_n3A_97, %add3A_96, %select_n3A_93 : i32
      %eq3A_99 = arith.constant 8 : i32
      %eq3A_100 = arith.cmpi eq, %select_n3A_98, %eq3A_99 : i32
      %select_n3A_101 = arith.constant 0 : i32
      %select_n3A_102 = arith.select %eq3A_100, %select_n3A_101, %select_n3A_98 : i32
      %add3A_103 = arith.addi %select_n3A_102, %mul3A_6 : i32
      "tpu.trace_start"() <{level = 10 : i32, message = "ep_finalize"}> : () -> ()
      %rem3A_104 = arith.constant 2 : i32
      %rem3A_105 = arith.remui %scan3A_67#3, %rem3A_104 : i32
      %mul3A_106 = arith.constant 128 : i32
      %mul3A_107 = arith.muli %mul3A_106, %add3A_76 : i32
      %dma_wait3A = arith.constant 0 : i32
      %dma_wait3A_108 = arith.constant 0 : i32
      %dma_wait3A_109 = tpu.memref_slice %run_scoped3A_8[%rem3A_105, %dma_wait3A, %dma_wait3A_108] : memref<2x128x128xi32, #tpu.memory_space<vmem>> -> memref<1x128x128xi32, #tpu.memory_space<vmem>>
      %dma_wait3A_110 = tpu.memref_squeeze %dma_wait3A_109 : memref<1x128x128xi32, #tpu.memory_space<vmem>> -> memref<128x128xi32, #tpu.memory_space<vmem>>
      %dma_wait3A_111 = arith.constant 0 : i32
      %dma_wait3A_112 = tpu.memref_slice %arg4[%mul3A_107, %dma_wait3A_111] : memref<32768x128xi32, #tpu.memory_space<hbm>> -> memref<128x128xi32, #tpu.memory_space<hbm>>
      %dma_wait3A_113 = tpu.memref_slice %run_scoped3A_9[%rem3A_105] : memref<2x!tpu.dma_semaphore, #tpu.memory_space<semaphore_mem>> -> memref<1x!tpu.dma_semaphore, #tpu.memory_space<semaphore_mem>>
      %dma_wait3A_114 = tpu.memref_squeeze %dma_wait3A_113 : memref<1x!tpu.dma_semaphore, #tpu.memory_space<semaphore_mem>> -> memref<!tpu.dma_semaphore, #tpu.memory_space<semaphore_mem>>
      %dma_wait3A_115 = arith.constant 0 : i32
      %dma_wait3A_116 = tpu.memref_slice %arg4[%mul3A_107, %dma_wait3A_115] : memref<32768x128xi32, #tpu.memory_space<hbm>> -> memref<128x128xi32, #tpu.memory_space<hbm>>
      %dma_wait3A_117 = arith.constant 0 : i32
      %dma_wait3A_118 = arith.constant 0 : i32
      %dma_wait3A_119 = tpu.memref_slice %run_scoped3A_8[%rem3A_105, %dma_wait3A_117, %dma_wait3A_118] : memref<2x128x128xi32, #tpu.memory_space<vmem>> -> memref<1x128x128xi32, #tpu.memory_space<vmem>>
      %dma_wait3A_120 = tpu.memref_squeeze %dma_wait3A_119 : memref<1x128x128xi32, #tpu.memory_space<vmem>> -> memref<128x128xi32, #tpu.memory_space<vmem>>
      tpu.wait_dma2 semaphore(%dma_wait3A_114 : memref<!tpu.dma_semaphore, #tpu.memory_space<semaphore_mem>>) src(%dma_wait3A_120 : memref<128x128xi32, #tpu.memory_space<vmem>>) dst(%dma_wait3A_116 : memref<128x128xi32, #tpu.memory_space<hbm>>)
      "tpu.trace_stop"() : () -> ()
      tpu.yield
    }) : () -> ()
    return
  }
}

module attributes {stable_mosaic.version = 14 : i64} {
  func.func @_qkv_kernel(%arg0: i32, %arg1: memref<256x1024xf32, #tpu.memory_space<vmem>>, %arg2: memref<1024x3072xbf16, #tpu.memory_space<vmem>>, %arg3: memref<1x3072xf32, #tpu.memory_space<vmem>>, %arg4: memref<1x1024xf32, #tpu.memory_space<vmem>>, %arg5: memref<1x1024xf32, #tpu.memory_space<vmem>>, %arg6: memref<1x32xf32, #tpu.memory_space<vmem>>, %arg7: memref<1024x1024xbf16, #tpu.memory_space<vmem>>, %arg8: memref<256x1024xbf16, #tpu.memory_space<vmem>>, %arg9: memref<256x1024xbf16, #tpu.memory_space<vmem>>, %arg10: memref<256x1024xbf16, #tpu.memory_space<vmem>>) attributes {dimension_semantics = [#tpu.dimension_semantics<arbitrary>], iteration_bounds = array<i64: 8>, scalar_prefetch = 0 : i64, scratch_operands = 0 : i64, tpu.core_type = #tpu.core_type<tc>, window_params = [{transform_indices = @transform_0, window_bounds = array<i64: 256, 1024>}, {pipeline_mode = #tpu.pipeline_mode<synchronous>, transform_indices = @transform_1, window_bounds = array<i64: 1024, 3072>}, {pipeline_mode = #tpu.pipeline_mode<synchronous>, transform_indices = @transform_2, window_bounds = array<i64: 1, 3072>}, {pipeline_mode = #tpu.pipeline_mode<synchronous>, transform_indices = @transform_3, window_bounds = array<i64: 1, 1024>}, {pipeline_mode = #tpu.pipeline_mode<synchronous>, transform_indices = @transform_4, window_bounds = array<i64: 1, 1024>}, {pipeline_mode = #tpu.pipeline_mode<synchronous>, transform_indices = @transform_5, window_bounds = array<i64: 1, 32>}, {pipeline_mode = #tpu.pipeline_mode<synchronous>, transform_indices = @transform_6, window_bounds = array<i64: 1024, 1024>}, {transform_indices = @transform_7, window_bounds = array<i64: 256, 1024>}, {transform_indices = @transform_8, window_bounds = array<i64: 256, 1024>}, {transform_indices = @transform_9, window_bounds = array<i64: 256, 1024>}]} {
    %get3A = arith.constant 0 : index
    %get3A_0 = arith.constant 0 : index
    %get3A_1 = vector.load %arg1[%get3A, %get3A_0] : memref<256x1024xf32, #tpu.memory_space<vmem>>, vector<256x1024xf32>
    %get3A_2 = arith.constant 0 : index
    %get3A_3 = arith.constant 0 : index
    %get3A_4 = vector.load %arg4[%get3A_2, %get3A_3] : memref<1x1024xf32, #tpu.memory_space<vmem>>, vector<1x1024xf32>
    %get3A_5 = arith.constant 0 : index
    %get3A_6 = arith.constant 0 : index
    %get3A_7 = vector.load %arg5[%get3A_5, %get3A_6] : memref<1x1024xf32, #tpu.memory_space<vmem>>, vector<1x1024xf32>
    %reduce_sum3A = arith.constant dense<0.000000e+00> : vector<256xf32>
    %reduce_sum3A_8 = vector.multi_reduction <add>, %get3A_1, %reduce_sum3A [1] : vector<256x1024xf32> to vector<256xf32>
    %broadcast_in_dim3A = vector.shape_cast %reduce_sum3A_8 : vector<256xf32> to vector<256x1xf32>
    %div3A = arith.constant 1.024000e+03 : f32
    %div3A_9 = vector.broadcast %div3A : f32 to vector<256x1xf32>
    %div3A_10 = arith.divf %broadcast_in_dim3A, %div3A_9 : vector<256x1xf32>
    %sub3A = vector.broadcast %div3A_10 : vector<256x1xf32> to vector<256x1024xf32>
    %sub3A_11 = arith.subf %get3A_1, %sub3A : vector<256x1024xf32>
    %integer_pow3A = arith.mulf %sub3A_11, %sub3A_11 : vector<256x1024xf32>
    %reduce_sum3A_12 = arith.constant dense<0.000000e+00> : vector<256xf32>
    %reduce_sum3A_13 = vector.multi_reduction <add>, %integer_pow3A, %reduce_sum3A_12 [1] : vector<256x1024xf32> to vector<256xf32>
    %broadcast_in_dim3A_14 = vector.shape_cast %reduce_sum3A_13 : vector<256xf32> to vector<256x1xf32>
    %div3A_15 = arith.constant 1.024000e+03 : f32
    %div3A_16 = vector.broadcast %div3A_15 : f32 to vector<256x1xf32>
    %div3A_17 = arith.divf %broadcast_in_dim3A_14, %div3A_16 : vector<256x1xf32>
    %sub3A_18 = vector.broadcast %div3A_10 : vector<256x1xf32> to vector<256x1024xf32>
    %sub3A_19 = arith.subf %get3A_1, %sub3A_18 : vector<256x1024xf32>
    %add3A = arith.constant 9.99999974E-6 : f32
    %add3A_20 = vector.broadcast %add3A : f32 to vector<256x1xf32>
    %add3A_21 = arith.addf %div3A_17, %add3A_20 : vector<256x1xf32>
    %sqrt3A = math.sqrt %add3A_21 : vector<256x1xf32>
    %div3A_22 = vector.broadcast %sqrt3A : vector<256x1xf32> to vector<256x1024xf32>
    %div3A_23 = arith.divf %sub3A_19, %div3A_22 : vector<256x1024xf32>
    %mul3A = vector.broadcast %get3A_4 : vector<1x1024xf32> to vector<256x1024xf32>
    %mul3A_24 = arith.mulf %div3A_23, %mul3A : vector<256x1024xf32>
    %add3A_25 = vector.broadcast %get3A_7 : vector<1x1024xf32> to vector<256x1024xf32>
    %add3A_26 = arith.addf %mul3A_24, %add3A_25 : vector<256x1024xf32>
    %get3A_27 = arith.constant 0 : index
    %get3A_28 = arith.constant 0 : index
    %get3A_29 = vector.load %arg2[%get3A_27, %get3A_28] : memref<1024x3072xbf16, #tpu.memory_space<vmem>>, vector<1024x3072xbf16>
    %convert_element_type3A = arith.truncf %add3A_26 : vector<256x1024xf32> to vector<256x1024xbf16>
    %dot_general3A = arith.constant dense<0.000000e+00> : vector<256x3072xf32>
    %dot_general3A_30 = tpu.matmul %convert_element_type3A, %get3A_29, %dot_general3A {dimension_numbers = #tpu.dot_dimension_numbers<[1], [0], [0], [1], [0, 0, 1, 1], [], []>, transpose_lhs_hint = false} : vector<256x1024xbf16>, vector<1024x3072xbf16>, vector<256x3072xf32> -> vector<256x3072xf32>
    %get3A_31 = arith.constant 0 : index
    %get3A_32 = arith.constant 0 : index
    %get3A_33 = vector.load %arg3[%get3A_31, %get3A_32] : memref<1x3072xf32, #tpu.memory_space<vmem>>, vector<1x3072xf32>
    %add3A_34 = vector.broadcast %get3A_33 : vector<1x3072xf32> to vector<256x3072xf32>
    %add3A_35 = arith.addf %dot_general3A_30, %add3A_34 : vector<256x3072xf32>
    %slice3A = vector.extract_strided_slice %add3A_35 {offsets = [0, 0], sizes = [256, 1024], strides = [1, 1]} : vector<256x3072xf32> to vector<256x1024xf32>
    %slice3A_36 = vector.extract_strided_slice %add3A_35 {offsets = [0, 1024], sizes = [256, 1024], strides = [1, 1]} : vector<256x3072xf32> to vector<256x1024xf32>
    %slice3A_37 = vector.extract_strided_slice %add3A_35 {offsets = [0, 2048], sizes = [256, 1024], strides = [1, 1]} : vector<256x3072xf32> to vector<256x1024xf32>
    %mul3A_38 = arith.constant 256 : i32
    %mul3A_39 = arith.muli %arg0, %mul3A_38 : i32
    %iota3A = tpu.iota {dimensions = array<i32: 0>} : vector<256x32xi32>
    %add3A_40 = vector.broadcast %mul3A_39 : i32 to vector<256x32xi32>
    %add3A_41 = arith.addi %add3A_40, %iota3A : vector<256x32xi32>
    %convert_element_type3A_42 = arith.sitofp %add3A_41 : vector<256x32xi32> to vector<256x32xf32>
    %get3A_43 = arith.constant 0 : index
    %get3A_44 = arith.constant 0 : index
    %get3A_45 = vector.load %arg6[%get3A_43, %get3A_44] : memref<1x32xf32, #tpu.memory_space<vmem>>, vector<1x32xf32>
    %mul3A_46 = vector.broadcast %get3A_45 : vector<1x32xf32> to vector<256x32xf32>
    %mul3A_47 = arith.mulf %convert_element_type3A_42, %mul3A_46 : vector<256x32xf32>
    %cos3A = math.cos %mul3A_47 : vector<256x32xf32>
    %sin3A = math.sin %mul3A_47 : vector<256x32xf32>
    %concatenate3A = tpu.concatenate %cos3A, %cos3A in 1 : vector<256x32xf32>, vector<256x32xf32> -> vector<256x64xf32>
    %concatenate3A_48 = tpu.concatenate %sin3A, %sin3A in 1 : vector<256x32xf32>, vector<256x32xf32> -> vector<256x64xf32>
    %concatenate3A_49 = tpu.concatenate %concatenate3A, %concatenate3A, %concatenate3A, %concatenate3A, %concatenate3A, %concatenate3A, %concatenate3A, %concatenate3A, %concatenate3A, %concatenate3A, %concatenate3A, %concatenate3A, %concatenate3A, %concatenate3A, %concatenate3A, %concatenate3A in 1 : vector<256x64xf32>, vector<256x64xf32>, vector<256x64xf32>, vector<256x64xf32>, vector<256x64xf32>, vector<256x64xf32>, vector<256x64xf32>, vector<256x64xf32>, vector<256x64xf32>, vector<256x64xf32>, vector<256x64xf32>, vector<256x64xf32>, vector<256x64xf32>, vector<256x64xf32>, vector<256x64xf32>, vector<256x64xf32> -> vector<256x1024xf32>
    %concatenate3A_50 = tpu.concatenate %concatenate3A_48, %concatenate3A_48, %concatenate3A_48, %concatenate3A_48, %concatenate3A_48, %concatenate3A_48, %concatenate3A_48, %concatenate3A_48, %concatenate3A_48, %concatenate3A_48, %concatenate3A_48, %concatenate3A_48, %concatenate3A_48, %concatenate3A_48, %concatenate3A_48, %concatenate3A_48 in 1 : vector<256x64xf32>, vector<256x64xf32>, vector<256x64xf32>, vector<256x64xf32>, vector<256x64xf32>, vector<256x64xf32>, vector<256x64xf32>, vector<256x64xf32>, vector<256x64xf32>, vector<256x64xf32>, vector<256x64xf32>, vector<256x64xf32>, vector<256x64xf32>, vector<256x64xf32>, vector<256x64xf32>, vector<256x64xf32> -> vector<256x1024xf32>
    %get3A_51 = arith.constant 0 : index
    %get3A_52 = arith.constant 0 : index
    %get3A_53 = vector.load %arg7[%get3A_51, %get3A_52] : memref<1024x1024xbf16, #tpu.memory_space<vmem>>, vector<1024x1024xbf16>
    %convert_element_type3A_54 = arith.truncf %slice3A : vector<256x1024xf32> to vector<256x1024xbf16>
    %dot_general3A_55 = arith.constant dense<0.000000e+00> : vector<256x1024xf32>
    %dot_general3A_56 = tpu.matmul %convert_element_type3A_54, %get3A_53, %dot_general3A_55 {dimension_numbers = #tpu.dot_dimension_numbers<[1], [0], [0], [1], [0, 0, 1, 1], [], []>, transpose_lhs_hint = false} : vector<256x1024xbf16>, vector<1024x1024xbf16>, vector<256x1024xf32> -> vector<256x1024xf32>
    %convert_element_type3A_57 = arith.truncf %slice3A_36 : vector<256x1024xf32> to vector<256x1024xbf16>
    %dot_general3A_58 = arith.constant dense<0.000000e+00> : vector<256x1024xf32>
    %dot_general3A_59 = tpu.matmul %convert_element_type3A_57, %get3A_53, %dot_general3A_58 {dimension_numbers = #tpu.dot_dimension_numbers<[1], [0], [0], [1], [0, 0, 1, 1], [], []>, transpose_lhs_hint = false} : vector<256x1024xbf16>, vector<1024x1024xbf16>, vector<256x1024xf32> -> vector<256x1024xf32>
    %mul3A_60 = arith.mulf %slice3A, %concatenate3A_49 : vector<256x1024xf32>
    %mul3A_61 = arith.mulf %dot_general3A_56, %concatenate3A_50 : vector<256x1024xf32>
    %add3A_62 = arith.addf %mul3A_60, %mul3A_61 : vector<256x1024xf32>
    %convert_element_type3A_63 = arith.truncf %add3A_62 : vector<256x1024xf32> to vector<256x1024xbf16>
    %mul3A_64 = arith.mulf %slice3A_36, %concatenate3A_49 : vector<256x1024xf32>
    %mul3A_65 = arith.mulf %dot_general3A_59, %concatenate3A_50 : vector<256x1024xf32>
    %add3A_66 = arith.addf %mul3A_64, %mul3A_65 : vector<256x1024xf32>
    %convert_element_type3A_67 = arith.truncf %add3A_66 : vector<256x1024xf32> to vector<256x1024xbf16>
    %slice3A_68 = vector.extract_strided_slice %get3A_29 {offsets = [0, 0], sizes = [1024, 1024], strides = [1, 1]} : vector<1024x3072xbf16> to vector<1024x1024xbf16>
    %dot_general3A_69 = arith.constant dense<0.000000e+00> : vector<256x1024xf32>
    %dot_general3A_70 = tpu.matmul %convert_element_type3A_63, %slice3A_68, %dot_general3A_69 {dimension_numbers = #tpu.dot_dimension_numbers<[1], [0], [0], [1], [0, 0, 1, 1], [], []>, transpose_lhs_hint = false} : vector<256x1024xbf16>, vector<1024x1024xbf16>, vector<256x1024xf32> -> vector<256x1024xf32>
    %get3A_71 = arith.constant 0 : index
    %get3A_72 = arith.constant 0 : index
    %get3A_73 = vector.load %arg3[%get3A_71, %get3A_72] : memref<1x3072xf32, #tpu.memory_space<vmem>>, vector<1x1024xf32>
    %add3A_74 = vector.broadcast %get3A_73 : vector<1x1024xf32> to vector<256x1024xf32>
    %add3A_75 = arith.addf %dot_general3A_70, %add3A_74 : vector<256x1024xf32>
    %convert_element_type3A_76 = arith.truncf %add3A_75 : vector<256x1024xf32> to vector<256x1024xbf16>
    %swap3A = arith.constant 0 : index
    %swap3A_77 = arith.constant 0 : index
    %swap3A_78 = vector.load %arg8[%swap3A, %swap3A_77] : memref<256x1024xbf16, #tpu.memory_space<vmem>>, vector<256x1024xbf16>
    tpu.vector_store %arg8[%swap3A, %swap3A_77], %convert_element_type3A_76 {strides = array<i32>} : memref<256x1024xbf16, #tpu.memory_space<vmem>>, vector<256x1024xbf16>,
    %slice3A_79 = vector.extract_strided_slice %get3A_29 {offsets = [0, 1024], sizes = [1024, 1024], strides = [1, 1]} : vector<1024x3072xbf16> to vector<1024x1024xbf16>
    %dot_general3A_80 = arith.constant dense<0.000000e+00> : vector<256x1024xf32>
    %dot_general3A_81 = tpu.matmul %convert_element_type3A_67, %slice3A_79, %dot_general3A_80 {dimension_numbers = #tpu.dot_dimension_numbers<[1], [0], [0], [1], [0, 0, 1, 1], [], []>, transpose_lhs_hint = false} : vector<256x1024xbf16>, vector<1024x1024xbf16>, vector<256x1024xf32> -> vector<256x1024xf32>
    %get3A_82 = arith.constant 0 : index
    %get3A_83 = arith.constant 1024 : index
    %get3A_84 = vector.load %arg3[%get3A_82, %get3A_83] : memref<1x3072xf32, #tpu.memory_space<vmem>>, vector<1x1024xf32>
    %add3A_85 = vector.broadcast %get3A_84 : vector<1x1024xf32> to vector<256x1024xf32>
    %add3A_86 = arith.addf %dot_general3A_81, %add3A_85 : vector<256x1024xf32>
    %convert_element_type3A_87 = arith.truncf %add3A_86 : vector<256x1024xf32> to vector<256x1024xbf16>
    %swap3A_88 = arith.constant 0 : index
    %swap3A_89 = arith.constant 0 : index
    %swap3A_90 = vector.load %arg9[%swap3A_88, %swap3A_89] : memref<256x1024xbf16, #tpu.memory_space<vmem>>, vector<256x1024xbf16>
    tpu.vector_store %arg9[%swap3A_88, %swap3A_89], %convert_element_type3A_87 {strides = array<i32>} : memref<256x1024xbf16, #tpu.memory_space<vmem>>, vector<256x1024xbf16>,
    %convert_element_type3A_91 = arith.truncf %slice3A_37 : vector<256x1024xf32> to vector<256x1024xbf16>
    %slice3A_92 = vector.extract_strided_slice %get3A_29 {offsets = [0, 2048], sizes = [1024, 1024], strides = [1, 1]} : vector<1024x3072xbf16> to vector<1024x1024xbf16>
    %dot_general3A_93 = arith.constant dense<0.000000e+00> : vector<256x1024xf32>
    %dot_general3A_94 = tpu.matmul %convert_element_type3A_91, %slice3A_92, %dot_general3A_93 {dimension_numbers = #tpu.dot_dimension_numbers<[1], [0], [0], [1], [0, 0, 1, 1], [], []>, transpose_lhs_hint = false} : vector<256x1024xbf16>, vector<1024x1024xbf16>, vector<256x1024xf32> -> vector<256x1024xf32>
    %get3A_95 = arith.constant 0 : index
    %get3A_96 = arith.constant 2048 : index
    %get3A_97 = vector.load %arg3[%get3A_95, %get3A_96] : memref<1x3072xf32, #tpu.memory_space<vmem>>, vector<1x1024xf32>
    %add3A_98 = vector.broadcast %get3A_97 : vector<1x1024xf32> to vector<256x1024xf32>
    %add3A_99 = arith.addf %dot_general3A_94, %add3A_98 : vector<256x1024xf32>
    %convert_element_type3A_100 = arith.truncf %add3A_99 : vector<256x1024xf32> to vector<256x1024xbf16>
    %swap3A_101 = arith.constant 0 : index
    %swap3A_102 = arith.constant 0 : index
    %swap3A_103 = vector.load %arg10[%swap3A_101, %swap3A_102] : memref<256x1024xbf16, #tpu.memory_space<vmem>>, vector<256x1024xbf16>
    tpu.vector_store %arg10[%swap3A_101, %swap3A_102], %convert_element_type3A_100 {strides = array<i32>} : memref<256x1024xbf16, #tpu.memory_space<vmem>>, vector<256x1024xbf16>,
    return
  }
  func.func @transform_0(%arg0: i32) -> (i32, i32) {
    %c0_i32 = arith.constant 0 : i32
    %c0_i32_0 = arith.constant 0 : i32
    return %arg0, %c0_i32 : i32, i32
  }
  func.func @transform_1(%arg0: i32) -> (i32, i32) {
    %c0_i32 = arith.constant 0 : i32
    %c0_i32_0 = arith.constant 0 : i32
    %c0_i32_1 = arith.constant 0 : i32
    return %c0_i32, %c0_i32_0 : i32, i32
  }
  func.func @transform_2(%arg0: i32) -> (i32, i32) {
    %c0_i32 = arith.constant 0 : i32
    %c0_i32_0 = arith.constant 0 : i32
    %c0_i32_1 = arith.constant 0 : i32
    return %c0_i32, %c0_i32_0 : i32, i32
  }
  func.func @transform_3(%arg0: i32) -> (i32, i32) {
    %c0_i32 = arith.constant 0 : i32
    %c0_i32_0 = arith.constant 0 : i32
    %c0_i32_1 = arith.constant 0 : i32
    return %c0_i32, %c0_i32_0 : i32, i32
  }
  func.func @transform_4(%arg0: i32) -> (i32, i32) {
    %c0_i32 = arith.constant 0 : i32
    %c0_i32_0 = arith.constant 0 : i32
    %c0_i32_1 = arith.constant 0 : i32
    return %c0_i32, %c0_i32_0 : i32, i32
  }
  func.func @transform_5(%arg0: i32) -> (i32, i32) {
    %c0_i32 = arith.constant 0 : i32
    %c0_i32_0 = arith.constant 0 : i32
    %c0_i32_1 = arith.constant 0 : i32
    return %c0_i32, %c0_i32_0 : i32, i32
  }
  func.func @transform_6(%arg0: i32) -> (i32, i32) {
    %c0_i32 = arith.constant 0 : i32
    %c0_i32_0 = arith.constant 0 : i32
    %c0_i32_1 = arith.constant 0 : i32
    return %c0_i32, %c0_i32_0 : i32, i32
  }
  func.func @transform_7(%arg0: i32) -> (i32, i32) {
    %c0_i32 = arith.constant 0 : i32
    %c0_i32_0 = arith.constant 0 : i32
    return %arg0, %c0_i32 : i32, i32
  }
  func.func @transform_8(%arg0: i32) -> (i32, i32) {
    %c0_i32 = arith.constant 0 : i32
    %c0_i32_0 = arith.constant 0 : i32
    return %arg0, %c0_i32 : i32, i32
  }
  func.func @transform_9(%arg0: i32) -> (i32, i32) {
    %c0_i32 = arith.constant 0 : i32
    %c0_i32_0 = arith.constant 0 : i32
    return %arg0, %c0_i32 : i32, i32
  }
}

module attributes {stable_mosaic.version = 14 : i64} {
  func.func @_attn_kernel(%arg0: i32, %arg1: i32, %arg2: memref<512x128xbf16, #tpu.memory_space<vmem>>, %arg3: memref<2048x128xbf16, #tpu.memory_space<vmem>>, %arg4: memref<2048x128xbf16, #tpu.memory_space<vmem>>, %arg5: memref<512x128xbf16, #tpu.memory_space<vmem>>) attributes {dimension_semantics = [#tpu.dimension_semantics<arbitrary>, #tpu.dimension_semantics<arbitrary>], iteration_bounds = array<i64: 8, 4>, scalar_prefetch = 0 : i64, scratch_operands = 0 : i64, tpu.core_type = #tpu.core_type<tc>, window_params = [{transform_indices = @transform_0, window_bounds = array<i64: 512, 128>}, {transform_indices = @transform_1, window_bounds = array<i64: 2048, 128>}, {transform_indices = @transform_2, window_bounds = array<i64: 2048, 128>}, {transform_indices = @transform_3, window_bounds = array<i64: 512, 128>}]} {
    %get3A = arith.constant 0 : index
    %get3A_0 = arith.constant 0 : index
    %get3A_1 = vector.load %arg2[%get3A, %get3A_0] : memref<512x128xbf16, #tpu.memory_space<vmem>>, vector<512x128xbf16>
    %get3A_2 = arith.constant 0 : index
    %get3A_3 = arith.constant 0 : index
    %get3A_4 = vector.load %arg3[%get3A_2, %get3A_3] : memref<2048x128xbf16, #tpu.memory_space<vmem>>, vector<2048x128xbf16>
    %get3A_5 = arith.constant 0 : index
    %get3A_6 = arith.constant 0 : index
    %get3A_7 = vector.load %arg4[%get3A_5, %get3A_6] : memref<2048x128xbf16, #tpu.memory_space<vmem>>, vector<2048x128xbf16>
    %slice3A = vector.extract_strided_slice %get3A_1 {offsets = [0, 0], sizes = [512, 64], strides = [1, 1]} : vector<512x128xbf16> to vector<512x64xbf16>
    %slice3A_8 = vector.extract_strided_slice %get3A_4 {offsets = [0, 0], sizes = [2048, 64], strides = [1, 1]} : vector<2048x128xbf16> to vector<2048x64xbf16>
    %slice3A_9 = vector.extract_strided_slice %get3A_7 {offsets = [0, 0], sizes = [2048, 64], strides = [1, 1]} : vector<2048x128xbf16> to vector<2048x64xbf16>
    %dot_general3A = arith.constant dense<0.000000e+00> : vector<512x2048xf32>
    %dot_general3A_10 = tpu.matmul %slice3A, %slice3A_8, %dot_general3A {dimension_numbers = #tpu.dot_dimension_numbers<[1], [1], [0], [0], [0, 0, 1, 0], [], []>, transpose_lhs_hint = false} : vector<512x64xbf16>, vector<2048x64xbf16>, vector<512x2048xf32> -> vector<512x2048xf32>
    %mul3A = arith.constant 1.250000e-01 : f32
    %mul3A_11 = vector.broadcast %mul3A : f32 to vector<512x2048xf32>
    %mul3A_12 = arith.mulf %dot_general3A_10, %mul3A_11 : vector<512x2048xf32>
    %reduce_max3A = arith.constant dense<0xFF800000> : vector<512xf32>
    %reduce_max3A_13 = vector.multi_reduction <maximumf>, %mul3A_12, %reduce_max3A [1] : vector<512x2048xf32> to vector<512xf32>
    %broadcast_in_dim3A = vector.shape_cast %reduce_max3A_13 : vector<512xf32> to vector<512x1xf32>
    %sub3A = vector.broadcast %broadcast_in_dim3A : vector<512x1xf32> to vector<512x2048xf32>
    %sub3A_14 = arith.subf %mul3A_12, %sub3A : vector<512x2048xf32>
    %exp3A = math.exp %sub3A_14 : vector<512x2048xf32>
    %reduce_sum3A = arith.constant dense<0.000000e+00> : vector<512xf32>
    %reduce_sum3A_15 = vector.multi_reduction <add>, %exp3A, %reduce_sum3A [1] : vector<512x2048xf32> to vector<512xf32>
    %broadcast_in_dim3A_16 = vector.shape_cast %reduce_sum3A_15 : vector<512xf32> to vector<512x1xf32>
    %div3A = vector.broadcast %broadcast_in_dim3A_16 : vector<512x1xf32> to vector<512x2048xf32>
    %div3A_17 = arith.divf %exp3A, %div3A : vector<512x2048xf32>
    %convert_element_type3A = arith.truncf %div3A_17 : vector<512x2048xf32> to vector<512x2048xbf16>
    %dot_general3A_18 = arith.constant dense<0.000000e+00> : vector<512x64xf32>
    %dot_general3A_19 = tpu.matmul %convert_element_type3A, %slice3A_9, %dot_general3A_18 {dimension_numbers = #tpu.dot_dimension_numbers<[1], [0], [0], [1], [0, 0, 1, 1], [], []>, transpose_lhs_hint = false} : vector<512x2048xbf16>, vector<2048x64xbf16>, vector<512x64xf32> -> vector<512x64xf32>
    %slice3A_20 = vector.extract_strided_slice %get3A_1 {offsets = [0, 64], sizes = [512, 64], strides = [1, 1]} : vector<512x128xbf16> to vector<512x64xbf16>
    %slice3A_21 = vector.extract_strided_slice %get3A_4 {offsets = [0, 64], sizes = [2048, 64], strides = [1, 1]} : vector<2048x128xbf16> to vector<2048x64xbf16>
    %slice3A_22 = vector.extract_strided_slice %get3A_7 {offsets = [0, 64], sizes = [2048, 64], strides = [1, 1]} : vector<2048x128xbf16> to vector<2048x64xbf16>
    %dot_general3A_23 = arith.constant dense<0.000000e+00> : vector<512x2048xf32>
    %dot_general3A_24 = tpu.matmul %slice3A_20, %slice3A_21, %dot_general3A_23 {dimension_numbers = #tpu.dot_dimension_numbers<[1], [1], [0], [0], [0, 0, 1, 0], [], []>, transpose_lhs_hint = false} : vector<512x64xbf16>, vector<2048x64xbf16>, vector<512x2048xf32> -> vector<512x2048xf32>
    %mul3A_25 = arith.constant 1.250000e-01 : f32
    %mul3A_26 = vector.broadcast %mul3A_25 : f32 to vector<512x2048xf32>
    %mul3A_27 = arith.mulf %dot_general3A_24, %mul3A_26 : vector<512x2048xf32>
    %reduce_max3A_28 = arith.constant dense<0xFF800000> : vector<512xf32>
    %reduce_max3A_29 = vector.multi_reduction <maximumf>, %mul3A_27, %reduce_max3A_28 [1] : vector<512x2048xf32> to vector<512xf32>
    %broadcast_in_dim3A_30 = vector.shape_cast %reduce_max3A_29 : vector<512xf32> to vector<512x1xf32>
    %sub3A_31 = vector.broadcast %broadcast_in_dim3A_30 : vector<512x1xf32> to vector<512x2048xf32>
    %sub3A_32 = arith.subf %mul3A_27, %sub3A_31 : vector<512x2048xf32>
    %exp3A_33 = math.exp %sub3A_32 : vector<512x2048xf32>
    %reduce_sum3A_34 = arith.constant dense<0.000000e+00> : vector<512xf32>
    %reduce_sum3A_35 = vector.multi_reduction <add>, %exp3A_33, %reduce_sum3A_34 [1] : vector<512x2048xf32> to vector<512xf32>
    %broadcast_in_dim3A_36 = vector.shape_cast %reduce_sum3A_35 : vector<512xf32> to vector<512x1xf32>
    %div3A_37 = vector.broadcast %broadcast_in_dim3A_36 : vector<512x1xf32> to vector<512x2048xf32>
    %div3A_38 = arith.divf %exp3A_33, %div3A_37 : vector<512x2048xf32>
    %convert_element_type3A_39 = arith.truncf %div3A_38 : vector<512x2048xf32> to vector<512x2048xbf16>
    %dot_general3A_40 = arith.constant dense<0.000000e+00> : vector<512x64xf32>
    %dot_general3A_41 = tpu.matmul %convert_element_type3A_39, %slice3A_22, %dot_general3A_40 {dimension_numbers = #tpu.dot_dimension_numbers<[1], [0], [0], [1], [0, 0, 1, 1], [], []>, transpose_lhs_hint = false} : vector<512x2048xbf16>, vector<2048x64xbf16>, vector<512x64xf32> -> vector<512x64xf32>
    %concatenate3A = tpu.concatenate %dot_general3A_19, %dot_general3A_41 in 1 : vector<512x64xf32>, vector<512x64xf32> -> vector<512x128xf32>
    %convert_element_type3A_42 = arith.truncf %concatenate3A : vector<512x128xf32> to vector<512x128xbf16>
    %swap3A = arith.constant 0 : index
    %swap3A_43 = arith.constant 0 : index
    %swap3A_44 = vector.load %arg5[%swap3A, %swap3A_43] : memref<512x128xbf16, #tpu.memory_space<vmem>>, vector<512x128xbf16>
    tpu.vector_store %arg5[%swap3A, %swap3A_43], %convert_element_type3A_42 {strides = array<i32>} : memref<512x128xbf16, #tpu.memory_space<vmem>>, vector<512x128xbf16>,
    return
  }
  func.func @transform_0(%arg0: i32, %arg1: i32) -> (i32, i32) {
    %c0_i32 = arith.constant 0 : i32
    return %arg1, %arg0 : i32, i32
  }
  func.func @transform_1(%arg0: i32, %arg1: i32) -> (i32, i32) {
    %c0_i32 = arith.constant 0 : i32
    %c0_i32_0 = arith.constant 0 : i32
    return %c0_i32, %arg0 : i32, i32
  }
  func.func @transform_2(%arg0: i32, %arg1: i32) -> (i32, i32) {
    %c0_i32 = arith.constant 0 : i32
    %c0_i32_0 = arith.constant 0 : i32
    return %c0_i32, %arg0 : i32, i32
  }
  func.func @transform_3(%arg0: i32, %arg1: i32) -> (i32, i32) {
    %c0_i32 = arith.constant 0 : i32
    return %arg1, %arg0 : i32, i32
  }
}

module attributes {stable_mosaic.version = 14 : i64} {
  func.func @_post_kernel(%arg0: i32, %arg1: memref<256x1024xbf16, #tpu.memory_space<vmem>>, %arg2: memref<256x1024xf32, #tpu.memory_space<vmem>>, %arg3: memref<1024x1024xbf16, #tpu.memory_space<vmem>>, %arg4: memref<1x1024xf32, #tpu.memory_space<vmem>>, %arg5: memref<1x1024xf32, #tpu.memory_space<vmem>>, %arg6: memref<1x1024xf32, #tpu.memory_space<vmem>>, %arg7: memref<1024x128xf32, #tpu.memory_space<vmem>>, %arg8: memref<256x1024xf32, #tpu.memory_space<vmem>>, %arg9: memref<256x1024xbf16, #tpu.memory_space<vmem>>, %arg10: memref<256x128xf32, #tpu.memory_space<vmem>>) attributes {dimension_semantics = [#tpu.dimension_semantics<arbitrary>], iteration_bounds = array<i64: 8>, scalar_prefetch = 0 : i64, scratch_operands = 0 : i64, tpu.core_type = #tpu.core_type<tc>, window_params = [{transform_indices = @transform_0, window_bounds = array<i64: 256, 1024>}, {transform_indices = @transform_1, window_bounds = array<i64: 256, 1024>}, {pipeline_mode = #tpu.pipeline_mode<synchronous>, transform_indices = @transform_2, window_bounds = array<i64: 1024, 1024>}, {pipeline_mode = #tpu.pipeline_mode<synchronous>, transform_indices = @transform_3, window_bounds = array<i64: 1, 1024>}, {pipeline_mode = #tpu.pipeline_mode<synchronous>, transform_indices = @transform_4, window_bounds = array<i64: 1, 1024>}, {pipeline_mode = #tpu.pipeline_mode<synchronous>, transform_indices = @transform_5, window_bounds = array<i64: 1, 1024>}, {pipeline_mode = #tpu.pipeline_mode<synchronous>, transform_indices = @transform_6, window_bounds = array<i64: 1024, 128>}, {transform_indices = @transform_7, window_bounds = array<i64: 256, 1024>}, {transform_indices = @transform_8, window_bounds = array<i64: 256, 1024>}, {transform_indices = @transform_9, window_bounds = array<i64: 256, 128>}]} {
    %get3A = arith.constant 0 : index
    %get3A_0 = arith.constant 0 : index
    %get3A_1 = vector.load %arg1[%get3A, %get3A_0] : memref<256x1024xbf16, #tpu.memory_space<vmem>>, vector<256x1024xbf16>
    %get3A_2 = arith.constant 0 : index
    %get3A_3 = arith.constant 0 : index
    %get3A_4 = vector.load %arg3[%get3A_2, %get3A_3] : memref<1024x1024xbf16, #tpu.memory_space<vmem>>, vector<1024x1024xbf16>
    %dot_general3A = arith.constant dense<0.000000e+00> : vector<256x1024xf32>
    %dot_general3A_5 = tpu.matmul %get3A_1, %get3A_4, %dot_general3A {dimension_numbers = #tpu.dot_dimension_numbers<[1], [0], [0], [1], [0, 0, 1, 1], [], []>, transpose_lhs_hint = false} : vector<256x1024xbf16>, vector<1024x1024xbf16>, vector<256x1024xf32> -> vector<256x1024xf32>
    %get3A_6 = arith.constant 0 : index
    %get3A_7 = arith.constant 0 : index
    %get3A_8 = vector.load %arg4[%get3A_6, %get3A_7] : memref<1x1024xf32, #tpu.memory_space<vmem>>, vector<1x1024xf32>
    %add3A = vector.broadcast %get3A_8 : vector<1x1024xf32> to vector<256x1024xf32>
    %add3A_9 = arith.addf %dot_general3A_5, %add3A : vector<256x1024xf32>
    %get3A_10 = arith.constant 0 : index
    %get3A_11 = arith.constant 0 : index
    %get3A_12 = vector.load %arg2[%get3A_10, %get3A_11] : memref<256x1024xf32, #tpu.memory_space<vmem>>, vector<256x1024xf32>
    %add3A_13 = arith.addf %get3A_12, %add3A_9 : vector<256x1024xf32>
    %swap3A = arith.constant 0 : index
    %swap3A_14 = arith.constant 0 : index
    %swap3A_15 = vector.load %arg8[%swap3A, %swap3A_14] : memref<256x1024xf32, #tpu.memory_space<vmem>>, vector<256x1024xf32>
    tpu.vector_store %arg8[%swap3A, %swap3A_14], %add3A_13 {strides = array<i32>} : memref<256x1024xf32, #tpu.memory_space<vmem>>, vector<256x1024xf32>,
    %get3A_16 = arith.constant 0 : index
    %get3A_17 = arith.constant 0 : index
    %get3A_18 = vector.load %arg5[%get3A_16, %get3A_17] : memref<1x1024xf32, #tpu.memory_space<vmem>>, vector<1x1024xf32>
    %get3A_19 = arith.constant 0 : index
    %get3A_20 = arith.constant 0 : index
    %get3A_21 = vector.load %arg6[%get3A_19, %get3A_20] : memref<1x1024xf32, #tpu.memory_space<vmem>>, vector<1x1024xf32>
    %reduce_sum3A = arith.constant dense<0.000000e+00> : vector<256xf32>
    %reduce_sum3A_22 = vector.multi_reduction <add>, %add3A_13, %reduce_sum3A [1] : vector<256x1024xf32> to vector<256xf32>
    %broadcast_in_dim3A = vector.shape_cast %reduce_sum3A_22 : vector<256xf32> to vector<256x1xf32>
    %div3A = arith.constant 1.024000e+03 : f32
    %div3A_23 = vector.broadcast %div3A : f32 to vector<256x1xf32>
    %div3A_24 = arith.divf %broadcast_in_dim3A, %div3A_23 : vector<256x1xf32>
    %sub3A = vector.broadcast %div3A_24 : vector<256x1xf32> to vector<256x1024xf32>
    %sub3A_25 = arith.subf %add3A_13, %sub3A : vector<256x1024xf32>
    %integer_pow3A = arith.mulf %sub3A_25, %sub3A_25 : vector<256x1024xf32>
    %reduce_sum3A_26 = arith.constant dense<0.000000e+00> : vector<256xf32>
    %reduce_sum3A_27 = vector.multi_reduction <add>, %integer_pow3A, %reduce_sum3A_26 [1] : vector<256x1024xf32> to vector<256xf32>
    %broadcast_in_dim3A_28 = vector.shape_cast %reduce_sum3A_27 : vector<256xf32> to vector<256x1xf32>
    %div3A_29 = arith.constant 1.024000e+03 : f32
    %div3A_30 = vector.broadcast %div3A_29 : f32 to vector<256x1xf32>
    %div3A_31 = arith.divf %broadcast_in_dim3A_28, %div3A_30 : vector<256x1xf32>
    %sub3A_32 = vector.broadcast %div3A_24 : vector<256x1xf32> to vector<256x1024xf32>
    %sub3A_33 = arith.subf %add3A_13, %sub3A_32 : vector<256x1024xf32>
    %add3A_34 = arith.constant 9.99999974E-6 : f32
    %add3A_35 = vector.broadcast %add3A_34 : f32 to vector<256x1xf32>
    %add3A_36 = arith.addf %div3A_31, %add3A_35 : vector<256x1xf32>
    %sqrt3A = math.sqrt %add3A_36 : vector<256x1xf32>
    %div3A_37 = vector.broadcast %sqrt3A : vector<256x1xf32> to vector<256x1024xf32>
    %div3A_38 = arith.divf %sub3A_33, %div3A_37 : vector<256x1024xf32>
    %mul3A = vector.broadcast %get3A_18 : vector<1x1024xf32> to vector<256x1024xf32>
    %mul3A_39 = arith.mulf %div3A_38, %mul3A : vector<256x1024xf32>
    %add3A_40 = vector.broadcast %get3A_21 : vector<1x1024xf32> to vector<256x1024xf32>
    %add3A_41 = arith.addf %mul3A_39, %add3A_40 : vector<256x1024xf32>
    %convert_element_type3A = arith.truncf %add3A_41 : vector<256x1024xf32> to vector<256x1024xbf16>
    %swap3A_42 = arith.constant 0 : index
    %swap3A_43 = arith.constant 0 : index
    %swap3A_44 = vector.load %arg9[%swap3A_42, %swap3A_43] : memref<256x1024xbf16, #tpu.memory_space<vmem>>, vector<256x1024xbf16>
    tpu.vector_store %arg9[%swap3A_42, %swap3A_43], %convert_element_type3A {strides = array<i32>} : memref<256x1024xbf16, #tpu.memory_space<vmem>>, vector<256x1024xbf16>,
    %get3A_45 = arith.constant 0 : index
    %get3A_46 = arith.constant 0 : index
    %get3A_47 = vector.load %arg7[%get3A_45, %get3A_46] : memref<1024x128xf32, #tpu.memory_space<vmem>>, vector<1024x128xf32>
    %dot_general3A_48 = arith.constant dense<0.000000e+00> : vector<256x128xf32>
    %dot_general3A_49 = tpu.matmul %add3A_41, %get3A_47, %dot_general3A_48 {dimension_numbers = #tpu.dot_dimension_numbers<[1], [0], [0], [1], [0, 0, 1, 1], [], []>, transpose_lhs_hint = false} : vector<256x1024xf32>, vector<1024x128xf32>, vector<256x128xf32> -> vector<256x128xf32>
    %iota3A = tpu.iota {dimensions = array<i32: 1>} : vector<256x128xi32>
    %lt3A = arith.constant 8 : i32
    %lt3A_50 = vector.broadcast %lt3A : i32 to vector<256x128xi32>
    %lt3A_51 = arith.cmpi slt, %iota3A, %lt3A_50 : vector<256x128xi32>
    %jit3A = arith.constant -1.000000e+30 : f32
    %broadcast_in_dim3A_52 = vector.broadcast %jit3A : f32 to vector<256x128xf32>
    %select_n3A = arith.select %lt3A_51, %dot_general3A_49, %broadcast_in_dim3A_52 : vector<256x128xi1>, vector<256x128xf32>
    %reduce_max3A = arith.constant dense<0xFF800000> : vector<256xf32>
    %reduce_max3A_53 = vector.multi_reduction <maximumf>, %select_n3A, %reduce_max3A [1] : vector<256x128xf32> to vector<256xf32>
    %broadcast_in_dim3A_54 = vector.shape_cast %reduce_max3A_53 : vector<256xf32> to vector<256x1xf32>
    %eq3A = vector.broadcast %broadcast_in_dim3A_54 : vector<256x1xf32> to vector<256x128xf32>
    %eq3A_55 = arith.cmpf oeq, %select_n3A, %eq3A : vector<256x128xf32>
    %jit3A_56 = arith.constant 128 : i32
    %broadcast_in_dim3A_57 = vector.broadcast %jit3A_56 : i32 to vector<256x128xi32>
    %select_n3A_58 = arith.select %eq3A_55, %iota3A, %broadcast_in_dim3A_57 : vector<256x128xi1>, vector<256x128xi32>
    %reduce_min3A = arith.constant dense<2147483647> : vector<256xi32>
    %reduce_min3A_59 = vector.multi_reduction <minsi>, %select_n3A_58, %reduce_min3A [1] : vector<256x128xi32> to vector<256xi32>
    %broadcast_in_dim3A_60 = vector.shape_cast %reduce_min3A_59 : vector<256xi32> to vector<256x1xi32>
    %eq3A_61 = vector.broadcast %broadcast_in_dim3A_60 : vector<256x1xi32> to vector<256x128xi32>
    %eq3A_62 = arith.cmpi eq, %iota3A, %eq3A_61 : vector<256x128xi32>
    %jit3A_63 = arith.constant -1.000000e+30 : f32
    %broadcast_in_dim3A_64 = vector.broadcast %jit3A_63 : f32 to vector<256x128xf32>
    %select_n3A_65 = arith.select %eq3A_62, %broadcast_in_dim3A_64, %select_n3A : vector<256x128xi1>, vector<256x128xf32>
    %reduce_max3A_66 = arith.constant dense<0xFF800000> : vector<256xf32>
    %reduce_max3A_67 = vector.multi_reduction <maximumf>, %select_n3A_65, %reduce_max3A_66 [1] : vector<256x128xf32> to vector<256xf32>
    %broadcast_in_dim3A_68 = vector.shape_cast %reduce_max3A_67 : vector<256xf32> to vector<256x1xf32>
    %eq3A_69 = vector.broadcast %broadcast_in_dim3A_68 : vector<256x1xf32> to vector<256x128xf32>
    %eq3A_70 = arith.cmpf oeq, %select_n3A_65, %eq3A_69 : vector<256x128xf32>
    %jit3A_71 = arith.constant 128 : i32
    %broadcast_in_dim3A_72 = vector.broadcast %jit3A_71 : i32 to vector<256x128xi32>
    %select_n3A_73 = arith.select %eq3A_70, %iota3A, %broadcast_in_dim3A_72 : vector<256x128xi1>, vector<256x128xi32>
    %reduce_min3A_74 = arith.constant dense<2147483647> : vector<256xi32>
    %reduce_min3A_75 = vector.multi_reduction <minsi>, %select_n3A_73, %reduce_min3A_74 [1] : vector<256x128xi32> to vector<256xi32>
    %broadcast_in_dim3A_76 = vector.shape_cast %reduce_min3A_75 : vector<256xi32> to vector<256x1xi32>
    %lt3A_77 = arith.constant 8 : i32
    %lt3A_78 = vector.broadcast %lt3A_77 : i32 to vector<256x128xi32>
    %lt3A_79 = arith.cmpi slt, %iota3A, %lt3A_78 : vector<256x128xi32>
    %sub3A_80 = vector.broadcast %broadcast_in_dim3A_54 : vector<256x1xf32> to vector<256x128xf32>
    %sub3A_81 = arith.subf %select_n3A, %sub3A_80 : vector<256x128xf32>
    %exp3A = math.exp %sub3A_81 : vector<256x128xf32>
    %jit3A_82 = arith.constant 0.000000e+00 : f32
    %broadcast_in_dim3A_83 = vector.broadcast %jit3A_82 : f32 to vector<256x128xf32>
    %select_n3A_84 = arith.select %lt3A_79, %exp3A, %broadcast_in_dim3A_83 : vector<256x128xi1>, vector<256x128xf32>
    %reduce_sum3A_85 = arith.constant dense<0.000000e+00> : vector<256xf32>
    %reduce_sum3A_86 = vector.multi_reduction <add>, %select_n3A_84, %reduce_sum3A_85 [1] : vector<256x128xf32> to vector<256xf32>
    %broadcast_in_dim3A_87 = vector.shape_cast %reduce_sum3A_86 : vector<256xf32> to vector<256x1xf32>
    %div3A_88 = vector.broadcast %broadcast_in_dim3A_87 : vector<256x1xf32> to vector<256x128xf32>
    %div3A_89 = arith.divf %select_n3A_84, %div3A_88 : vector<256x128xf32>
    %eq3A_90 = vector.broadcast %broadcast_in_dim3A_60 : vector<256x1xi32> to vector<256x128xi32>
    %eq3A_91 = arith.cmpi eq, %iota3A, %eq3A_90 : vector<256x128xi32>
    %eq3A_92 = vector.broadcast %broadcast_in_dim3A_76 : vector<256x1xi32> to vector<256x128xi32>
    %eq3A_93 = arith.cmpi eq, %iota3A, %eq3A_92 : vector<256x128xi32>
    %or3A = arith.ori %eq3A_91, %eq3A_93 : vector<256x128xi1>
    %jit3A_94 = arith.constant -1.000000e+00 : f32
    %broadcast_in_dim3A_95 = vector.broadcast %jit3A_94 : f32 to vector<256x128xf32>
    %select_n3A_96 = arith.select %or3A, %div3A_89, %broadcast_in_dim3A_95 : vector<256x128xi1>, vector<256x128xf32>
    %swap3A_97 = arith.constant 0 : index
    %swap3A_98 = arith.constant 0 : index
    %swap3A_99 = vector.load %arg10[%swap3A_97, %swap3A_98] : memref<256x128xf32, #tpu.memory_space<vmem>>, vector<256x128xf32>
    tpu.vector_store %arg10[%swap3A_97, %swap3A_98], %select_n3A_96 {strides = array<i32>} : memref<256x128xf32, #tpu.memory_space<vmem>>, vector<256x128xf32>,
    return
  }
  func.func @transform_0(%arg0: i32) -> (i32, i32) {
    %c0_i32 = arith.constant 0 : i32
    %c0_i32_0 = arith.constant 0 : i32
    return %arg0, %c0_i32 : i32, i32
  }
  func.func @transform_1(%arg0: i32) -> (i32, i32) {
    %c0_i32 = arith.constant 0 : i32
    %c0_i32_0 = arith.constant 0 : i32
    return %arg0, %c0_i32 : i32, i32
  }
  func.func @transform_2(%arg0: i32) -> (i32, i32) {
    %c0_i32 = arith.constant 0 : i32
    %c0_i32_0 = arith.constant 0 : i32
    %c0_i32_1 = arith.constant 0 : i32
    return %c0_i32, %c0_i32_0 : i32, i32
  }
  func.func @transform_3(%arg0: i32) -> (i32, i32) {
    %c0_i32 = arith.constant 0 : i32
    %c0_i32_0 = arith.constant 0 : i32
    %c0_i32_1 = arith.constant 0 : i32
    return %c0_i32, %c0_i32_0 : i32, i32
  }
  func.func @transform_4(%arg0: i32) -> (i32, i32) {
    %c0_i32 = arith.constant 0 : i32
    %c0_i32_0 = arith.constant 0 : i32
    %c0_i32_1 = arith.constant 0 : i32
    return %c0_i32, %c0_i32_0 : i32, i32
  }
  func.func @transform_5(%arg0: i32) -> (i32, i32) {
    %c0_i32 = arith.constant 0 : i32
    %c0_i32_0 = arith.constant 0 : i32
    %c0_i32_1 = arith.constant 0 : i32
    return %c0_i32, %c0_i32_0 : i32, i32
  }
  func.func @transform_6(%arg0: i32) -> (i32, i32) {
    %c0_i32 = arith.constant 0 : i32
    %c0_i32_0 = arith.constant 0 : i32
    %c0_i32_1 = arith.constant 0 : i32
    return %c0_i32, %c0_i32_0 : i32, i32
  }
  func.func @transform_7(%arg0: i32) -> (i32, i32) {
    %c0_i32 = arith.constant 0 : i32
    %c0_i32_0 = arith.constant 0 : i32
    return %arg0, %c0_i32 : i32, i32
  }
  func.func @transform_8(%arg0: i32) -> (i32, i32) {
    %c0_i32 = arith.constant 0 : i32
    %c0_i32_0 = arith.constant 0 : i32
    return %arg0, %c0_i32 : i32, i32
  }
  func.func @transform_9(%arg0: i32) -> (i32, i32) {
    %c0_i32 = arith.constant 0 : i32
    %c0_i32_0 = arith.constant 0 : i32
    return %arg0, %c0_i32 : i32, i32
  }
}

module attributes {stable_mosaic.version = 14 : i64} {
  func.func @_route_kernel(%arg0: memref<2048x128xf32, #tpu.memory_space<vmem>>, %arg1: memref<2048x128xf32, #tpu.memory_space<vmem>>) attributes {dimension_semantics = [], scalar_prefetch = 0 : i64, scratch_operands = 0 : i64, tpu.core_type = #tpu.core_type<tc>} {
    %get3A = arith.constant 0 : index
    %get3A_0 = arith.constant 0 : index
    %get3A_1 = vector.load %arg0[%get3A, %get3A_0] : memref<2048x128xf32, #tpu.memory_space<vmem>>, vector<2048x128xf32>
    %iota3A = tpu.iota {dimensions = array<i32: 1>} : vector<2048x128xi32>
    %iota3A_2 = tpu.iota {dimensions = array<i32: 0>} : vector<2048x128xi32>
    %ge3A = arith.constant 0.000000e+00 : f32
    %ge3A_3 = vector.broadcast %ge3A : f32 to vector<2048x128xf32>
    %ge3A_4 = arith.cmpf oge, %get3A_1, %ge3A_3 : vector<2048x128xf32>
    %jit3A = arith.constant 1.000000e+00 : f32
    %jit3A_5 = arith.constant 0.000000e+00 : f32
    %broadcast_in_dim3A = vector.broadcast %jit3A : f32 to vector<2048x128xf32>
    %broadcast_in_dim3A_6 = vector.broadcast %jit3A_5 : f32 to vector<2048x128xf32>
    %select_n3A = arith.select %ge3A_4, %broadcast_in_dim3A, %broadcast_in_dim3A_6 : vector<2048x128xi1>, vector<2048x128xf32>
    %iota3A_7 = tpu.iota {dimensions = array<i32: 0>} : vector<256x256xi32>
    %iota3A_8 = tpu.iota {dimensions = array<i32: 1>} : vector<256x256xi32>
    %gt3A = arith.cmpi sgt, %iota3A_7, %iota3A_8 : vector<256x256xi32>
    %jit3A_9 = arith.constant 1.000000e+00 : f32
    %jit3A_10 = arith.constant 0.000000e+00 : f32
    %broadcast_in_dim3A_11 = vector.broadcast %jit3A_9 : f32 to vector<256x256xf32>
    %broadcast_in_dim3A_12 = vector.broadcast %jit3A_10 : f32 to vector<256x256xf32>
    %select_n3A_13 = arith.select %gt3A, %broadcast_in_dim3A_11, %broadcast_in_dim3A_12 : vector<256x256xi1>, vector<256x256xf32>
    %convert_element_type3A = arith.truncf %select_n3A_13 : vector<256x256xf32> to vector<256x256xbf16>
    %broadcast_in_dim3A_14 = arith.constant 0.000000e+00 : f32
    %broadcast_in_dim3A_15 = vector.broadcast %broadcast_in_dim3A_14 : f32 to vector<1x128xf32>
    %slice3A = vector.extract_strided_slice %select_n3A {offsets = [0, 0], sizes = [256, 128], strides = [1, 1]} : vector<2048x128xf32> to vector<256x128xf32>
    %convert_element_type3A_16 = arith.truncf %slice3A : vector<256x128xf32> to vector<256x128xbf16>
    %dot_general3A = arith.constant dense<0.000000e+00> : vector<256x128xf32>
    %dot_general3A_17 = tpu.matmul %convert_element_type3A, %convert_element_type3A_16, %dot_general3A {dimension_numbers = #tpu.dot_dimension_numbers<[1], [0], [0], [1], [0, 0, 1, 1], [], []>, transpose_lhs_hint = false} : vector<256x256xbf16>, vector<256x128xbf16>, vector<256x128xf32> -> vector<256x128xf32>
    %add3A = vector.broadcast %broadcast_in_dim3A_15 : vector<1x128xf32> to vector<256x128xf32>
    %add3A_18 = arith.addf %dot_general3A_17, %add3A : vector<256x128xf32>
    %reduce_sum3A = arith.constant dense<0.000000e+00> : vector<128xf32>
    %reduce_sum3A_19 = vector.multi_reduction <add>, %slice3A, %reduce_sum3A [0] : vector<256x128xf32> to vector<128xf32>
    %broadcast_in_dim3A_20 = vector.shape_cast %reduce_sum3A_19 : vector<128xf32> to vector<1x128xf32>
    %add3A_21 = arith.addf %broadcast_in_dim3A_15, %broadcast_in_dim3A_20 : vector<1x128xf32>
    %slice3A_22 = vector.extract_strided_slice %select_n3A {offsets = [256, 0], sizes = [256, 128], strides = [1, 1]} : vector<2048x128xf32> to vector<256x128xf32>
    %convert_element_type3A_23 = arith.truncf %slice3A_22 : vector<256x128xf32> to vector<256x128xbf16>
    %dot_general3A_24 = arith.constant dense<0.000000e+00> : vector<256x128xf32>
    %dot_general3A_25 = tpu.matmul %convert_element_type3A, %convert_element_type3A_23, %dot_general3A_24 {dimension_numbers = #tpu.dot_dimension_numbers<[1], [0], [0], [1], [0, 0, 1, 1], [], []>, transpose_lhs_hint = false} : vector<256x256xbf16>, vector<256x128xbf16>, vector<256x128xf32> -> vector<256x128xf32>
    %add3A_26 = vector.broadcast %add3A_21 : vector<1x128xf32> to vector<256x128xf32>
    %add3A_27 = arith.addf %dot_general3A_25, %add3A_26 : vector<256x128xf32>
    %reduce_sum3A_28 = arith.constant dense<0.000000e+00> : vector<128xf32>
    %reduce_sum3A_29 = vector.multi_reduction <add>, %slice3A_22, %reduce_sum3A_28 [0] : vector<256x128xf32> to vector<128xf32>
    %broadcast_in_dim3A_30 = vector.shape_cast %reduce_sum3A_29 : vector<128xf32> to vector<1x128xf32>
    %add3A_31 = arith.addf %add3A_21, %broadcast_in_dim3A_30 : vector<1x128xf32>
    %slice3A_32 = vector.extract_strided_slice %select_n3A {offsets = [512, 0], sizes = [256, 128], strides = [1, 1]} : vector<2048x128xf32> to vector<256x128xf32>
    %convert_element_type3A_33 = arith.truncf %slice3A_32 : vector<256x128xf32> to vector<256x128xbf16>
    %dot_general3A_34 = arith.constant dense<0.000000e+00> : vector<256x128xf32>
    %dot_general3A_35 = tpu.matmul %convert_element_type3A, %convert_element_type3A_33, %dot_general3A_34 {dimension_numbers = #tpu.dot_dimension_numbers<[1], [0], [0], [1], [0, 0, 1, 1], [], []>, transpose_lhs_hint = false} : vector<256x256xbf16>, vector<256x128xbf16>, vector<256x128xf32> -> vector<256x128xf32>
    %add3A_36 = vector.broadcast %add3A_31 : vector<1x128xf32> to vector<256x128xf32>
    %add3A_37 = arith.addf %dot_general3A_35, %add3A_36 : vector<256x128xf32>
    %reduce_sum3A_38 = arith.constant dense<0.000000e+00> : vector<128xf32>
    %reduce_sum3A_39 = vector.multi_reduction <add>, %slice3A_32, %reduce_sum3A_38 [0] : vector<256x128xf32> to vector<128xf32>
    %broadcast_in_dim3A_40 = vector.shape_cast %reduce_sum3A_39 : vector<128xf32> to vector<1x128xf32>
    %add3A_41 = arith.addf %add3A_31, %broadcast_in_dim3A_40 : vector<1x128xf32>
    %slice3A_42 = vector.extract_strided_slice %select_n3A {offsets = [768, 0], sizes = [256, 128], strides = [1, 1]} : vector<2048x128xf32> to vector<256x128xf32>
    %convert_element_type3A_43 = arith.truncf %slice3A_42 : vector<256x128xf32> to vector<256x128xbf16>
    %dot_general3A_44 = arith.constant dense<0.000000e+00> : vector<256x128xf32>
    %dot_general3A_45 = tpu.matmul %convert_element_type3A, %convert_element_type3A_43, %dot_general3A_44 {dimension_numbers = #tpu.dot_dimension_numbers<[1], [0], [0], [1], [0, 0, 1, 1], [], []>, transpose_lhs_hint = false} : vector<256x256xbf16>, vector<256x128xbf16>, vector<256x128xf32> -> vector<256x128xf32>
    %add3A_46 = vector.broadcast %add3A_41 : vector<1x128xf32> to vector<256x128xf32>
    %add3A_47 = arith.addf %dot_general3A_45, %add3A_46 : vector<256x128xf32>
    %reduce_sum3A_48 = arith.constant dense<0.000000e+00> : vector<128xf32>
    %reduce_sum3A_49 = vector.multi_reduction <add>, %slice3A_42, %reduce_sum3A_48 [0] : vector<256x128xf32> to vector<128xf32>
    %broadcast_in_dim3A_50 = vector.shape_cast %reduce_sum3A_49 : vector<128xf32> to vector<1x128xf32>
    %add3A_51 = arith.addf %add3A_41, %broadcast_in_dim3A_50 : vector<1x128xf32>
    %slice3A_52 = vector.extract_strided_slice %select_n3A {offsets = [1024, 0], sizes = [256, 128], strides = [1, 1]} : vector<2048x128xf32> to vector<256x128xf32>
    %convert_element_type3A_53 = arith.truncf %slice3A_52 : vector<256x128xf32> to vector<256x128xbf16>
    %dot_general3A_54 = arith.constant dense<0.000000e+00> : vector<256x128xf32>
    %dot_general3A_55 = tpu.matmul %convert_element_type3A, %convert_element_type3A_53, %dot_general3A_54 {dimension_numbers = #tpu.dot_dimension_numbers<[1], [0], [0], [1], [0, 0, 1, 1], [], []>, transpose_lhs_hint = false} : vector<256x256xbf16>, vector<256x128xbf16>, vector<256x128xf32> -> vector<256x128xf32>
    %add3A_56 = vector.broadcast %add3A_51 : vector<1x128xf32> to vector<256x128xf32>
    %add3A_57 = arith.addf %dot_general3A_55, %add3A_56 : vector<256x128xf32>
    %reduce_sum3A_58 = arith.constant dense<0.000000e+00> : vector<128xf32>
    %reduce_sum3A_59 = vector.multi_reduction <add>, %slice3A_52, %reduce_sum3A_58 [0] : vector<256x128xf32> to vector<128xf32>
    %broadcast_in_dim3A_60 = vector.shape_cast %reduce_sum3A_59 : vector<128xf32> to vector<1x128xf32>
    %add3A_61 = arith.addf %add3A_51, %broadcast_in_dim3A_60 : vector<1x128xf32>
    %slice3A_62 = vector.extract_strided_slice %select_n3A {offsets = [1280, 0], sizes = [256, 128], strides = [1, 1]} : vector<2048x128xf32> to vector<256x128xf32>
    %convert_element_type3A_63 = arith.truncf %slice3A_62 : vector<256x128xf32> to vector<256x128xbf16>
    %dot_general3A_64 = arith.constant dense<0.000000e+00> : vector<256x128xf32>
    %dot_general3A_65 = tpu.matmul %convert_element_type3A, %convert_element_type3A_63, %dot_general3A_64 {dimension_numbers = #tpu.dot_dimension_numbers<[1], [0], [0], [1], [0, 0, 1, 1], [], []>, transpose_lhs_hint = false} : vector<256x256xbf16>, vector<256x128xbf16>, vector<256x128xf32> -> vector<256x128xf32>
    %add3A_66 = vector.broadcast %add3A_61 : vector<1x128xf32> to vector<256x128xf32>
    %add3A_67 = arith.addf %dot_general3A_65, %add3A_66 : vector<256x128xf32>
    %reduce_sum3A_68 = arith.constant dense<0.000000e+00> : vector<128xf32>
    %reduce_sum3A_69 = vector.multi_reduction <add>, %slice3A_62, %reduce_sum3A_68 [0] : vector<256x128xf32> to vector<128xf32>
    %broadcast_in_dim3A_70 = vector.shape_cast %reduce_sum3A_69 : vector<128xf32> to vector<1x128xf32>
    %add3A_71 = arith.addf %add3A_61, %broadcast_in_dim3A_70 : vector<1x128xf32>
    %slice3A_72 = vector.extract_strided_slice %select_n3A {offsets = [1536, 0], sizes = [256, 128], strides = [1, 1]} : vector<2048x128xf32> to vector<256x128xf32>
    %convert_element_type3A_73 = arith.truncf %slice3A_72 : vector<256x128xf32> to vector<256x128xbf16>
    %dot_general3A_74 = arith.constant dense<0.000000e+00> : vector<256x128xf32>
    %dot_general3A_75 = tpu.matmul %convert_element_type3A, %convert_element_type3A_73, %dot_general3A_74 {dimension_numbers = #tpu.dot_dimension_numbers<[1], [0], [0], [1], [0, 0, 1, 1], [], []>, transpose_lhs_hint = false} : vector<256x256xbf16>, vector<256x128xbf16>, vector<256x128xf32> -> vector<256x128xf32>
    %add3A_76 = vector.broadcast %add3A_71 : vector<1x128xf32> to vector<256x128xf32>
    %add3A_77 = arith.addf %dot_general3A_75, %add3A_76 : vector<256x128xf32>
    %reduce_sum3A_78 = arith.constant dense<0.000000e+00> : vector<128xf32>
    %reduce_sum3A_79 = vector.multi_reduction <add>, %slice3A_72, %reduce_sum3A_78 [0] : vector<256x128xf32> to vector<128xf32>
    %broadcast_in_dim3A_80 = vector.shape_cast %reduce_sum3A_79 : vector<128xf32> to vector<1x128xf32>
    %add3A_81 = arith.addf %add3A_71, %broadcast_in_dim3A_80 : vector<1x128xf32>
    %slice3A_82 = vector.extract_strided_slice %select_n3A {offsets = [1792, 0], sizes = [256, 128], strides = [1, 1]} : vector<2048x128xf32> to vector<256x128xf32>
    %convert_element_type3A_83 = arith.truncf %slice3A_82 : vector<256x128xf32> to vector<256x128xbf16>
    %dot_general3A_84 = arith.constant dense<0.000000e+00> : vector<256x128xf32>
    %dot_general3A_85 = tpu.matmul %convert_element_type3A, %convert_element_type3A_83, %dot_general3A_84 {dimension_numbers = #tpu.dot_dimension_numbers<[1], [0], [0], [1], [0, 0, 1, 1], [], []>, transpose_lhs_hint = false} : vector<256x256xbf16>, vector<256x128xbf16>, vector<256x128xf32> -> vector<256x128xf32>
    %add3A_86 = vector.broadcast %add3A_81 : vector<1x128xf32> to vector<256x128xf32>
    %add3A_87 = arith.addf %dot_general3A_85, %add3A_86 : vector<256x128xf32>
    %reduce_sum3A_88 = arith.constant dense<0.000000e+00> : vector<128xf32>
    %reduce_sum3A_89 = vector.multi_reduction <add>, %slice3A_82, %reduce_sum3A_88 [0] : vector<256x128xf32> to vector<128xf32>
    %broadcast_in_dim3A_90 = vector.shape_cast %reduce_sum3A_89 : vector<128xf32> to vector<1x128xf32>
    %add3A_91 = arith.addf %add3A_81, %broadcast_in_dim3A_90 : vector<1x128xf32>
    %concatenate3A = tpu.concatenate %add3A_18, %add3A_27, %add3A_37, %add3A_47, %add3A_57, %add3A_67, %add3A_77, %add3A_87 in 0 : vector<256x128xf32>, vector<256x128xf32>, vector<256x128xf32>, vector<256x128xf32>, vector<256x128xf32>, vector<256x128xf32>, vector<256x128xf32>, vector<256x128xf32> -> vector<2048x128xf32>
    %mul3A = arith.constant 3.906250e-03 : f32
    %mul3A_92 = vector.broadcast %mul3A : f32 to vector<1x128xf32>
    %mul3A_93 = arith.mulf %add3A_91, %mul3A_92 : vector<1x128xf32>
    %ceil3A = math.ceil %mul3A_93 : vector<1x128xf32>
    %mul3A_94 = arith.constant 2.560000e+02 : f32
    %mul3A_95 = vector.broadcast %mul3A_94 : f32 to vector<1x128xf32>
    %mul3A_96 = arith.mulf %ceil3A, %mul3A_95 : vector<1x128xf32>
    %slice3A_97 = vector.extract_strided_slice %mul3A_96 {offsets = [0, 0], sizes = [1, 1], strides = [1, 1]} : vector<1x128xf32> to vector<1x1xf32>
    %squeeze3A = vector.extract %slice3A_97[0, 0] : f32 from vector<1x1xf32>
    %add3A_98 = arith.constant 0.000000e+00 : f32
    %add3A_99 = arith.addf %add3A_98, %squeeze3A : f32
    %slice3A_100 = vector.extract_strided_slice %mul3A_96 {offsets = [0, 1], sizes = [1, 1], strides = [1, 1]} : vector<1x128xf32> to vector<1x1xf32>
    %squeeze3A_101 = vector.extract %slice3A_100[0, 0] : f32 from vector<1x1xf32>
    %add3A_102 = arith.addf %add3A_99, %squeeze3A_101 : f32
    %slice3A_103 = vector.extract_strided_slice %mul3A_96 {offsets = [0, 2], sizes = [1, 1], strides = [1, 1]} : vector<1x128xf32> to vector<1x1xf32>
    %squeeze3A_104 = vector.extract %slice3A_103[0, 0] : f32 from vector<1x1xf32>
    %add3A_105 = arith.addf %add3A_102, %squeeze3A_104 : f32
    %slice3A_106 = vector.extract_strided_slice %mul3A_96 {offsets = [0, 3], sizes = [1, 1], strides = [1, 1]} : vector<1x128xf32> to vector<1x1xf32>
    %squeeze3A_107 = vector.extract %slice3A_106[0, 0] : f32 from vector<1x1xf32>
    %add3A_108 = arith.addf %add3A_105, %squeeze3A_107 : f32
    %slice3A_109 = vector.extract_strided_slice %mul3A_96 {offsets = [0, 4], sizes = [1, 1], strides = [1, 1]} : vector<1x128xf32> to vector<1x1xf32>
    %squeeze3A_110 = vector.extract %slice3A_109[0, 0] : f32 from vector<1x1xf32>
    %add3A_111 = arith.addf %add3A_108, %squeeze3A_110 : f32
    %slice3A_112 = vector.extract_strided_slice %mul3A_96 {offsets = [0, 5], sizes = [1, 1], strides = [1, 1]} : vector<1x128xf32> to vector<1x1xf32>
    %squeeze3A_113 = vector.extract %slice3A_112[0, 0] : f32 from vector<1x1xf32>
    %add3A_114 = arith.addf %add3A_111, %squeeze3A_113 : f32
    %slice3A_115 = vector.extract_strided_slice %mul3A_96 {offsets = [0, 6], sizes = [1, 1], strides = [1, 1]} : vector<1x128xf32> to vector<1x1xf32>
    %squeeze3A_116 = vector.extract %slice3A_115[0, 0] : f32 from vector<1x1xf32>
    %add3A_117 = arith.addf %add3A_114, %squeeze3A_116 : f32
    %slice3A_118 = vector.extract_strided_slice %mul3A_96 {offsets = [0, 7], sizes = [1, 1], strides = [1, 1]} : vector<1x128xf32> to vector<1x1xf32>
    %squeeze3A_119 = vector.extract %slice3A_118[0, 0] : f32 from vector<1x1xf32>
    %add3A_120 = arith.addf %add3A_117, %squeeze3A_119 : f32
    %mul3A_121 = arith.constant 3.906250e-03 : f32
    %mul3A_122 = arith.mulf %add3A_120, %mul3A_121 : f32
    %broadcast_in_dim3A_123 = arith.constant 0.000000e+00 : f32
    %broadcast_in_dim3A_124 = vector.broadcast %broadcast_in_dim3A_123 : f32 to vector<1x128xf32>
    %broadcast_in_dim3A_125 = arith.constant 1.000000e+30 : f32
    %broadcast_in_dim3A_126 = vector.broadcast %broadcast_in_dim3A_125 : f32 to vector<1x128xf32>
    %slice3A_127 = vector.extract_strided_slice %iota3A {offsets = [0, 0], sizes = [1, 128], strides = [1, 1]} : vector<2048x128xi32> to vector<1x128xi32>
    %eq3A = arith.constant 0 : i32
    %eq3A_128 = vector.broadcast %eq3A : i32 to vector<1x128xi32>
    %eq3A_129 = arith.cmpi eq, %slice3A_127, %eq3A_128 : vector<1x128xi32>
    %jit3A_130 = arith.constant 0.000000e+00 : f32
    %broadcast_in_dim3A_131 = vector.broadcast %jit3A_130 : f32 to vector<1x128xf32>
    %select_n3A_132 = arith.select %eq3A_129, %broadcast_in_dim3A_131, %broadcast_in_dim3A_124 : vector<1x128xi1>, vector<1x128xf32>
    %slice3A_133 = vector.extract_strided_slice %mul3A_96 {offsets = [0, 0], sizes = [1, 1], strides = [1, 1]} : vector<1x128xf32> to vector<1x1xf32>
    %squeeze3A_134 = vector.extract %slice3A_133[0, 0] : f32 from vector<1x1xf32>
    %add3A_135 = arith.constant 0.000000e+00 : f32
    %add3A_136 = arith.addf %add3A_135, %squeeze3A_134 : f32
    %broadcast_in_dim3A_137 = vector.broadcast %add3A_136 : f32 to vector<1x128xf32>
    %select_n3A_138 = arith.select %eq3A_129, %broadcast_in_dim3A_137, %broadcast_in_dim3A_126 : vector<1x128xi1>, vector<1x128xf32>
    %slice3A_139 = vector.extract_strided_slice %iota3A {offsets = [0, 0], sizes = [1, 128], strides = [1, 1]} : vector<2048x128xi32> to vector<1x128xi32>
    %eq3A_140 = arith.constant 1 : i32
    %eq3A_141 = vector.broadcast %eq3A_140 : i32 to vector<1x128xi32>
    %eq3A_142 = arith.cmpi eq, %slice3A_139, %eq3A_141 : vector<1x128xi32>
    %broadcast_in_dim3A_143 = vector.broadcast %add3A_99 : f32 to vector<1x128xf32>
    %select_n3A_144 = arith.select %eq3A_142, %broadcast_in_dim3A_143, %select_n3A_132 : vector<1x128xi1>, vector<1x128xf32>
    %slice3A_145 = vector.extract_strided_slice %mul3A_96 {offsets = [0, 1], sizes = [1, 1], strides = [1, 1]} : vector<1x128xf32> to vector<1x1xf32>
    %squeeze3A_146 = vector.extract %slice3A_145[0, 0] : f32 from vector<1x1xf32>
    %add3A_147 = arith.addf %add3A_99, %squeeze3A_146 : f32
    %broadcast_in_dim3A_148 = vector.broadcast %add3A_147 : f32 to vector<1x128xf32>
    %select_n3A_149 = arith.select %eq3A_142, %broadcast_in_dim3A_148, %select_n3A_138 : vector<1x128xi1>, vector<1x128xf32>
    %slice3A_150 = vector.extract_strided_slice %iota3A {offsets = [0, 0], sizes = [1, 128], strides = [1, 1]} : vector<2048x128xi32> to vector<1x128xi32>
    %eq3A_151 = arith.constant 2 : i32
    %eq3A_152 = vector.broadcast %eq3A_151 : i32 to vector<1x128xi32>
    %eq3A_153 = arith.cmpi eq, %slice3A_150, %eq3A_152 : vector<1x128xi32>
    %broadcast_in_dim3A_154 = vector.broadcast %add3A_102 : f32 to vector<1x128xf32>
    %select_n3A_155 = arith.select %eq3A_153, %broadcast_in_dim3A_154, %select_n3A_144 : vector<1x128xi1>, vector<1x128xf32>
    %slice3A_156 = vector.extract_strided_slice %mul3A_96 {offsets = [0, 2], sizes = [1, 1], strides = [1, 1]} : vector<1x128xf32> to vector<1x1xf32>
    %squeeze3A_157 = vector.extract %slice3A_156[0, 0] : f32 from vector<1x1xf32>
    %add3A_158 = arith.addf %add3A_102, %squeeze3A_157 : f32
    %broadcast_in_dim3A_159 = vector.broadcast %add3A_158 : f32 to vector<1x128xf32>
    %select_n3A_160 = arith.select %eq3A_153, %broadcast_in_dim3A_159, %select_n3A_149 : vector<1x128xi1>, vector<1x128xf32>
    %slice3A_161 = vector.extract_strided_slice %iota3A {offsets = [0, 0], sizes = [1, 128], strides = [1, 1]} : vector<2048x128xi32> to vector<1x128xi32>
    %eq3A_162 = arith.constant 3 : i32
    %eq3A_163 = vector.broadcast %eq3A_162 : i32 to vector<1x128xi32>
    %eq3A_164 = arith.cmpi eq, %slice3A_161, %eq3A_163 : vector<1x128xi32>
    %broadcast_in_dim3A_165 = vector.broadcast %add3A_105 : f32 to vector<1x128xf32>
    %select_n3A_166 = arith.select %eq3A_164, %broadcast_in_dim3A_165, %select_n3A_155 : vector<1x128xi1>, vector<1x128xf32>
    %slice3A_167 = vector.extract_strided_slice %mul3A_96 {offsets = [0, 3], sizes = [1, 1], strides = [1, 1]} : vector<1x128xf32> to vector<1x1xf32>
    %squeeze3A_168 = vector.extract %slice3A_167[0, 0] : f32 from vector<1x1xf32>
    %add3A_169 = arith.addf %add3A_105, %squeeze3A_168 : f32
    %broadcast_in_dim3A_170 = vector.broadcast %add3A_169 : f32 to vector<1x128xf32>
    %select_n3A_171 = arith.select %eq3A_164, %broadcast_in_dim3A_170, %select_n3A_160 : vector<1x128xi1>, vector<1x128xf32>
    %slice3A_172 = vector.extract_strided_slice %iota3A {offsets = [0, 0], sizes = [1, 128], strides = [1, 1]} : vector<2048x128xi32> to vector<1x128xi32>
    %eq3A_173 = arith.constant 4 : i32
    %eq3A_174 = vector.broadcast %eq3A_173 : i32 to vector<1x128xi32>
    %eq3A_175 = arith.cmpi eq, %slice3A_172, %eq3A_174 : vector<1x128xi32>
    %broadcast_in_dim3A_176 = vector.broadcast %add3A_108 : f32 to vector<1x128xf32>
    %select_n3A_177 = arith.select %eq3A_175, %broadcast_in_dim3A_176, %select_n3A_166 : vector<1x128xi1>, vector<1x128xf32>
    %slice3A_178 = vector.extract_strided_slice %mul3A_96 {offsets = [0, 4], sizes = [1, 1], strides = [1, 1]} : vector<1x128xf32> to vector<1x1xf32>
    %squeeze3A_179 = vector.extract %slice3A_178[0, 0] : f32 from vector<1x1xf32>
    %add3A_180 = arith.addf %add3A_108, %squeeze3A_179 : f32
    %broadcast_in_dim3A_181 = vector.broadcast %add3A_180 : f32 to vector<1x128xf32>
    %select_n3A_182 = arith.select %eq3A_175, %broadcast_in_dim3A_181, %select_n3A_171 : vector<1x128xi1>, vector<1x128xf32>
    %slice3A_183 = vector.extract_strided_slice %iota3A {offsets = [0, 0], sizes = [1, 128], strides = [1, 1]} : vector<2048x128xi32> to vector<1x128xi32>
    %eq3A_184 = arith.constant 5 : i32
    %eq3A_185 = vector.broadcast %eq3A_184 : i32 to vector<1x128xi32>
    %eq3A_186 = arith.cmpi eq, %slice3A_183, %eq3A_185 : vector<1x128xi32>
    %broadcast_in_dim3A_187 = vector.broadcast %add3A_111 : f32 to vector<1x128xf32>
    %select_n3A_188 = arith.select %eq3A_186, %broadcast_in_dim3A_187, %select_n3A_177 : vector<1x128xi1>, vector<1x128xf32>
    %slice3A_189 = vector.extract_strided_slice %mul3A_96 {offsets = [0, 5], sizes = [1, 1], strides = [1, 1]} : vector<1x128xf32> to vector<1x1xf32>
    %squeeze3A_190 = vector.extract %slice3A_189[0, 0] : f32 from vector<1x1xf32>
    %add3A_191 = arith.addf %add3A_111, %squeeze3A_190 : f32
    %broadcast_in_dim3A_192 = vector.broadcast %add3A_191 : f32 to vector<1x128xf32>
    %select_n3A_193 = arith.select %eq3A_186, %broadcast_in_dim3A_192, %select_n3A_182 : vector<1x128xi1>, vector<1x128xf32>
    %slice3A_194 = vector.extract_strided_slice %iota3A {offsets = [0, 0], sizes = [1, 128], strides = [1, 1]} : vector<2048x128xi32> to vector<1x128xi32>
    %eq3A_195 = arith.constant 6 : i32
    %eq3A_196 = vector.broadcast %eq3A_195 : i32 to vector<1x128xi32>
    %eq3A_197 = arith.cmpi eq, %slice3A_194, %eq3A_196 : vector<1x128xi32>
    %broadcast_in_dim3A_198 = vector.broadcast %add3A_114 : f32 to vector<1x128xf32>
    %select_n3A_199 = arith.select %eq3A_197, %broadcast_in_dim3A_198, %select_n3A_188 : vector<1x128xi1>, vector<1x128xf32>
    %slice3A_200 = vector.extract_strided_slice %mul3A_96 {offsets = [0, 6], sizes = [1, 1], strides = [1, 1]} : vector<1x128xf32> to vector<1x1xf32>
    %squeeze3A_201 = vector.extract %slice3A_200[0, 0] : f32 from vector<1x1xf32>
    %add3A_202 = arith.addf %add3A_114, %squeeze3A_201 : f32
    %broadcast_in_dim3A_203 = vector.broadcast %add3A_202 : f32 to vector<1x128xf32>
    %select_n3A_204 = arith.select %eq3A_197, %broadcast_in_dim3A_203, %select_n3A_193 : vector<1x128xi1>, vector<1x128xf32>
    %slice3A_205 = vector.extract_strided_slice %iota3A {offsets = [0, 0], sizes = [1, 128], strides = [1, 1]} : vector<2048x128xi32> to vector<1x128xi32>
    %eq3A_206 = arith.constant 7 : i32
    %eq3A_207 = vector.broadcast %eq3A_206 : i32 to vector<1x128xi32>
    %eq3A_208 = arith.cmpi eq, %slice3A_205, %eq3A_207 : vector<1x128xi32>
    %broadcast_in_dim3A_209 = vector.broadcast %add3A_117 : f32 to vector<1x128xf32>
    %select_n3A_210 = arith.select %eq3A_208, %broadcast_in_dim3A_209, %select_n3A_199 : vector<1x128xi1>, vector<1x128xf32>
    %slice3A_211 = vector.extract_strided_slice %mul3A_96 {offsets = [0, 7], sizes = [1, 1], strides = [1, 1]} : vector<1x128xf32> to vector<1x1xf32>
    %squeeze3A_212 = vector.extract %slice3A_211[0, 0] : f32 from vector<1x1xf32>
    %add3A_213 = arith.addf %add3A_117, %squeeze3A_212 : f32
    %broadcast_in_dim3A_214 = vector.broadcast %add3A_213 : f32 to vector<1x128xf32>
    %select_n3A_215 = arith.select %eq3A_208, %broadcast_in_dim3A_214, %select_n3A_204 : vector<1x128xi1>, vector<1x128xf32>
    %add3A_216 = vector.broadcast %select_n3A_210 : vector<1x128xf32> to vector<2048x128xf32>
    %add3A_217 = arith.addf %concatenate3A, %add3A_216 : vector<2048x128xf32>
    %jit3A_218 = arith.constant 128 : i32
    %broadcast_in_dim3A_219 = vector.broadcast %jit3A_218 : i32 to vector<2048x128xi32>
    %select_n3A_220 = arith.select %ge3A_4, %iota3A, %broadcast_in_dim3A_219 : vector<2048x128xi1>, vector<2048x128xi32>
    %reduce_min3A = arith.constant dense<2147483647> : vector<2048xi32>
    %reduce_min3A_221 = vector.multi_reduction <minsi>, %select_n3A_220, %reduce_min3A [1] : vector<2048x128xi32> to vector<2048xi32>
    %broadcast_in_dim3A_222 = vector.shape_cast %reduce_min3A_221 : vector<2048xi32> to vector<2048x1xi32>
    %jit3A_223 = arith.constant -1 : i32
    %broadcast_in_dim3A_224 = vector.broadcast %jit3A_223 : i32 to vector<2048x128xi32>
    %select_n3A_225 = arith.select %ge3A_4, %iota3A, %broadcast_in_dim3A_224 : vector<2048x128xi1>, vector<2048x128xi32>
    %reduce_max3A = arith.constant dense<-2147483648> : vector<2048xi32>
    %reduce_max3A_226 = vector.multi_reduction <maxsi>, %select_n3A_225, %reduce_max3A [1] : vector<2048x128xi32> to vector<2048xi32>
    %broadcast_in_dim3A_227 = vector.shape_cast %reduce_max3A_226 : vector<2048xi32> to vector<2048x1xi32>
    %eq3A_228 = vector.broadcast %broadcast_in_dim3A_222 : vector<2048x1xi32> to vector<2048x128xi32>
    %eq3A_229 = arith.cmpi eq, %iota3A, %eq3A_228 : vector<2048x128xi32>
    %jit3A_230 = arith.constant 0.000000e+00 : f32
    %broadcast_in_dim3A_231 = vector.broadcast %jit3A_230 : f32 to vector<2048x128xf32>
    %select_n3A_232 = arith.select %eq3A_229, %add3A_217, %broadcast_in_dim3A_231 : vector<2048x128xi1>, vector<2048x128xf32>
    %reduce_sum3A_233 = arith.constant dense<0.000000e+00> : vector<2048xf32>
    %reduce_sum3A_234 = vector.multi_reduction <add>, %select_n3A_232, %reduce_sum3A_233 [1] : vector<2048x128xf32> to vector<2048xf32>
    %broadcast_in_dim3A_235 = vector.shape_cast %reduce_sum3A_234 : vector<2048xf32> to vector<2048x1xf32>
    %eq3A_236 = vector.broadcast %broadcast_in_dim3A_227 : vector<2048x1xi32> to vector<2048x128xi32>
    %eq3A_237 = arith.cmpi eq, %iota3A, %eq3A_236 : vector<2048x128xi32>
    %jit3A_238 = arith.constant 0.000000e+00 : f32
    %broadcast_in_dim3A_239 = vector.broadcast %jit3A_238 : f32 to vector<2048x128xf32>
    %select_n3A_240 = arith.select %eq3A_237, %add3A_217, %broadcast_in_dim3A_239 : vector<2048x128xi1>, vector<2048x128xf32>
    %reduce_sum3A_241 = arith.constant dense<0.000000e+00> : vector<2048xf32>
    %reduce_sum3A_242 = vector.multi_reduction <add>, %select_n3A_240, %reduce_sum3A_241 [1] : vector<2048x128xf32> to vector<2048xf32>
    %broadcast_in_dim3A_243 = vector.shape_cast %reduce_sum3A_242 : vector<2048xf32> to vector<2048x1xf32>
    %eq3A_244 = vector.broadcast %broadcast_in_dim3A_222 : vector<2048x1xi32> to vector<2048x128xi32>
    %eq3A_245 = arith.cmpi eq, %iota3A, %eq3A_244 : vector<2048x128xi32>
    %max3A = arith.constant 0.000000e+00 : f32
    %max3A_246 = vector.broadcast %max3A : f32 to vector<2048x128xf32>
    %max3A_247 = arith.maximumf %get3A_1, %max3A_246 : vector<2048x128xf32>
    %jit3A_248 = arith.constant 0.000000e+00 : f32
    %broadcast_in_dim3A_249 = vector.broadcast %jit3A_248 : f32 to vector<2048x128xf32>
    %select_n3A_250 = arith.select %eq3A_245, %max3A_247, %broadcast_in_dim3A_249 : vector<2048x128xi1>, vector<2048x128xf32>
    %reduce_sum3A_251 = arith.constant dense<0.000000e+00> : vector<2048xf32>
    %reduce_sum3A_252 = vector.multi_reduction <add>, %select_n3A_250, %reduce_sum3A_251 [1] : vector<2048x128xf32> to vector<2048xf32>
    %broadcast_in_dim3A_253 = vector.shape_cast %reduce_sum3A_252 : vector<2048xf32> to vector<2048x1xf32>
    %eq3A_254 = vector.broadcast %broadcast_in_dim3A_227 : vector<2048x1xi32> to vector<2048x128xi32>
    %eq3A_255 = arith.cmpi eq, %iota3A, %eq3A_254 : vector<2048x128xi32>
    %max3A_256 = arith.constant 0.000000e+00 : f32
    %max3A_257 = vector.broadcast %max3A_256 : f32 to vector<2048x128xf32>
    %max3A_258 = arith.maximumf %get3A_1, %max3A_257 : vector<2048x128xf32>
    %jit3A_259 = arith.constant 0.000000e+00 : f32
    %broadcast_in_dim3A_260 = vector.broadcast %jit3A_259 : f32 to vector<2048x128xf32>
    %select_n3A_261 = arith.select %eq3A_255, %max3A_258, %broadcast_in_dim3A_260 : vector<2048x128xi1>, vector<2048x128xf32>
    %reduce_sum3A_262 = arith.constant dense<0.000000e+00> : vector<2048xf32>
    %reduce_sum3A_263 = vector.multi_reduction <add>, %select_n3A_261, %reduce_sum3A_262 [1] : vector<2048x128xf32> to vector<2048xf32>
    %broadcast_in_dim3A_264 = vector.shape_cast %reduce_sum3A_263 : vector<2048xf32> to vector<2048x1xf32>
    %slice3A_265 = vector.extract_strided_slice %iota3A_2 {offsets = [0, 0], sizes = [2048, 1], strides = [1, 1]} : vector<2048x128xi32> to vector<2048x1xi32>
    %mul3A_266 = arith.constant 256 : i32
    %mul3A_267 = vector.broadcast %mul3A_266 : i32 to vector<2048x1xi32>
    %mul3A_268 = arith.muli %slice3A_265, %mul3A_267 : vector<2048x1xi32>
    %convert_element_type3A_269 = arith.sitofp %mul3A_268 : vector<2048x1xi32> to vector<2048x1xf32>
    %ge3A_270 = vector.broadcast %convert_element_type3A_269 : vector<2048x1xf32> to vector<2048x128xf32>
    %ge3A_271 = vector.broadcast %select_n3A_215 : vector<1x128xf32> to vector<2048x128xf32>
    %ge3A_272 = arith.cmpf oge, %ge3A_270, %ge3A_271 : vector<2048x128xf32>
    %slice3A_273 = vector.extract_strided_slice %iota3A {offsets = [0, 0], sizes = [1, 128], strides = [1, 1]} : vector<2048x128xi32> to vector<1x128xi32>
    %lt3A = arith.constant 8 : i32
    %lt3A_274 = vector.broadcast %lt3A : i32 to vector<1x128xi32>
    %lt3A_275 = arith.cmpi slt, %slice3A_273, %lt3A_274 : vector<1x128xi32>
    %and3A = vector.broadcast %lt3A_275 : vector<1x128xi1> to vector<2048x128xi1>
    %and3A_276 = arith.andi %ge3A_272, %and3A : vector<2048x128xi1>
    %jit3A_277 = arith.constant 1.000000e+00 : f32
    %jit3A_278 = arith.constant 0.000000e+00 : f32
    %broadcast_in_dim3A_279 = vector.broadcast %jit3A_277 : f32 to vector<2048x128xf32>
    %broadcast_in_dim3A_280 = vector.broadcast %jit3A_278 : f32 to vector<2048x128xf32>
    %select_n3A_281 = arith.select %and3A_276, %broadcast_in_dim3A_279, %broadcast_in_dim3A_280 : vector<2048x128xi1>, vector<2048x128xf32>
    %reduce_sum3A_282 = arith.constant dense<0.000000e+00> : vector<2048xf32>
    %reduce_sum3A_283 = vector.multi_reduction <add>, %select_n3A_281, %reduce_sum3A_282 [1] : vector<2048x128xf32> to vector<2048xf32>
    %broadcast_in_dim3A_284 = vector.shape_cast %reduce_sum3A_283 : vector<2048xf32> to vector<2048x1xf32>
    %min3A = arith.constant 7.000000e+00 : f32
    %min3A_285 = vector.broadcast %min3A : f32 to vector<2048x1xf32>
    %min3A_286 = arith.minimumf %broadcast_in_dim3A_284, %min3A_285 : vector<2048x1xf32>
    %eq3A_287 = arith.constant 0 : i32
    %eq3A_288 = vector.broadcast %eq3A_287 : i32 to vector<2048x128xi32>
    %eq3A_289 = arith.cmpi eq, %iota3A, %eq3A_288 : vector<2048x128xi32>
    %jit3A_290 = arith.constant 0.000000e+00 : f32
    %broadcast_in_dim3A_291 = vector.shape_cast %broadcast_in_dim3A_235 : vector<2048x1xf32> to vector<2048x1xf32>
    %broadcast_in_dim3A_292 = vector.broadcast %broadcast_in_dim3A_291 : vector<2048x1xf32> to vector<2048x128xf32>
    %broadcast_in_dim3A_293 = vector.broadcast %jit3A_290 : f32 to vector<2048x128xf32>
    %select_n3A_294 = arith.select %eq3A_289, %broadcast_in_dim3A_292, %broadcast_in_dim3A_293 : vector<2048x128xi1>, vector<2048x128xf32>
    %eq3A_295 = arith.constant 1 : i32
    %eq3A_296 = vector.broadcast %eq3A_295 : i32 to vector<2048x128xi32>
    %eq3A_297 = arith.cmpi eq, %iota3A, %eq3A_296 : vector<2048x128xi32>
    %jit3A_298 = arith.constant 0.000000e+00 : f32
    %broadcast_in_dim3A_299 = vector.shape_cast %broadcast_in_dim3A_243 : vector<2048x1xf32> to vector<2048x1xf32>
    %broadcast_in_dim3A_300 = vector.broadcast %broadcast_in_dim3A_299 : vector<2048x1xf32> to vector<2048x128xf32>
    %broadcast_in_dim3A_301 = vector.broadcast %jit3A_298 : f32 to vector<2048x128xf32>
    %select_n3A_302 = arith.select %eq3A_297, %broadcast_in_dim3A_300, %broadcast_in_dim3A_301 : vector<2048x128xi1>, vector<2048x128xf32>
    %add3A_303 = arith.addf %select_n3A_294, %select_n3A_302 : vector<2048x128xf32>
    %eq3A_304 = arith.constant 2 : i32
    %eq3A_305 = vector.broadcast %eq3A_304 : i32 to vector<2048x128xi32>
    %eq3A_306 = arith.cmpi eq, %iota3A, %eq3A_305 : vector<2048x128xi32>
    %jit3A_307 = arith.constant 0.000000e+00 : f32
    %broadcast_in_dim3A_308 = vector.shape_cast %broadcast_in_dim3A_253 : vector<2048x1xf32> to vector<2048x1xf32>
    %broadcast_in_dim3A_309 = vector.broadcast %broadcast_in_dim3A_308 : vector<2048x1xf32> to vector<2048x128xf32>
    %broadcast_in_dim3A_310 = vector.broadcast %jit3A_307 : f32 to vector<2048x128xf32>
    %select_n3A_311 = arith.select %eq3A_306, %broadcast_in_dim3A_309, %broadcast_in_dim3A_310 : vector<2048x128xi1>, vector<2048x128xf32>
    %add3A_312 = arith.addf %add3A_303, %select_n3A_311 : vector<2048x128xf32>
    %eq3A_313 = arith.constant 3 : i32
    %eq3A_314 = vector.broadcast %eq3A_313 : i32 to vector<2048x128xi32>
    %eq3A_315 = arith.cmpi eq, %iota3A, %eq3A_314 : vector<2048x128xi32>
    %jit3A_316 = arith.constant 0.000000e+00 : f32
    %broadcast_in_dim3A_317 = vector.shape_cast %broadcast_in_dim3A_264 : vector<2048x1xf32> to vector<2048x1xf32>
    %broadcast_in_dim3A_318 = vector.broadcast %broadcast_in_dim3A_317 : vector<2048x1xf32> to vector<2048x128xf32>
    %broadcast_in_dim3A_319 = vector.broadcast %jit3A_316 : f32 to vector<2048x128xf32>
    %select_n3A_320 = arith.select %eq3A_315, %broadcast_in_dim3A_318, %broadcast_in_dim3A_319 : vector<2048x128xi1>, vector<2048x128xf32>
    %add3A_321 = arith.addf %add3A_312, %select_n3A_320 : vector<2048x128xf32>
    %eq3A_322 = arith.constant 4 : i32
    %eq3A_323 = vector.broadcast %eq3A_322 : i32 to vector<2048x128xi32>
    %eq3A_324 = arith.cmpi eq, %iota3A, %eq3A_323 : vector<2048x128xi32>
    %jit3A_325 = arith.constant 0.000000e+00 : f32
    %broadcast_in_dim3A_326 = vector.shape_cast %min3A_286 : vector<2048x1xf32> to vector<2048x1xf32>
    %broadcast_in_dim3A_327 = vector.broadcast %broadcast_in_dim3A_326 : vector<2048x1xf32> to vector<2048x128xf32>
    %broadcast_in_dim3A_328 = vector.broadcast %jit3A_325 : f32 to vector<2048x128xf32>
    %select_n3A_329 = arith.select %eq3A_324, %broadcast_in_dim3A_327, %broadcast_in_dim3A_328 : vector<2048x128xi1>, vector<2048x128xf32>
    %add3A_330 = arith.addf %add3A_321, %select_n3A_329 : vector<2048x128xf32>
    %eq3A_331 = arith.constant 5 : i32
    %eq3A_332 = vector.broadcast %eq3A_331 : i32 to vector<2048x128xi32>
    %eq3A_333 = arith.cmpi eq, %iota3A, %eq3A_332 : vector<2048x128xi32>
    %jit3A_334 = arith.constant 0.000000e+00 : f32
    %broadcast_in_dim3A_335 = vector.broadcast %mul3A_122 : f32 to vector<2048x128xf32>
    %broadcast_in_dim3A_336 = vector.broadcast %jit3A_334 : f32 to vector<2048x128xf32>
    %select_n3A_337 = arith.select %eq3A_333, %broadcast_in_dim3A_335, %broadcast_in_dim3A_336 : vector<2048x128xi1>, vector<2048x128xf32>
    %add3A_338 = arith.addf %add3A_330, %select_n3A_337 : vector<2048x128xf32>
    %swap3A = arith.constant 0 : index
    %swap3A_339 = arith.constant 0 : index
    %swap3A_340 = vector.load %arg1[%swap3A, %swap3A_339] : memref<2048x128xf32, #tpu.memory_space<vmem>>, vector<2048x128xf32>
    tpu.vector_store %arg1[%swap3A, %swap3A_339], %add3A_338 {strides = array<i32>} : memref<2048x128xf32, #tpu.memory_space<vmem>>, vector<2048x128xf32>,
    return
  }
}

module attributes {stable_mosaic.version = 14 : i64} {
  func.func @_gmm_kernel(%arg0: i32, %arg1: i32, %arg2: memref<24xi32, #tpu.memory_space<smem>>, %arg3: memref<1xi32, #tpu.memory_space<smem>>, %arg4: memref<256x1024xbf16, #tpu.memory_space<vmem>>, %arg5: memref<1x2048x1024xbf16, #tpu.memory_space<vmem>>, %arg6: memref<1x2048x1024xbf16, #tpu.memory_space<vmem>>, %arg7: memref<1x1024x2048xbf16, #tpu.memory_space<vmem>>, %arg8: memref<1x1x2048xf32, #tpu.memory_space<vmem>>, %arg9: memref<1x1x2048xf32, #tpu.memory_space<vmem>>, %arg10: memref<1x1x1024xf32, #tpu.memory_space<vmem>>, %arg11: memref<1x256x1024xbf16, #tpu.memory_space<vmem>>) attributes {dimension_semantics = [#tpu.dimension_semantics<arbitrary>, #tpu.dimension_semantics<arbitrary>], iteration_bounds = array<i64: 2, 24>, scalar_prefetch = 2 : i64, scratch_operands = 0 : i64, tpu.core_type = #tpu.core_type<tc>, window_params = [{transform_indices = @transform_0, window_bounds = array<i64: 256, 1024>}, {transform_indices = @transform_1, window_bounds = array<i64: 1, 2048, 1024>}, {transform_indices = @transform_2, window_bounds = array<i64: 1, 2048, 1024>}, {transform_indices = @transform_3, window_bounds = array<i64: 1, 1024, 2048>}, {transform_indices = @transform_4, window_bounds = array<i64: 1, 1, 2048>}, {transform_indices = @transform_5, window_bounds = array<i64: 1, 1, 2048>}, {transform_indices = @transform_6, window_bounds = array<i64: 1, 1, 1024>}, {transform_indices = @transform_7, window_bounds = array<i64: 1, 256, 1024>}]} {
    %get3A = arith.constant 0 : index
    %get3A_0 = memref.load %arg3[%get3A] : memref<1xi32, #tpu.memory_space<smem>>
    %lt3A = arith.cmpi slt, %arg1, %get3A_0 : i32
    %convert_element_type3A = arith.extui %lt3A : i1 to i32
    %cond3A = arith.constant 0 : i32
    %cond3A_1 = arith.cmpi ne, %convert_element_type3A, %cond3A : i32
    scf.if %cond3A_1 {
      %get3A_2 = arith.constant 0 : index
      %get3A_3 = arith.constant 0 : index
      %get3A_4 = vector.load %arg4[%get3A_2, %get3A_3] : memref<256x1024xbf16, #tpu.memory_space<vmem>>, vector<256x1024xbf16>
      %get3A_5 = arith.constant 0 : index
      %get3A_6 = arith.constant 0 : index
      %get3A_7 = arith.constant 0 : index
      %get3A_8 = vector.load %arg5[%get3A_5, %get3A_6, %get3A_7] : memref<1x2048x1024xbf16, #tpu.memory_space<vmem>>, vector<1x2048x1024xbf16>
      %get3A_9 = vector.shape_cast %get3A_8 : vector<1x2048x1024xbf16> to vector<2048x1024xbf16>
      %dot_general3A = arith.constant dense<0.000000e+00> : vector<256x2048xf32>
      %dot_general3A_10 = tpu.matmul %get3A_4, %get3A_9, %dot_general3A {dimension_numbers = #tpu.dot_dimension_numbers<[1], [1], [0], [0], [0, 0, 1, 0], [], []>, transpose_lhs_hint = false} : vector<256x1024xbf16>, vector<2048x1024xbf16>, vector<256x2048xf32> -> vector<256x2048xf32>
      %get3A_11 = arith.constant 0 : index
      %get3A_12 = arith.constant 0 : index
      %get3A_13 = arith.constant 0 : index
      %get3A_14 = vector.load %arg8[%get3A_11, %get3A_12, %get3A_13] : memref<1x1x2048xf32, #tpu.memory_space<vmem>>, vector<1x1x2048xf32>
      %get3A_15 = vector.shape_cast %get3A_14 : vector<1x1x2048xf32> to vector<2048xf32>
      %broadcast_in_dim3A = vector.shape_cast %get3A_15 : vector<2048xf32> to vector<1x2048xf32>
      %add3A = vector.broadcast %broadcast_in_dim3A : vector<1x2048xf32> to vector<256x2048xf32>
      %add3A_16 = arith.addf %dot_general3A_10, %add3A : vector<256x2048xf32>
      %get3A_17 = arith.constant 0 : index
      %get3A_18 = arith.constant 0 : index
      %get3A_19 = arith.constant 0 : index
      %get3A_20 = vector.load %arg6[%get3A_17, %get3A_18, %get3A_19] : memref<1x2048x1024xbf16, #tpu.memory_space<vmem>>, vector<1x2048x1024xbf16>
      %get3A_21 = vector.shape_cast %get3A_20 : vector<1x2048x1024xbf16> to vector<2048x1024xbf16>
      %dot_general3A_22 = arith.constant dense<0.000000e+00> : vector<256x2048xf32>
      %dot_general3A_23 = tpu.matmul %get3A_4, %get3A_21, %dot_general3A_22 {dimension_numbers = #tpu.dot_dimension_numbers<[1], [1], [0], [0], [0, 0, 1, 0], [], []>, transpose_lhs_hint = false} : vector<256x1024xbf16>, vector<2048x1024xbf16>, vector<256x2048xf32> -> vector<256x2048xf32>
      %get3A_24 = arith.constant 0 : index
      %get3A_25 = arith.constant 0 : index
      %get3A_26 = arith.constant 0 : index
      %get3A_27 = vector.load %arg9[%get3A_24, %get3A_25, %get3A_26] : memref<1x1x2048xf32, #tpu.memory_space<vmem>>, vector<1x1x2048xf32>
      %get3A_28 = vector.shape_cast %get3A_27 : vector<1x1x2048xf32> to vector<2048xf32>
      %broadcast_in_dim3A_29 = vector.shape_cast %get3A_28 : vector<2048xf32> to vector<1x2048xf32>
      %add3A_30 = vector.broadcast %broadcast_in_dim3A_29 : vector<1x2048xf32> to vector<256x2048xf32>
      %add3A_31 = arith.addf %dot_general3A_23, %add3A_30 : vector<256x2048xf32>
      %logistic3A = arith.negf %add3A_16 : vector<256x2048xf32>
      %logistic3A_32 = math.exp %logistic3A : vector<256x2048xf32>
      %logistic3A_33 = arith.constant 1.000000e+00 : f32
      %logistic3A_34 = vector.broadcast %logistic3A_33 : f32 to vector<256x2048xf32>
      %logistic3A_35 = arith.addf %logistic3A_34, %logistic3A_32 : vector<256x2048xf32>
      %logistic3A_36 = arith.divf %logistic3A_34, %logistic3A_35 : vector<256x2048xf32>
      %mul3A = arith.mulf %add3A_16, %logistic3A_36 : vector<256x2048xf32>
      %mul3A_37 = arith.mulf %add3A_31, %mul3A : vector<256x2048xf32>
      %convert_element_type3A_38 = arith.truncf %mul3A_37 : vector<256x2048xf32> to vector<256x2048xbf16>
      %get3A_39 = arith.constant 0 : index
      %get3A_40 = arith.constant 0 : index
      %get3A_41 = arith.constant 0 : index
      %get3A_42 = vector.load %arg7[%get3A_39, %get3A_40, %get3A_41] : memref<1x1024x2048xbf16, #tpu.memory_space<vmem>>, vector<1x1024x2048xbf16>
      %get3A_43 = vector.shape_cast %get3A_42 : vector<1x1024x2048xbf16> to vector<1024x2048xbf16>
      %dot_general3A_44 = arith.constant dense<0.000000e+00> : vector<256x1024xf32>
      %dot_general3A_45 = tpu.matmul %convert_element_type3A_38, %get3A_43, %dot_general3A_44 {dimension_numbers = #tpu.dot_dimension_numbers<[1], [1], [0], [0], [0, 0, 1, 0], [], []>, transpose_lhs_hint = false} : vector<256x2048xbf16>, vector<1024x2048xbf16>, vector<256x1024xf32> -> vector<256x1024xf32>
      %get3A_46 = arith.constant 0 : index
      %get3A_47 = arith.constant 0 : index
      %get3A_48 = arith.constant 0 : index
      %get3A_49 = vector.load %arg10[%get3A_46, %get3A_47, %get3A_48] : memref<1x1x1024xf32, #tpu.memory_space<vmem>>, vector<1x1x1024xf32>
      %get3A_50 = vector.shape_cast %get3A_49 : vector<1x1x1024xf32> to vector<1024xf32>
      %broadcast_in_dim3A_51 = vector.shape_cast %get3A_50 : vector<1024xf32> to vector<1x1024xf32>
      %eq3A = arith.constant 0 : i32
      %eq3A_52 = arith.cmpi eq, %arg0, %eq3A : i32
      %convert_element_type3A_53 = arith.extui %eq3A_52 : i1 to i32
      %convert_element_type3A_54 = arith.sitofp %convert_element_type3A_53 : i32 to f32
      %mul3A_55 = vector.broadcast %convert_element_type3A_54 : f32 to vector<1x1024xf32>
      %mul3A_56 = arith.mulf %broadcast_in_dim3A_51, %mul3A_55 : vector<1x1024xf32>
      %add3A_57 = vector.broadcast %mul3A_56 : vector<1x1024xf32> to vector<256x1024xf32>
      %add3A_58 = arith.addf %dot_general3A_45, %add3A_57 : vector<256x1024xf32>
      %convert_element_type3A_59 = arith.truncf %add3A_58 : vector<256x1024xf32> to vector<256x1024xbf16>
      %swap3A = arith.constant 0 : index
      %swap3A_60 = arith.constant 0 : index
      %swap3A_61 = arith.constant 0 : index
      %swap3A_62 = vector.load %arg11[%swap3A, %swap3A_60, %swap3A_61] : memref<1x256x1024xbf16, #tpu.memory_space<vmem>>, vector<1x256x1024xbf16>
      %swap3A_63 = vector.shape_cast %swap3A_62 : vector<1x256x1024xbf16> to vector<256x1024xbf16>
      %swap3A_64 = vector.shape_cast %convert_element_type3A_59 : vector<256x1024xbf16> to vector<1x256x1024xbf16>
      tpu.vector_store %arg11[%swap3A, %swap3A_60, %swap3A_61], %swap3A_64 {strides = array<i32>} : memref<1x256x1024xbf16, #tpu.memory_space<vmem>>, vector<1x256x1024xbf16>,
    } else {
    }
    return
  }
  func.func @transform_0(%arg0: i32, %arg1: i32, %arg2: memref<24xi32, #tpu.memory_space<smem>>, %arg3: memref<1xi32, #tpu.memory_space<smem>>) -> (i32, i32) {
    %c0_i32 = arith.constant 0 : i32
    %c0_i32_0 = arith.constant 0 : i32
    return %arg1, %c0_i32 : i32, i32
  }
  func.func @transform_1(%arg0: i32, %arg1: i32, %arg2: memref<24xi32, #tpu.memory_space<smem>>, %arg3: memref<1xi32, #tpu.memory_space<smem>>) -> (i32, i32, i32) {
    %get3A = arith.index_cast %arg1 : i32 to index
    %get3A_0 = memref.load %arg2[%get3A] : memref<24xi32, #tpu.memory_space<smem>>
    %c0_i32 = arith.constant 0 : i32
    %c0_i32_1 = arith.constant 0 : i32
    return %get3A_0, %arg0, %c0_i32 : i32, i32, i32
  }
  func.func @transform_2(%arg0: i32, %arg1: i32, %arg2: memref<24xi32, #tpu.memory_space<smem>>, %arg3: memref<1xi32, #tpu.memory_space<smem>>) -> (i32, i32, i32) {
    %get3A = arith.index_cast %arg1 : i32 to index
    %get3A_0 = memref.load %arg2[%get3A] : memref<24xi32, #tpu.memory_space<smem>>
    %c0_i32 = arith.constant 0 : i32
    %c0_i32_1 = arith.constant 0 : i32
    return %get3A_0, %arg0, %c0_i32 : i32, i32, i32
  }
  func.func @transform_3(%arg0: i32, %arg1: i32, %arg2: memref<24xi32, #tpu.memory_space<smem>>, %arg3: memref<1xi32, #tpu.memory_space<smem>>) -> (i32, i32, i32) {
    %get3A = arith.index_cast %arg1 : i32 to index
    %get3A_0 = memref.load %arg2[%get3A] : memref<24xi32, #tpu.memory_space<smem>>
    %c0_i32 = arith.constant 0 : i32
    %c0_i32_1 = arith.constant 0 : i32
    return %get3A_0, %c0_i32, %arg0 : i32, i32, i32
  }
  func.func @transform_4(%arg0: i32, %arg1: i32, %arg2: memref<24xi32, #tpu.memory_space<smem>>, %arg3: memref<1xi32, #tpu.memory_space<smem>>) -> (i32, i32, i32) {
    %get3A = arith.index_cast %arg1 : i32 to index
    %get3A_0 = memref.load %arg2[%get3A] : memref<24xi32, #tpu.memory_space<smem>>
    %mul3A = arith.constant 2 : i32
    %mul3A_1 = arith.muli %get3A_0, %mul3A : i32
    %add3A = arith.addi %mul3A_1, %arg0 : i32
    %c0_i32 = arith.constant 0 : i32
    %c0_i32_2 = arith.constant 0 : i32
    %c0_i32_3 = arith.constant 0 : i32
    return %add3A, %c0_i32, %c0_i32_2 : i32, i32, i32
  }
  func.func @transform_5(%arg0: i32, %arg1: i32, %arg2: memref<24xi32, #tpu.memory_space<smem>>, %arg3: memref<1xi32, #tpu.memory_space<smem>>) -> (i32, i32, i32) {
    %get3A = arith.index_cast %arg1 : i32 to index
    %get3A_0 = memref.load %arg2[%get3A] : memref<24xi32, #tpu.memory_space<smem>>
    %mul3A = arith.constant 2 : i32
    %mul3A_1 = arith.muli %get3A_0, %mul3A : i32
    %add3A = arith.addi %mul3A_1, %arg0 : i32
    %c0_i32 = arith.constant 0 : i32
    %c0_i32_2 = arith.constant 0 : i32
    %c0_i32_3 = arith.constant 0 : i32
    return %add3A, %c0_i32, %c0_i32_2 : i32, i32, i32
  }
  func.func @transform_6(%arg0: i32, %arg1: i32, %arg2: memref<24xi32, #tpu.memory_space<smem>>, %arg3: memref<1xi32, #tpu.memory_space<smem>>) -> (i32, i32, i32) {
    %get3A = arith.index_cast %arg1 : i32 to index
    %get3A_0 = memref.load %arg2[%get3A] : memref<24xi32, #tpu.memory_space<smem>>
    %c0_i32 = arith.constant 0 : i32
    %c0_i32_1 = arith.constant 0 : i32
    %c0_i32_2 = arith.constant 0 : i32
    return %get3A_0, %c0_i32, %c0_i32_1 : i32, i32, i32
  }
  func.func @transform_7(%arg0: i32, %arg1: i32, %arg2: memref<24xi32, #tpu.memory_space<smem>>, %arg3: memref<1xi32, #tpu.memory_space<smem>>) -> (i32, i32, i32) {
    %c0_i32 = arith.constant 0 : i32
    %c0_i32_0 = arith.constant 0 : i32
    return %arg0, %arg1, %c0_i32 : i32, i32, i32
  }
}

module attributes {stable_mosaic.version = 14 : i64} {
  func.func @_combine_kernel(%arg0: i32, %arg1: memref<256x1024xf32, #tpu.memory_space<vmem>>, %arg2: memref<256x1xf32, #tpu.memory_space<vmem>>, %arg3: memref<256x1xf32, #tpu.memory_space<vmem>>, %arg4: memref<256x1024xbf16, #tpu.memory_space<vmem>>, %arg5: memref<256x1024xbf16, #tpu.memory_space<vmem>>, %arg6: memref<256x1024xbf16, #tpu.memory_space<vmem>>, %arg7: memref<256x1024xbf16, #tpu.memory_space<vmem>>, %arg8: memref<256x1024xf32, #tpu.memory_space<vmem>>) attributes {dimension_semantics = [#tpu.dimension_semantics<arbitrary>], iteration_bounds = array<i64: 8>, scalar_prefetch = 0 : i64, scratch_operands = 0 : i64, tpu.core_type = #tpu.core_type<tc>, window_params = [{transform_indices = @transform_0, window_bounds = array<i64: 256, 1024>}, {transform_indices = @transform_1, window_bounds = array<i64: 256, 1>}, {transform_indices = @transform_2, window_bounds = array<i64: 256, 1>}, {transform_indices = @transform_3, window_bounds = array<i64: 256, 1024>}, {transform_indices = @transform_4, window_bounds = array<i64: 256, 1024>}, {transform_indices = @transform_5, window_bounds = array<i64: 256, 1024>}, {transform_indices = @transform_6, window_bounds = array<i64: 256, 1024>}, {transform_indices = @transform_7, window_bounds = array<i64: 256, 1024>}]} {
    %get3A = arith.constant 0 : index
    %get3A_0 = arith.constant 0 : index
    %get3A_1 = vector.load %arg4[%get3A, %get3A_0] : memref<256x1024xbf16, #tpu.memory_space<vmem>>, vector<256x1024xbf16>
    %convert_element_type3A = arith.extf %get3A_1 : vector<256x1024xbf16> to vector<256x1024xf32>
    %get3A_2 = arith.constant 0 : index
    %get3A_3 = arith.constant 0 : index
    %get3A_4 = vector.load %arg6[%get3A_2, %get3A_3] : memref<256x1024xbf16, #tpu.memory_space<vmem>>, vector<256x1024xbf16>
    %convert_element_type3A_5 = arith.extf %get3A_4 : vector<256x1024xbf16> to vector<256x1024xf32>
    %add3A = arith.addf %convert_element_type3A, %convert_element_type3A_5 : vector<256x1024xf32>
    %get3A_6 = arith.constant 0 : index
    %get3A_7 = arith.constant 0 : index
    %get3A_8 = vector.load %arg5[%get3A_6, %get3A_7] : memref<256x1024xbf16, #tpu.memory_space<vmem>>, vector<256x1024xbf16>
    %convert_element_type3A_9 = arith.extf %get3A_8 : vector<256x1024xbf16> to vector<256x1024xf32>
    %get3A_10 = arith.constant 0 : index
    %get3A_11 = arith.constant 0 : index
    %get3A_12 = vector.load %arg7[%get3A_10, %get3A_11] : memref<256x1024xbf16, #tpu.memory_space<vmem>>, vector<256x1024xbf16>
    %convert_element_type3A_13 = arith.extf %get3A_12 : vector<256x1024xbf16> to vector<256x1024xf32>
    %add3A_14 = arith.addf %convert_element_type3A_9, %convert_element_type3A_13 : vector<256x1024xf32>
    %get3A_15 = arith.constant 0 : index
    %get3A_16 = arith.constant 0 : index
    %get3A_17 = vector.load %arg1[%get3A_15, %get3A_16] : memref<256x1024xf32, #tpu.memory_space<vmem>>, vector<256x1024xf32>
    %get3A_18 = arith.constant 0 : index
    %get3A_19 = arith.constant 0 : index
    %get3A_20 = vector.load %arg2[%get3A_18, %get3A_19] : memref<256x1xf32, #tpu.memory_space<vmem>>, vector<256x1xf32>
    %mul3A = vector.broadcast %get3A_20 : vector<256x1xf32> to vector<256x1024xf32>
    %mul3A_21 = arith.mulf %mul3A, %add3A : vector<256x1024xf32>
    %add3A_22 = arith.addf %get3A_17, %mul3A_21 : vector<256x1024xf32>
    %get3A_23 = arith.constant 0 : index
    %get3A_24 = arith.constant 0 : index
    %get3A_25 = vector.load %arg3[%get3A_23, %get3A_24] : memref<256x1xf32, #tpu.memory_space<vmem>>, vector<256x1xf32>
    %mul3A_26 = vector.broadcast %get3A_25 : vector<256x1xf32> to vector<256x1024xf32>
    %mul3A_27 = arith.mulf %mul3A_26, %add3A_14 : vector<256x1024xf32>
    %add3A_28 = arith.addf %add3A_22, %mul3A_27 : vector<256x1024xf32>
    %swap3A = arith.constant 0 : index
    %swap3A_29 = arith.constant 0 : index
    %swap3A_30 = vector.load %arg8[%swap3A, %swap3A_29] : memref<256x1024xf32, #tpu.memory_space<vmem>>, vector<256x1024xf32>
    tpu.vector_store %arg8[%swap3A, %swap3A_29], %add3A_28 {strides = array<i32>} : memref<256x1024xf32, #tpu.memory_space<vmem>>, vector<256x1024xf32>,
    return
  }
  func.func @transform_0(%arg0: i32) -> (i32, i32) {
    %c0_i32 = arith.constant 0 : i32
    %c0_i32_0 = arith.constant 0 : i32
    return %arg0, %c0_i32 : i32, i32
  }
  func.func @transform_1(%arg0: i32) -> (i32, i32) {
    %c0_i32 = arith.constant 0 : i32
    %c0_i32_0 = arith.constant 0 : i32
    return %arg0, %c0_i32 : i32, i32
  }
  func.func @transform_2(%arg0: i32) -> (i32, i32) {
    %c0_i32 = arith.constant 0 : i32
    %c0_i32_0 = arith.constant 0 : i32
    return %arg0, %c0_i32 : i32, i32
  }
  func.func @transform_3(%arg0: i32) -> (i32, i32) {
    %c0_i32 = arith.constant 0 : i32
    %c0_i32_0 = arith.constant 0 : i32
    return %arg0, %c0_i32 : i32, i32
  }
  func.func @transform_4(%arg0: i32) -> (i32, i32) {
    %add3A = arith.constant 8 : i32
    %add3A_0 = arith.addi %arg0, %add3A : i32
    %c0_i32 = arith.constant 0 : i32
    %c0_i32_1 = arith.constant 0 : i32
    return %add3A_0, %c0_i32 : i32, i32
  }
  func.func @transform_5(%arg0: i32) -> (i32, i32) {
    %add3A = arith.constant 16 : i32
    %add3A_0 = arith.addi %arg0, %add3A : i32
    %c0_i32 = arith.constant 0 : i32
    %c0_i32_1 = arith.constant 0 : i32
    return %add3A_0, %c0_i32 : i32, i32
  }
  func.func @transform_6(%arg0: i32) -> (i32, i32) {
    %add3A = arith.constant 24 : i32
    %add3A_0 = arith.addi %arg0, %add3A : i32
    %c0_i32 = arith.constant 0 : i32
    %c0_i32_1 = arith.constant 0 : i32
    return %add3A_0, %c0_i32 : i32, i32
  }
  func.func @transform_7(%arg0: i32) -> (i32, i32) {
    %c0_i32 = arith.constant 0 : i32
    %c0_i32_0 = arith.constant 0 : i32
    return %arg0, %c0_i32 : i32, i32
  }
}

</mosaic_0001>

<sc_bundles>
// kernel: kernel.10.cloned.1.call-start
scs
__scs_entry_jumppad:
0x0: {  	(pc) =	sbr.rel $0x88, $3  }
0x1: {  	(tag) =	ssettag $0x0;
	lr =	simm.s32 $0x1  }
0x2: {  	[smem:$0x3F91] =	sst lr;
	_ =	strace $0xD0000000  }
0x3: {  	_ = 	snop  }
0x4: {  	_ = 	snop  }
0x5: {  	_ = 	snop  }
0x6: {  	_ = 	snop  }
0x7: {  	_ = 	snop  }
__scs_overlays_trampoline_lowered:
0x8: {  	[smem:$0x3FA0] =	sst s0  }
0x9: {  	[smem:$0x3FA1] =	sst s1  }
0xa: {  	[smem:$0x3FA2] =	sst s2  }
0xb: {  	[smem:$0x3FA3] =	sst s3  }
0xc: {  	[smem:$0x3FA4] =	sst s4  }
0xd: {  	[smem:$0x3FA5] =	sst s5  }
0xe: {  	[smem:$0x3FA6] =	sst s6  }
0xf: {  	[smem:$0x3FA7] =	sst s7  }
0x10: {  	[smem:$0x3FA8] =	sst s8  }
0x11: {  	[smem:$0x3FA9] =	sst s9;
	s0 =	simm.s32 @!p0 $0x0  }
0x12: {  	s1 =	sld [smem:$0x3F8F];
	s0 =	simm.s32 @p0 $0x1  }
0x13: {  	[smem:$0x3FAA] =	sst s0;
	s0 =	simm.s32 @!p1 $0x0  }
0x14: {  	s2 =	sld [smem:$0x3F8E];
	s0 =	simm.s32 @p1 $0x1  }
0x15: {  	[smem:$0x3FAB] =	sst s0;
	s0 =	simm.s32 @!p2 $0x0  }
0x16: {  	s3 =	sld [smem:$0x3FDB];
	s0 =	simm.s32 @p2 $0x1  }
0x17: {  	s4 =	simm.s32 $0x1BF5;
	[smem:$0x3FAD] =	sst s0  }
0x18: {  	s0 =	sld [smem:$0x3F90];
	_ =	swait.ge [sflag:s4], $0x0  }
0x19: {  	s7 =	sld [smem:$0x3F91]  }
0x1a: {  	s8 =	sadd.s32 $0xFFFFE003, lr  }
0x1b: {  	s9 =	sadd.s32 $0xFFFFFEF7, lr;
	s5 =	simm.s32 $0xFFFFFFFF;
	p2 =	slt.u32 s8, $0xFFFFF086  }
0x1c: {  	p1 =	slt.u32 s9, $0xF7A;
	s5 =	simm.s32 @!p2 $0x0  }
0x1d: {  	s5 =	simm.s32 @p1 $0x1;
	p0 =	seq.s32 s7, s2  }
0x1e: {  	s7 =	smul.u32 @!p0 $0xF7A, s2;
	p2 =	seq.s32 @!p0 s5, $0x0  }
0x1f: {  	s9 =	smul.u32 $0xF7A, s1;
	s8 =	simm.s32 @!p0 $0x1BF5;
	p2 =	por !p2, p0  }
0x20: {  	[sflag:s8] =	ssyncset.s32 @!p0 $0xFFFFF086;
	s6 =	sadd.s32 @!p0 s3, s7;
	s7 =	simm.s32 @!p0 $0x108  }
0x21: {  	s3 =	sadd.s32 s3, s9;
	s6 =	sadd.s32 @!p0 $0x88, s6;
	s7 =	simm.s32 @p2 $0x1082  }
0x22: {  	[simem:s7], [sflag:s8] =	dma.local @!p0 [hbm:s6], $0xF7A  }
0x23: {  	s9 =	sor.u32 $0xD0000000, s2;
	s6 =	simm.s32 $0x108;
	_ =	swait.ge @!p0 [sflag:s8], $0x0  }
0x24: {  	s3 =	sadd.s32 $0x88, s3;
	s6 =	simm.s32 @!p1 $0x1082;
	[sflag:s4] =	ssyncset.s32 $0xFFFFF086  }
0x25: {  	[simem:s6], [sflag:s4] =	dma.local [hbm:s3], $0xF7A  }
0x26: {  	[smem:$0x3F91] =	sst s1;
	(tag) =	ssettag s2;
	_ =	strace s9  }
0x27: {  	s1 =	sld [smem:$0x3FA1]  }
0x28: {  	s2 =	sld [smem:$0x3FA2]  }
0x29: {  	s4 =	sld [smem:$0x3FA4]  }
0x2a: {  	p0 =	seq.s32 s5, $0x0;
	s5 =	sld [smem:$0x3FA5]  }
0x2b: {  	s6 =	sld [smem:$0x3FA6]  }
0x2c: {  	s7 =	sld [smem:$0x3FA7]  }
0x2d: {  	s3 =	simm.s32 $0x108;
	s8 =	sld [smem:$0x3FA8]  }
0x2e: {  	s3 =	simm.s32 @!p0 $0x1082;
	s9 =	sld [smem:$0x3FA9]  }
0x2f: {  	lr =	sadd.s32 s0, s3;
	s0 =	sld [smem:$0x3FA0]  }
0x30: {  	s3 =	sld [smem:$0x3FA3]  }
0x31: {  	[smem:$0x3FAC] =	sst s10  }
0x32: {  	s10 =	sld [smem:$0x3FAA];
	_ =	sdelay $0x3  }
0x33: {  	p0 =	seq.s32 s10, $0x1;
	s10 =	sld [smem:$0x3FAC];
	_ =	sdelay $0x3  }
0x34: {  	[smem:$0x3FAC] =	sst s10  }
0x35: {  	s10 =	sld [smem:$0x3FAB];
	_ =	sdelay $0x3  }
0x36: {  	p1 =	seq.s32 s10, $0x1;
	s10 =	sld [smem:$0x3FAC];
	_ =	sdelay $0x3  }
0x37: {  	[smem:$0x3FAC] =	sst s10  }
0x38: {  	s10 =	sld [smem:$0x3FAD]  }
0x39: {  	_ = 	snop;
	(pc) =	sbr.ind lr, $3  }
0x3a: {  	_ = 	snop  }
0x3b: {  	_ = 	snop  }
0x3c: {  	p2 =	seq.s32 s10, $0x1;
	s10 =	sld [smem:$0x3FAC]  }
0x3d: {  	_ =	shalt  }
0x3e: {  	_ =	shalt  }
0x3f: {  	_ =	shalt  }
0x40: {  	_ =	shalt  }
0x41: {  	_ =	shalt  }
0x42: {  	_ =	shalt  }
0x43: {  	_ =	shalt  }
0x44: {  	_ =	shalt  }
0x45: {  	_ =	shalt  }
0x46: {  	_ =	shalt  }
0x47: {  	_ =	shalt  }
0x48: {  	_ =	shalt  }
0x49: {  	_ =	shalt  }
0x4a: {  	_ =	shalt  }
0x4b: {  	_ =	shalt  }
0x4c: {  	_ =	shalt  }
0x4d: {  	_ =	shalt  }
0x4e: {  	_ =	shalt  }
0x4f: {  	_ =	shalt  }
0x50: {  	_ =	shalt  }
0x51: {  	_ =	shalt  }
0x52: {  	_ =	shalt  }
0x53: {  	_ =	shalt  }
0x54: {  	_ =	shalt  }
0x55: {  	_ =	shalt  }
0x56: {  	_ =	shalt  }
0x57: {  	_ =	shalt  }
0x58: {  	_ =	shalt  }
0x59: {  	_ =	shalt  }
0x5a: {  	_ =	shalt  }
0x5b: {  	_ =	shalt  }
0x5c: {  	_ =	shalt  }
0x5d: {  	_ =	shalt  }
0x5e: {  	_ =	shalt  }
0x5f: {  	_ =	shalt  }
0x60: {  	_ =	shalt  }
0x61: {  	_ =	shalt  }
0x62: {  	_ =	shalt  }
0x63: {  	_ =	shalt  }
0x64: {  	_ =	shalt  }
0x65: {  	_ =	shalt  }
0x66: {  	_ =	shalt  }
0x67: {  	_ =	shalt  }
0x68: {  	_ =	shalt  }
0x69: {  	_ =	shalt  }
0x6a: {  	_ =	shalt  }
0x6b: {  	_ =	shalt  }
0x6c: {  	_ =	shalt  }
0x6d: {  	_ =	shalt  }
0x6e: {  	_ =	shalt  }
0x6f: {  	_ =	shalt  }
0x70: {  	_ =	shalt  }
0x71: {  	_ =	shalt  }
0x72: {  	_ =	shalt  }
0x73: {  	_ =	shalt  }
0x74: {  	_ =	shalt  }
0x75: {  	_ =	shalt  }
0x76: {  	_ =	shalt  }
0x77: {  	_ =	shalt  }
0x78: {  	_ =	shalt  }
0x79: {  	_ =	shalt  }
0x7a: {  	_ =	shalt  }
0x7b: {  	_ =	shalt  }
0x7c: {  	_ =	shalt  }
0x7d: {  	_ =	shalt  }
0x7e: {  	_ =	shalt  }
0x7f: {  	_ =	shalt  }
0x80: {  	_ =	shalt  }
0x81: {  	_ =	shalt  }
0x82: {  	_ =	shalt  }
0x83: {  	_ =	shalt  }
0x84: {  	_ =	shalt  }
0x85: {  	_ =	shalt  }
0x86: {  	_ =	shalt  }
0x87: {  	_ =	shalt  }
.Lfunc_end0:
.L_simem_size_0:
called_computation.2_lowered:
.L_overlay_start_0:
0x88: {  	s2 =	sld [smem:$0x3FD9]  }
0x89: {  	s3 =	sld [smem:$0x3FFE];
	_ =	sdelay $0x1  }
0x8a: {  	s1 =	srdreg.scid  }
0x8b: {  	s0 =	sand.u32 $0x1, s1  }
0x8c: {  	s16 =	sshll.u32 s0, $0xA;
	s2 =	sadd.s32 s3, s2  }
0x8d: {  	s2 =	sadd.s32 s2, s16  }
0x8e: {  	[smem:$0x3FB8] =	sst s2  }
0x8f: {  	_ = 	snop  }
0x90: {  	(tm) =	ssettm $0x1  }
0x91: {  	s17 =	sld [smem:$0x3FFB];
	_ =	sdelay $0x3  }
0x92: {  	_ =	strace s17  }
0x93: {  	s2 =	sld [smem:$0x3FFC];
	_ =	sdelay $0x3  }
0x94: {  	_ =	strace s2  }
0x95: {  	s2 =	sld [smem:$0x3FFD];
	_ =	sdelay $0x3  }
0x96: {  	_ =	strace s2  }
0x97: {  	_ =	strace $0x8FFFFFFF  }
0x98: {  	s18 =	sld [smem:$0x3FDB];
	_ =	sdelay $0x1  }
0x99: {  	s19 =	simm.s32 $_scs_section_size  }
0x9a: {  	s4 =	simm.s32 $_size__tile_overlayer_lowered;
	s5 =	simm.s32 $_tile_overlayer_lowered  }
0x9b: {  	s22 =	simm.s32 $0x1BFF;
	s21 =	sshll.u32 s5, $0x1;
	s2 =	sadd.s32 s19, s18  }
0x9c: {  	s6 =	simm.s32 $0x0;
	s20 =	sshll.u32 s4, $0x1;
	s4 =	sadd.s32 s21, s2  }
0x9d: {  	[timem:s6], [sflag:s22] =	dma.local [hbm:s4], s20  }
0x9e: {  	_ =	swait.ge [sflag:s22], s20  }
0x9f: {  	s3 =	ssub.s32 $0x0, s20;
	[sflag:s22] =	ssyncset.done $0x0  }
0xa0: {  	[sflag:s22] =	ssyncadd.s32 s3;
	_ =	sdelay $0x1  }
0xa1: {  	s23 =	simm.s32 $0x1B8B  }
0xa2: {  	_ =	swait.ge [sflag:s23], $0x1  }
0xa3: {  	[sflag:s23] =	ssyncset.done $0x0  }
0xa4: {  	s25 =	simm.s32 $0x1B8E;
	s24 =	sld [smem:$0x3FFE];
	[sflag:s23] =	ssyncadd.s32 $0xFFFFFFFF  }
0xa5: {  	s26 =	simm.s32 $execute0_lowered;
	[smem:$0x3FD2] =	sst s25  }
0xa6: {  	s4 =	sshll.u32 s26, $0x1;
	_ =	strace $0x80000046;
	[dreg:$0x1] =	wrdreg $0xFFFFFFFF  }
0xa7: {  	s28 =	simm.s32 $_size_execute0_lowered;
	s2 =	sadd.s32 s2, s4;
	[dreg:$0x0] =	wrdreg $0x0  }
0xa8: {  	s4 =	sshll.u32 s28, $0x1;
	[dreg:$0x2] =	wrdreg s2  }
0xa9: {  	[dreg:$0x3] =	wrdreg s4  }
0xaa: {  	[dreg:$0x4] =	wrdreg $0xC0  }
0xab: {  	_ =	task [dreg:s6], $0x5FFFF  }
0xac: {  	[dreg:$0x1] =	wrdreg $0xFFFFFFFF  }
0xad: {  	[dreg:$0x0] =	wrdreg $0x60  }
0xae: {  	[dreg:$0x2] =	wrdreg s24  }
0xaf: {  	[dreg:$0x3] =	wrdreg $0x9  }
0xb0: {  	_ =	task.clear_ibuf [dreg:s6], $0x4FFFF;
	_ =	strace $0x90000046  }
0xb1: {  	s29 =	simm.s32 $0x9;
	_ =	strace $0x8000004E  }
0xb2: {  	_ =	swait.ge [sflag:s29], $0x1  }
0xb3: {  	[sflag:s29] =	ssyncadd.s32 $0xFFFFFFFF  }
0xb4: {  	_ =	strace $0x9000004E  }
0xb5: {  	_ =	sfence  }
0xb6: {  	s30 =	sld [smem:$0x0];
	_ =	sdelay $0x2  }
0xb7: {  	s31 =	sshll.u32 s1, $0xD;
	s1 =	sshrl.u32 s1, $0x2  }
0xb8: {  	s3 =	sand.u32 $0x4000, s31;
	s1 =	sadd.s32 s1, s30  }
0xb9: {  	s0 =	sor.u32 s3, s0;
	s1 =	sshll.u32 s1, $0x11  }
0xba: {  	s0 =	sor.u32 s1, s0  }
0xbb: {  	s0 =	sadd.s32 $0x8F2B, s0  }
0xbc: {  	[sflag:s0] =	ssyncadd.remote.s32 $0x1  }
0xbd: {  	_ =	sfence.sel $0xFFFF  }
0xbe: {  	[dreg:$0x0] =	wrdreg $0xFFFFFFFF;
	(pc) =	sbr.abs _section_cstart, $3  }
0xbf: {  	[dreg:$0x1] =	wrdreg $0xFFFFFFFF  }
0xc0: {  	_ =	task.clear_ibuf [dreg:s6], $0x2FFFF;
	_ =	strace $0x9FFFFFFF  }
0xc1: {  	(tm) =	ssettm $0x7FFFFFFF  }
tec
execute0_lowered:
.L_overlay_start_1:
0x0: {  	(tag) =	ssettag $0x1  }
0x1: {  	s3 =	rddreg [dreg:$0x0]  }
0x2: {  	s0 =	rddreg [dreg:$0x1]  }
0x3: {  	s1 =	simm.s32 $0x0;
	s4 =	srdreg.scid;
	s10 =	simm.s32 $0x8000  }
0x4: {  	s11 =	simm.s32 $0x80;
	s12 =	simm.s32 $0x5;
	s13 =	simm.s32 $0x0  }
0x5: {  	[smem:$0x7FF] =	sst s1;
	s2 =	sadd.s32 $0x13A00, s3;
	s6 =	sand.u32 $0x1, s4  }
0x6: {  	s4 =	sadd.s32 $0x13200, s3;
	s5 =	sadd.s32 $0x33A00, s3;
	s3 =	stileid.u32  }
0x7: {  	_ =	strace $0x80000047;
	s7 =	ssub.s32 $0x2, s6;
	s6 =	sshll.u32 s6, $0x4  }
0x8: {  	s31 =	sshll.u32 s3, $0xD;
	s8 =	sshrl.u32 s7, $0x1;
	s30 =	sor.u32 s3, s6  }
0x9: {  	s9 =	ssub.s32 s7, s8;
	s6 =	sshll.u32 s30, $0x2;
	s8 =	sshll.u32 s30, $0x6  }
0xa: {  	s7 =	sadd.s32 s2, s31;
	s8 =	sadd.s32 s4, s8;
	s9 =	smax.u32 s9, $0x1  }
.LBB2_1:
0xb: {  	_ =	strace $0x80000048;
	s14 =	simm.s32 $0x4  }
0xc: {  	[tilespmem:s1], [sflag:$0x1] =	stream.linear.gather [hbm4b:s7+s1], $0x4000, $0x200038;
	[tilespmem:$0x8100] =	vst v63  }
0xd: {  	s15 =	simm.s32 $0x0;
	s16 =	simm.s32 $0x0;
	s17 =	simm.s32 $0x1  }
0xe: {  	[tilespmem:s10], [sflag:$0x3] =	stream.linear.gather [hbm4b:s8+s1], $0x80, $0x200038;
	[tilespmem:$0x8100] =	vst v63  }
0xf: {  	s18 =	simm.s32 $0x0;
	s19 =	simm.s32 $0x1;
	_ =	strace $0x90000048  }
.LBB2_2:
0x10: {  	s20 =	smov.u32 s15;
	s15 =	sadd.s32 $0x1, s15  }
0x11: {  	p0 =	seq.s32 s15, $0x4  }
0x12: {  	s15 =	simm.s32 @p0 $0x0  }
0x13: {  	s21 =	sadd.s32 s6, s20;
	s22 =	sadd.s32 s6, s15  }
0x14: {  	s23 =	sshra.s32 s21, $0x1F;
	s24 =	sshra.s32 s22, $0x1F  }
0x15: {  	s23 =	sshrl.u32 s23, $0x1A;
	s24 =	sshrl.u32 s24, $0x1A  }
0x16: {  	s23 =	sadd.s32 s23, s21;
	s24 =	sadd.s32 s24, s22  }
0x17: {  	s23 =	sand.u32 $0xFFFFFFC0, s23;
	s24 =	sand.u32 $0xFFFFFFC0, s24  }
0x18: {  	s21 =	ssub.s32 s21, s23;
	s23 =	ssub.s32 s22, s24  }
0x19: {  	p3 =	sne.s32 s14, $0x1;
	p0 =	sne.s32 s21, s23  }
0x1a: {  	p1 =	por !p3, !p0  }
0x1b: {  	p4 =	seq.s32 s20, $0x0;
	p2 =	por !p1, !p1  }
0x1c: {  	p1 =	sne.s32 s20, s15;
	_ =	strace @p2 $0x80000049;
	s24 =	sand.u32 @p2 $0x1, s19  }
0x1d: {  	s23 =	sshll.u32 @p2 s23, $0xB;
	s26 =	simm.s32 @p2 $0x0;
	p3 =	por !p3, !p1  }
0x1e: {  	s25 =	sshll.u32 @p2 s24, $0xE;
	s23 =	sand.u32 @p2 $0x1FFFF800, s23;
	p3 =	por !p3, !p3  }
0x1f: {  	s24 =	sadd.s32 @p2 $0x1, s24;
	s23 =	sadd.s32 @p2 s2, s23;
	s22 =	sshll.u32 @p3 s22, $0x4  }
0x20: {  	[tilespmem:s25], [sflag:s24] =	stream.linear.gather @p2 [hbm4b:s23+s26], $0x4000, $0x200038;
	[tilespmem:$0x8100] =	vst v63  }
0x21: {  	s23 =	sadd.s32 $0xFFFFFFFF, s20;
	s20 =	sand.u32 @p3 $0x1, s17;
	s22 =	sand.u32 @p3 $0x1FFFFFF0, s22  }
0x22: {  	s25 =	simm.s32 @p3 $0x0;
	s23 =	simm.s32 @p4 $0x3;
	_ =	strace @p2 $0x90000049  }
0x23: {  	s24 =	sshll.u32 @p3 s20, $0x7;
	s20 =	sadd.s32 @p3 $0x3, s20;
	s22 =	sadd.s32 @p3 s4, s22  }
0x24: {  	_ =	strace @p3 $0x8000004A;
	s23 =	sadd.s32 s6, s23;
	s24 =	sor.u32 @p3 $0x8000, s24  }
0x25: {  	[tilespmem:s24], [sflag:s20] =	stream.linear.gather @p3 [hbm4b:s22+s25], $0x80, $0x200038;
	[tilespmem:$0x8100] =	vst v63  }
0x26: {  	s28 =	sshra.s32 s23, $0x1F  }
0x27: {  	s20 =	sshrl.u32 s28, $0x1A  }
0x28: {  	s20 =	sadd.s32 s20, s23  }
0x29: {  	s20 =	sand.u32 $0xFFFFFFC0, s20  }
0x2a: {  	p4 =	seq.s32 s14, $0x4;
	s20 =	ssub.s32 s23, s20  }
0x2b: {  	p5 =	seq.s32 @!p4 s21, s20  }
0x2c: {  	p4 =	por p4, !p5  }
0x2d: {  	_ =	strace @p3 $0x9000004A;
	s20 =	sand.u32 @p4 $0x1, s18  }
0x2e: {  	_ =	strace @p4 $0x8000004B;
	s20 =	sadd.s32 @p4 $0x1, s20  }
0x2f: {  	_ =	swait.ge @p4 [sflag:s20], $0x4000  }
0x30: {  	[sflag:s20] =	ssyncset.done @p4 $0x0  }
0x31: {  	[sflag:s20] =	ssyncadd.s32 @p4 $0xFFFFC000  }
0x32: {  	s29 =	sand.u32 $0x1, s16;
	_ =	strace @p4 $0x9000004B  }
0x33: {  	s20 =	sadd.s32 $0x3, s29;
	_ =	strace $0x8000004C  }
0x34: {  	_ =	swait.ge [sflag:s20], $0x80  }
0x35: {  	[sflag:s20] =	ssyncset.done $0x0  }
0x36: {  	s30 =	sshll.u32 s16, $0x7;
	[sflag:s20] =	ssyncadd.s32 $0xFFFFFF80  }
0x37: {  	s31 =	sshll.u32 s18, $0xE;
	s20 =	sand.u32 $0x80, s30;
	_ =	strace $0x9000004C  }
0x38: {  	s21 =	sand.u32 $0x4000, s31;
	s20 =	sor.u32 $0x8000, s20;
	_ =	strace $0x8000004D  }
0x39: {  	[hbm4b:s5+s11] =	stream.indirect.scatter [tilespmem:s21], [sflag:$0x5], $0x80, s20, s11, $0x2000b8;
	[tilespmem:$0x8100] =	vst v63  }
0x3a: {  	p6 =	seq.s32 s14, $0x1;
	s20 =	simm.s32 $0x1  }
0x3b: {  	p0 =	por p6, p0;
	s20 =	simm.s32 @!p2 $0x0  }
0x3c: {  	s14 =	sadd.s32 $0xFFFFFFFF, s14;
	s19 =	sadd.s32 s20, s19;
	s20 =	simm.s32 $0x1  }
0x3d: {  	s20 =	simm.s32 @!p0 $0x0;
	p0 =	sne.s32 s14, $0x0  }
.Ltmp0:
0x3e: {  	s21 =	simm.s32 $0x1;
	(pc) =	sbr.rel @p0 .LBB2_2-.Ltmp0, $4  }
0x3f: {  	p1 =	por p6, p1;
	s21 =	simm.s32 @!p3 $0x0;
	_ =	swait.ge [sflag:s12], $0x4000  }
0x40: {  	s17 =	sadd.s32 s21, s17;
	[sflag:s12] =	ssyncset.done $0x0;
	s21 =	simm.s32 $0x1  }
0x41: {  	[sflag:s12] =	ssyncadd.s32 $0xFFFFC000;
	s21 =	simm.s32 @!p1 $0x0  }
0x42: {  	_ =	strace $0x9000004D;
	s18 =	sadd.s32 s20, s18;
	s16 =	sadd.s32 s21, s16  }
0x43: {  	s13 =	sadd.s32 $0x1, s13  }
0x44: {  	p0 =	sne.s32 s13, s9  }
.Ltmp1:
0x45: {  	_ = 	snop;
	(pc) =	sbr.rel @p0 .LBB2_1-.Ltmp1, $1  }
0x46: {  	_ =	sdelay $0x3  }
0x47: {  	_ =	sfence.sel $0x180000  }
0x48: {  	[bflag:$0x0] =	sbarrier.arrive $0xFFFF  }
0x49: {  	p0 =	sne.s32 s3, $0x0;
	_ =	strace $0x90000047  }
0x4a: {  	s0 =	sadd.s32 @!p0 $0x100000, s0;
	[bflag:$0x2] =	sbarrier.arrive $0xFFFF  }
0x4b: {  	[sflag:s0] =	ssyncadd.tile.s32 @!p0 $0x1;
	_ =	shalt  }
.Lfunc_end2:
_tile_overlayer_lowered:
.L_overlay_start_2:
0x4c: {  	(tag) =	ssettag $0x2  }
0x4d: {  	s0 =	rddreg [dreg:$0x0];
	s2 =	stileid.u32  }
0x4e: {  	s1 =	rddreg [dreg:$0x1];
	p0 =	sne.s32 s2, $0x0  }
0x4f: {  	s3 =	rddreg [dreg:$0x2];
	[bflag:$0x3] =	sbarrier.arrive $0xFFFF;
	s2 =	simm.s32 @!p0 $0x1C01  }
0x50: {  	[timem:s3], [sflag:s2] =	dma.local @!p0 [hbm:s0], s1  }
0x51: {  	s0 =	simm.s32 @!p0 $0x1  }
0x52: {  	_ =	swait.ge @!p0 [sflag:s0], s1  }
0x53: {  	s1 =	ssub.s32 @!p0 $0x0, s1;
	[sflag:s0] =	ssyncset.done @!p0 $0x0  }
0x54: {  	[sflag:s0] =	ssyncadd.s32 @!p0 s1  }
0x55: {  	[bflag:$0x3] =	sbarrier.arrive $0xFFFF  }
0x56: {  	_ =	shalt  }

// kernel: kernel.13.cloned.1.call-start
scs
__scs_entry_jumppad:
0x0: {  	(pc) =	sbr.rel $0x88, $3  }
0x1: {  	(tag) =	ssettag $0x0;
	lr =	simm.s32 $0x1  }
0x2: {  	[smem:$0x3F91] =	sst lr;
	_ =	strace $0xD0000000  }
0x3: {  	_ = 	snop  }
0x4: {  	_ = 	snop  }
0x5: {  	_ = 	snop  }
0x6: {  	_ = 	snop  }
0x7: {  	_ = 	snop  }
__scs_overlays_trampoline_lowered:
0x8: {  	[smem:$0x3FA0] =	sst s0  }
0x9: {  	[smem:$0x3FA1] =	sst s1  }
0xa: {  	[smem:$0x3FA2] =	sst s2  }
0xb: {  	[smem:$0x3FA3] =	sst s3  }
0xc: {  	[smem:$0x3FA4] =	sst s4  }
0xd: {  	[smem:$0x3FA5] =	sst s5  }
0xe: {  	[smem:$0x3FA6] =	sst s6  }
0xf: {  	[smem:$0x3FA7] =	sst s7  }
0x10: {  	[smem:$0x3FA8] =	sst s8  }
0x11: {  	[smem:$0x3FA9] =	sst s9;
	s0 =	simm.s32 @!p0 $0x0  }
0x12: {  	s1 =	sld [smem:$0x3F8F];
	s0 =	simm.s32 @p0 $0x1  }
0x13: {  	[smem:$0x3FAA] =	sst s0;
	s0 =	simm.s32 @!p1 $0x0  }
0x14: {  	s2 =	sld [smem:$0x3F8E];
	s0 =	simm.s32 @p1 $0x1  }
0x15: {  	[smem:$0x3FAB] =	sst s0;
	s0 =	simm.s32 @!p2 $0x0  }
0x16: {  	s3 =	sld [smem:$0x3FDB];
	s0 =	simm.s32 @p2 $0x1  }
0x17: {  	s4 =	simm.s32 $0x1BF5;
	[smem:$0x3FAD] =	sst s0  }
0x18: {  	s0 =	sld [smem:$0x3F90];
	_ =	swait.ge [sflag:s4], $0x0  }
0x19: {  	s7 =	sld [smem:$0x3F91]  }
0x1a: {  	s8 =	sadd.s32 $0xFFFFE003, lr  }
0x1b: {  	s9 =	sadd.s32 $0xFFFFFEF7, lr;
	s5 =	simm.s32 $0xFFFFFFFF;
	p2 =	slt.u32 s8, $0xFFFFF086  }
0x1c: {  	p1 =	slt.u32 s9, $0xF7A;
	s5 =	simm.s32 @!p2 $0x0  }
0x1d: {  	s5 =	simm.s32 @p1 $0x1;
	p0 =	seq.s32 s7, s2  }
0x1e: {  	s7 =	smul.u32 @!p0 $0xF7A, s2;
	p2 =	seq.s32 @!p0 s5, $0x0  }
0x1f: {  	s9 =	smul.u32 $0xF7A, s1;
	s8 =	simm.s32 @!p0 $0x1BF5;
	p2 =	por !p2, p0  }
0x20: {  	[sflag:s8] =	ssyncset.s32 @!p0 $0xFFFFF086;
	s6 =	sadd.s32 @!p0 s3, s7;
	s7 =	simm.s32 @!p0 $0x108  }
0x21: {  	s3 =	sadd.s32 s3, s9;
	s6 =	sadd.s32 @!p0 $0x88, s6;
	s7 =	simm.s32 @p2 $0x1082  }
0x22: {  	[simem:s7], [sflag:s8] =	dma.local @!p0 [hbm:s6], $0xF7A  }
0x23: {  	s9 =	sor.u32 $0xD0000000, s2;
	s6 =	simm.s32 $0x108;
	_ =	swait.ge @!p0 [sflag:s8], $0x0  }
0x24: {  	s3 =	sadd.s32 $0x88, s3;
	s6 =	simm.s32 @!p1 $0x1082;
	[sflag:s4] =	ssyncset.s32 $0xFFFFF086  }
0x25: {  	[simem:s6], [sflag:s4] =	dma.local [hbm:s3], $0xF7A  }
0x26: {  	[smem:$0x3F91] =	sst s1;
	(tag) =	ssettag s2;
	_ =	strace s9  }
0x27: {  	s1 =	sld [smem:$0x3FA1]  }
0x28: {  	s2 =	sld [smem:$0x3FA2]  }
0x29: {  	s4 =	sld [smem:$0x3FA4]  }
0x2a: {  	p0 =	seq.s32 s5, $0x0;
	s5 =	sld [smem:$0x3FA5]  }
0x2b: {  	s6 =	sld [smem:$0x3FA6]  }
0x2c: {  	s7 =	sld [smem:$0x3FA7]  }
0x2d: {  	s3 =	simm.s32 $0x108;
	s8 =	sld [smem:$0x3FA8]  }
0x2e: {  	s3 =	simm.s32 @!p0 $0x1082;
	s9 =	sld [smem:$0x3FA9]  }
0x2f: {  	lr =	sadd.s32 s0, s3;
	s0 =	sld [smem:$0x3FA0]  }
0x30: {  	s3 =	sld [smem:$0x3FA3]  }
0x31: {  	[smem:$0x3FAC] =	sst s10  }
0x32: {  	s10 =	sld [smem:$0x3FAA];
	_ =	sdelay $0x3  }
0x33: {  	p0 =	seq.s32 s10, $0x1;
	s10 =	sld [smem:$0x3FAC];
	_ =	sdelay $0x3  }
0x34: {  	[smem:$0x3FAC] =	sst s10  }
0x35: {  	s10 =	sld [smem:$0x3FAB];
	_ =	sdelay $0x3  }
0x36: {  	p1 =	seq.s32 s10, $0x1;
	s10 =	sld [smem:$0x3FAC];
	_ =	sdelay $0x3  }
0x37: {  	[smem:$0x3FAC] =	sst s10  }
0x38: {  	s10 =	sld [smem:$0x3FAD]  }
0x39: {  	_ = 	snop;
	(pc) =	sbr.ind lr, $3  }
0x3a: {  	_ = 	snop  }
0x3b: {  	_ = 	snop  }
0x3c: {  	p2 =	seq.s32 s10, $0x1;
	s10 =	sld [smem:$0x3FAC]  }
0x3d: {  	_ =	shalt  }
0x3e: {  	_ =	shalt  }
0x3f: {  	_ =	shalt  }
0x40: {  	_ =	shalt  }
0x41: {  	_ =	shalt  }
0x42: {  	_ =	shalt  }
0x43: {  	_ =	shalt  }
0x44: {  	_ =	shalt  }
0x45: {  	_ =	shalt  }
0x46: {  	_ =	shalt  }
0x47: {  	_ =	shalt  }
0x48: {  	_ =	shalt  }
0x49: {  	_ =	shalt  }
0x4a: {  	_ =	shalt  }
0x4b: {  	_ =	shalt  }
0x4c: {  	_ =	shalt  }
0x4d: {  	_ =	shalt  }
0x4e: {  	_ =	shalt  }
0x4f: {  	_ =	shalt  }
0x50: {  	_ =	shalt  }
0x51: {  	_ =	shalt  }
0x52: {  	_ =	shalt  }
0x53: {  	_ =	shalt  }
0x54: {  	_ =	shalt  }
0x55: {  	_ =	shalt  }
0x56: {  	_ =	shalt  }
0x57: {  	_ =	shalt  }
0x58: {  	_ =	shalt  }
0x59: {  	_ =	shalt  }
0x5a: {  	_ =	shalt  }
0x5b: {  	_ =	shalt  }
0x5c: {  	_ =	shalt  }
0x5d: {  	_ =	shalt  }
0x5e: {  	_ =	shalt  }
0x5f: {  	_ =	shalt  }
0x60: {  	_ =	shalt  }
0x61: {  	_ =	shalt  }
0x62: {  	_ =	shalt  }
0x63: {  	_ =	shalt  }
0x64: {  	_ =	shalt  }
0x65: {  	_ =	shalt  }
0x66: {  	_ =	shalt  }
0x67: {  	_ =	shalt  }
0x68: {  	_ =	shalt  }
0x69: {  	_ =	shalt  }
0x6a: {  	_ =	shalt  }
0x6b: {  	_ =	shalt  }
0x6c: {  	_ =	shalt  }
0x6d: {  	_ =	shalt  }
0x6e: {  	_ =	shalt  }
0x6f: {  	_ =	shalt  }
0x70: {  	_ =	shalt  }
0x71: {  	_ =	shalt  }
0x72: {  	_ =	shalt  }
0x73: {  	_ =	shalt  }
0x74: {  	_ =	shalt  }
0x75: {  	_ =	shalt  }
0x76: {  	_ =	shalt  }
0x77: {  	_ =	shalt  }
0x78: {  	_ =	shalt  }
0x79: {  	_ =	shalt  }
0x7a: {  	_ =	shalt  }
0x7b: {  	_ =	shalt  }
0x7c: {  	_ =	shalt  }
0x7d: {  	_ =	shalt  }
0x7e: {  	_ =	shalt  }
0x7f: {  	_ =	shalt  }
0x80: {  	_ =	shalt  }
0x81: {  	_ =	shalt  }
0x82: {  	_ =	shalt  }
0x83: {  	_ =	shalt  }
0x84: {  	_ =	shalt  }
0x85: {  	_ =	shalt  }
0x86: {  	_ =	shalt  }
0x87: {  	_ =	shalt  }
.Lfunc_end0:
.L_simem_size_0:
called_computation.3_lowered:
.L_overlay_start_0:
0x88: {  	s2 =	sld [smem:$0x3FD9]  }
0x89: {  	s3 =	sld [smem:$0x3FFE];
	_ =	sdelay $0x1  }
0x8a: {  	s1 =	srdreg.scid  }
0x8b: {  	s0 =	sand.u32 $0x1, s1  }
0x8c: {  	s16 =	sshll.u32 s0, $0xA;
	s2 =	sadd.s32 s3, s2  }
0x8d: {  	s2 =	sadd.s32 s2, s16  }
0x8e: {  	[smem:$0x3FB8] =	sst s2  }
0x8f: {  	_ = 	snop  }
0x90: {  	(tm) =	ssettm $0x1  }
0x91: {  	s17 =	sld [smem:$0x3FFB];
	_ =	sdelay $0x3  }
0x92: {  	_ =	strace s17  }
0x93: {  	s2 =	sld [smem:$0x3FFC];
	_ =	sdelay $0x3  }
0x94: {  	_ =	strace s2  }
0x95: {  	s2 =	sld [smem:$0x3FFD];
	_ =	sdelay $0x3  }
0x96: {  	_ =	strace s2  }
0x97: {  	_ =	strace $0x8FFFFFFF  }
0x98: {  	s18 =	sld [smem:$0x3FDB];
	_ =	sdelay $0x1  }
0x99: {  	s19 =	simm.s32 $_scs_section_size  }
0x9a: {  	s4 =	simm.s32 $_size__tile_overlayer_lowered;
	s5 =	simm.s32 $_tile_overlayer_lowered  }
0x9b: {  	s22 =	simm.s32 $0x1BFF;
	s21 =	sshll.u32 s5, $0x1;
	s2 =	sadd.s32 s19, s18  }
0x9c: {  	s6 =	simm.s32 $0x0;
	s20 =	sshll.u32 s4, $0x1;
	s4 =	sadd.s32 s21, s2  }
0x9d: {  	[timem:s6], [sflag:s22] =	dma.local [hbm:s4], s20  }
0x9e: {  	_ =	swait.ge [sflag:s22], s20  }
0x9f: {  	s3 =	ssub.s32 $0x0, s20;
	[sflag:s22] =	ssyncset.done $0x0  }
0xa0: {  	[sflag:s22] =	ssyncadd.s32 s3;
	_ =	sdelay $0x1  }
0xa1: {  	s23 =	simm.s32 $0x1B8B  }
0xa2: {  	_ =	swait.ge [sflag:s23], $0x1  }
0xa3: {  	[sflag:s23] =	ssyncset.done $0x0  }
0xa4: {  	s25 =	simm.s32 $0x1B8E;
	s24 =	sld [smem:$0x3FFE];
	[sflag:s23] =	ssyncadd.s32 $0xFFFFFFFF  }
0xa5: {  	s26 =	simm.s32 $execute0_lowered;
	[smem:$0x3FD2] =	sst s25  }
0xa6: {  	s4 =	sshll.u32 s26, $0x1;
	_ =	strace $0x80000052;
	[dreg:$0x1] =	wrdreg $0xFFFFFFFF  }
0xa7: {  	s28 =	simm.s32 $_size_execute0_lowered;
	s2 =	sadd.s32 s2, s4;
	[dreg:$0x0] =	wrdreg $0x0  }
0xa8: {  	s4 =	sshll.u32 s28, $0x1;
	[dreg:$0x2] =	wrdreg s2  }
0xa9: {  	[dreg:$0x3] =	wrdreg s4  }
0xaa: {  	[dreg:$0x4] =	wrdreg $0xC0  }
0xab: {  	_ =	task [dreg:s6], $0x5FFFF  }
0xac: {  	[dreg:$0x1] =	wrdreg $0xFFFFFFFF  }
0xad: {  	[dreg:$0x0] =	wrdreg $0x60  }
0xae: {  	[dreg:$0x2] =	wrdreg s24  }
0xaf: {  	[dreg:$0x3] =	wrdreg $0x9  }
0xb0: {  	_ =	task.clear_ibuf [dreg:s6], $0x4FFFF;
	_ =	strace $0x90000052  }
0xb1: {  	s29 =	simm.s32 $0x9;
	_ =	strace $0x8000005B  }
0xb2: {  	_ =	swait.ge [sflag:s29], $0x1  }
0xb3: {  	[sflag:s29] =	ssyncadd.s32 $0xFFFFFFFF  }
0xb4: {  	_ =	strace $0x9000005B  }
0xb5: {  	_ =	sfence  }
0xb6: {  	s30 =	sld [smem:$0x0];
	_ =	sdelay $0x2  }
0xb7: {  	s31 =	sshll.u32 s1, $0xD;
	s1 =	sshrl.u32 s1, $0x2  }
0xb8: {  	s3 =	sand.u32 $0x4000, s31;
	s1 =	sadd.s32 s1, s30  }
0xb9: {  	s0 =	sor.u32 s3, s0;
	s1 =	sshll.u32 s1, $0x11  }
0xba: {  	s0 =	sor.u32 s1, s0  }
0xbb: {  	s0 =	sadd.s32 $0x8F2B, s0  }
0xbc: {  	[sflag:s0] =	ssyncadd.remote.s32 $0x1  }
0xbd: {  	_ =	sfence.sel $0xFFFF  }
0xbe: {  	[dreg:$0x0] =	wrdreg $0xFFFFFFFF;
	(pc) =	sbr.abs _section_cstart, $3  }
0xbf: {  	[dreg:$0x1] =	wrdreg $0xFFFFFFFF  }
0xc0: {  	_ =	task.clear_ibuf [dreg:s6], $0x2FFFF;
	_ =	strace $0x9FFFFFFF  }
0xc1: {  	(tm) =	ssettm $0x7FFFFFFF  }
tec
execute0_lowered:
.L_overlay_start_1:
0x0: {  	(tag) =	ssettag $0x1  }
0x1: {  	s4 =	rddreg [dreg:$0x0]  }
0x2: {  	s0 =	rddreg [dreg:$0x1];
	s1 =	simm.s32 $0x0;
	s5 =	srdreg.scid  }
0x3: {  	s8 =	simm.s32 $0x80;
	s9 =	simm.s32 $0x4;
	s10 =	simm.s32 $0x0  }
0x4: {  	[smem:$0x7FF] =	sst s1;
	s2 =	sadd.s32 $0x153E00, s4;
	s3 =	sadd.s32 $0xB200, s4  }
0x5: {  	s4 =	sadd.s32 $0xC200, s4;
	_ =	strace $0x80000053;
	[dreg:$0x2] =	wrdreg s2  }
0x6: {  	s5 =	sand.u32 $0x1, s5;
	s2 =	stileid.u32;
	[dreg:$0x4] =	wrdreg s4  }
0x7: {  	s6 =	ssub.s32 $0x2, s5;
	s5 =	sshll.u32 s5, $0x4;
	[dreg:$0x3] =	wrdreg s8  }
0x8: {  	s8 =	simm.s32 $0x5;
	s7 =	sshrl.u32 s6, $0x1;
	s5 =	sor.u32 s2, s5  }
0x9: {  	s6 =	ssub.s32 s6, s7;
	s31 =	sshll.u32 s5, $0x7;
	s4 =	sshll.u32 s5, $0x3  }
0xa: {  	s7 =	simm.s32 $0x1;
	s5 =	sadd.s32 s3, s31;
	s6 =	smax.u32 s6, $0x1  }
.LBB2_1:
0xb: {  	_ =	strace $0x80000054;
	s11 =	simm.s32 $0x1;
	p0 =	por $0x0, $0x0  }
0xc: {  	[tilespmem:s1], [sflag:$0x1] =	stream.linear.gather [hbm4b:s5+s1], $0x80, $0x200038;
	[tilespmem:$0x8100] =	vst v63  }
0xd: {  	s11 =	simm.s32 @p0 $0x0  }
0xe: {  	p4 =	por $0x1, $0x1;
	s20 =	sand.u32 $0x1, s1;
	p1 =	sne.s32 s11, $0x0  }
0xf: {  	p2 =	por $0x1, $0x1;
	s18 =	simm.s32 $0x6;
	p0 =	por !p4, !p1  }
0x10: {  	s16 =	simm.s32 $0x0;
	p5 =	por $0x0, $0x0;
	p0 =	por !p0, !p0  }
0x11: {  	s23 =	sadd.s32 $0x0, s4;
	s30 =	sadd.s32 $0x1, s20;
	s12 =	sadd.s32 @p0 s4, s11  }
0x12: {  	_ =	strace $0x90000054;
	s13 =	sand.u32 @p0 $0x1, s7;
	s12 =	sshll.u32 @p0 s12, $0x4  }
0x13: {  	_ =	strace @p0 $0x80000055;
	s15 =	simm.s32 @p0 $0x0;
	s12 =	sand.u32 @p0 $0x1FFFFFF0, s12  }
0x14: {  	s14 =	sshll.u32 @p0 s13, $0x7;
	s13 =	sadd.s32 @p0 $0x1, s13;
	s12 =	sadd.s32 @p0 s3, s12  }
0x15: {  	[tilespmem:s14], [sflag:s13] =	stream.linear.gather @p0 [hbm4b:s12+s15], $0x80, $0x200038;
	[tilespmem:$0x8100] =	vst v63  }
0x16: {  	p3 =	por p2, p2;
	s21 =	sshll.u32 s20, $0xE;
	_ =	strace @p0 $0x90000055  }
0x17: {  	s16 =	sand.u32 $0x80, s16;
	p2 =	por p5, p5;
	_ =	strace $0x80000056  }
0x18: {  	s17 =	sadd.s32 $0x1, s11;
	s22 =	sor.u32 $0x100, s21;
	_ =	swait.ge [sflag:s30], $0x80  }
0x19: {  	s21 =	simm.s32 $0x1;
	p6 =	por p1, p1;
	[sflag:s30] =	ssyncset.done $0x0  }
0x1a: {  	p1 =	por p3, p3;
	p4 =	por $0x1, $0x1;
	[sflag:s30] =	ssyncadd.s32 $0xFFFFFF80  }
0x1b: {  	s12 =	simm.s32 $0x7;
	s15 =	sand.u32 @!p3 $0x1, s1;
	_ =	strace $0x90000056  }
0x1c: {  	s13 =	simm.s32 $0x1;
	p3 =	seq.s32 s17, $0x8;
	_ =	strace $0x80000057  }
0x1d: {  	s13 =	simm.s32 @!p0 $0x0;
	s17 =	simm.s32 @p3 $0x0;
	s19 =	rddreg [dreg:$0x3]  }
0x1e: {  	p0 =	por $0x0, $0x0;
	s14 =	sadd.s32 $0x1, s13;
	s31 =	rddreg [dreg:$0x2]  }
0x1f: {  	[tilespmem:s22], [sflag:$0x5] =	stream.indirect.gather [hbm4b:s31+s19], $0x80, s16, s19, $0x2000b8;
	[tilespmem:$0x8100] =	vst v63  }
0x20: {  	p3 =	sne.s32 s11, s17;
	s21 =	simm.s32 @!p0 $0x0;
	_ =	swait.ge [sflag:s8], $0x4000  }
0x21: {  	p5 =	por !p4, !p3;
	p4 =	por $0x0, $0x0;
	[sflag:s8] =	ssyncset.done $0x0  }
0x22: {  	s13 =	simm.s32 $0x0;
	p6 =	por p4, p6;
	[sflag:s8] =	ssyncadd.s32 $0xFFFFC000  }
0x23: {  	s16 =	simm.s32 $0x0;
	s19 =	simm.s32 $0x0;
	_ =	strace $0x90000057  }
.LBB2_2:
0x24: {  	_ =	strace @p6 $0x80000058;
	s13 =	sadd.s32 s21, s13;
	s21 =	smov.u32 s12  }
0x25: {  	s12 =	smov.u32 s18;
	s18 =	sadd.s32 $0xFFFFFFFF, s18;
	p0 =	por p3, p3  }
0x26: {  	s28 =	sshll.u32 @p6 s23, $0xB;
	s20 =	sadd.s32 @p6 $0x3, s20;
	s24 =	simm.s32 @!p0 $0x0  }
0x27: {  	s25 =	rddreg [dreg:$0x4];
	s28 =	sand.u32 @p6 $0x1FFFF800, s28;
	s24 =	simm.s32 @p0 $0x1  }
0x28: {  	s25 =	sadd.s32 @p6 s25, s28;
	s28 =	simm.s32 @p6 $0x0;
	p0 =	sne.s32 s18, $0x0  }
0x29: {  	[hbm4b:s25+s28] =	stream.linear.scatter @p6 [tilespmem:s22], [sflag:s20], $0x4000, $0x200038;
	[tilespmem:$0x8100] =	vst v63  }
0x2a: {  	s20 =	sadd.s32 @!p1 $0x3, s15;
	s15 =	simm.s32 @!p0 $0x0  }
0x2b: {  	s26 =	simm.s32 $0x1;
	[smem:$0x7FC] =	sst s24;
	s15 =	simm.s32 @p0 $0x1  }
0x2c: {  	s26 =	simm.s32 @!p6 $0x0;
	_ =	strace @p6 $0x90000058;
	[smem:$0x7FD] =	sst s15  }
0x2d: {  	p5 =	por !p5, !p5;
	s19 =	sadd.s32 s26, s19;
	_ =	strace @!p1 $0x80000059  }
0x2e: {  	s24 =	sand.u32 @!p2 $0x1, s13;
	s22 =	sand.u32 @p5 $0x1, s14;
	_ =	swait.ge @!p1 [sflag:s20], $0x4000  }
0x2f: {  	s15 =	smov.u32 s24;
	s24 =	sadd.s32 @p5 s4, s17;
	[sflag:s20] =	ssyncset.done @!p1 $0x0  }
0x30: {  	s25 =	sshll.u32 @p5 s22, $0x7;
	s24 =	sshll.u32 @p5 s24, $0x4;
	[sflag:s20] =	ssyncadd.s32 @!p1 $0xFFFFC000  }
0x31: {  	s20 =	sadd.s32 @p5 $0x1, s22;
	s22 =	sand.u32 @p5 $0x1FFFFFF0, s24;
	_ =	strace @!p1 $0x90000059  }
0x32: {  	s24 =	simm.s32 @p5 $0x0;
	s22 =	sadd.s32 @p5 s3, s22;
	_ =	strace @p5 $0x80000055  }
0x33: {  	[tilespmem:s25], [sflag:s20] =	stream.linear.gather @p5 [hbm4b:s22+s24], $0x80, $0x200038;
	[tilespmem:$0x8100] =	vst v63  }
0x34: {  	s16 =	sadd.s32 s26, s16;
	s26 =	sand.u32 $0x1, s19;
	_ =	strace @p5 $0x90000055  }
0x35: {  	s24 =	sadd.s32 $0x1, s26;
	_ =	strace $0x80000056  }
0x36: {  	_ =	swait.ge [sflag:s24], $0x80  }
0x37: {  	[sflag:s24] =	ssyncset.done $0x0  }
0x38: {  	s20 =	simm.s32 $0x1;
	[sflag:s24] =	ssyncadd.s32 $0xFFFFFF80  }
0x39: {  	s20 =	simm.s32 @!p5 $0x0;
	_ =	strace $0x90000056  }
0x3a: {  	s14 =	sadd.s32 s20, s14;
	s20 =	sand.u32 $0x1, s16;
	_ =	strace $0x80000057  }
0x3b: {  	s29 =	sshll.u32 s19, $0x7;
	s25 =	sshll.u32 s20, $0xE;
	s26 =	rddreg [dreg:$0x3]  }
0x3c: {  	s29 =	sand.u32 $0x80, s29;
	s22 =	sor.u32 $0x100, s25;
	s30 =	rddreg [dreg:$0x2]  }
0x3d: {  	[tilespmem:s22], [sflag:$0x5] =	stream.indirect.gather [hbm4b:s30+s26], $0x80, s29, s26, $0x2000b8;
	[tilespmem:$0x8100] =	vst v63  }
0x3e: {  	_ =	swait.ge [sflag:s8], $0x4000  }
0x3f: {  	s31 =	sadd.s32 $0x1, s17;
	[sflag:s8] =	ssyncset.done $0x0  }
0x40: {  	s23 =	sadd.s32 s4, s11;
	s11 =	smov.u32 s17;
	[sflag:s8] =	ssyncadd.s32 $0xFFFFC000  }
0x41: {  	p3 =	seq.s32 s31, $0x8;
	s17 =	smov.u32 s31;
	_ =	strace $0x90000057  }
0x42: {  	s17 =	simm.s32 @p3 $0x0;
	s31 =	sld [smem:$0x7FD]  }
0x43: {  	p6 =	sne.s32 s12, $0x1;
	p0 =	sne.s32 s21, $0x8;
	p3 =	sne.s32 s11, s17  }
0x44: {  	p5 =	por !p6, !p3;
	p6 =	seq.s32 s21, $0x1;
	s21 =	simm.s32 $0x1  }
0x45: {  	s21 =	simm.s32 @!p0 $0x0;
	p0 =	seq.s32 s31, $0x1  }
.Ltmp0:
0x46: {  	s30 =	sld [smem:$0x7FC];
	(pc) =	sbr.rel @p0 .LBB2_2-.Ltmp0, $4  }
0x47: {  	_ = 	snop  }
0x48: {  	p4 =	seq.s32 s12, $0x8  }
0x49: {  	p1 =	por p2, p2;
	p2 =	por p4, p4;
	p4 =	seq.s32 s30, $0x1  }
0x4a: {  	p6 =	por p6, p4  }
0x4b: {  	_ =	strace @p6 $0x80000058;
	s23 =	sshll.u32 @p6 s23, $0xB  }
0x4c: {  	s18 =	rddreg [dreg:$0x4];
	s23 =	sand.u32 @p6 $0x1FFFF800, s23  }
0x4d: {  	s20 =	sadd.s32 @p6 $0x3, s20;
	s18 =	sadd.s32 @p6 s18, s23;
	s23 =	simm.s32 @p6 $0x0  }
0x4e: {  	[hbm4b:s18+s23] =	stream.linear.scatter @p6 [tilespmem:s22], [sflag:s20], $0x4000, $0x200038;
	[tilespmem:$0x8100] =	vst v63  }
0x4f: {  	p0 =	por !p5, !p5;
	_ =	strace @p6 $0x90000058  }
0x50: {  	s15 =	sadd.s32 @!p1 $0x3, s15;
	s17 =	sadd.s32 @p0 s4, s17;
	_ =	strace @!p1 $0x80000059  }
0x51: {  	s14 =	sand.u32 @p0 $0x1, s14;
	s17 =	sshll.u32 @p0 s17, $0x4;
	_ =	swait.ge @!p1 [sflag:s15], $0x4000  }
0x52: {  	s18 =	simm.s32 $0x1;
	s20 =	sshll.u32 @p0 s14, $0x7;
	[sflag:s15] =	ssyncset.done @!p1 $0x0  }
0x53: {  	s14 =	sadd.s32 @p0 $0x1, s14;
	s18 =	simm.s32 @!p6 $0x0;
	[sflag:s15] =	ssyncadd.s32 @!p1 $0xFFFFC000  }
0x54: {  	s19 =	sadd.s32 s18, s19;
	s15 =	sand.u32 @p0 $0x1FFFFFF0, s17;
	_ =	strace @!p1 $0x90000059  }
0x55: {  	s17 =	simm.s32 @p0 $0x0;
	s15 =	sadd.s32 @p0 s3, s15;
	_ =	strace @p0 $0x80000055  }
0x56: {  	[tilespmem:s20], [sflag:s14] =	stream.linear.gather @p0 [hbm4b:s15+s17], $0x80, $0x200038;
	[tilespmem:$0x8100] =	vst v63  }
0x57: {  	s25 =	sand.u32 $0x1, s19;
	_ =	strace @p0 $0x90000055  }
0x58: {  	s14 =	sadd.s32 $0x1, s25;
	_ =	strace $0x80000056  }
0x59: {  	_ =	swait.ge [sflag:s14], $0x80  }
0x5a: {  	[sflag:s14] =	ssyncset.done $0x0  }
0x5b: {  	[sflag:s14] =	ssyncadd.s32 $0xFFFFFF80  }
0x5c: {  	s26 =	sadd.s32 s18, s16;
	_ =	strace $0x90000056  }
0x5d: {  	s14 =	sand.u32 $0x1, s26;
	_ =	strace $0x80000057  }
0x5e: {  	s30 =	sshll.u32 s19, $0x7;
	s31 =	sshll.u32 s14, $0xE;
	s28 =	rddreg [dreg:$0x3]  }
0x5f: {  	s17 =	sand.u32 $0x80, s30;
	s18 =	sor.u32 $0x100, s31;
	s29 =	rddreg [dreg:$0x2]  }
0x60: {  	[tilespmem:s18], [sflag:$0x5] =	stream.indirect.gather [hbm4b:s29+s28], $0x80, s17, s28, $0x2000b8;
	[tilespmem:$0x8100] =	vst v63  }
0x61: {  	_ =	swait.ge [sflag:s8], $0x4000  }
0x62: {  	[sflag:s8] =	ssyncset.done $0x0  }
0x63: {  	p5 =	por p3, p3;
	p6 =	seq.s32 s12, $0x1;
	[sflag:s8] =	ssyncadd.s32 $0xFFFFC000  }
0x64: {  	s11 =	sadd.s32 s4, s11;
	p0 =	por p6, p5;
	_ =	strace $0x90000057  }
0x65: {  	s11 =	sshll.u32 @p0 s11, $0xB;
	_ =	strace @p0 $0x80000058  }
0x66: {  	s13 =	sadd.s32 s21, s13;
	s11 =	sand.u32 @p0 $0x1FFFF800, s11;
	s12 =	rddreg [dreg:$0x4]  }
0x67: {  	s14 =	sadd.s32 @p0 $0x3, s14;
	s11 =	sadd.s32 @p0 s12, s11;
	s12 =	simm.s32 @p0 $0x0  }
0x68: {  	[hbm4b:s11+s12] =	stream.linear.scatter @p0 [tilespmem:s18], [sflag:s14], $0x4000, $0x200038;
	[tilespmem:$0x8100] =	vst v63  }
0x69: {  	p1 =	por p2, p2;
	s11 =	sand.u32 @!p2 $0x1, s13;
	_ =	strace @p0 $0x90000058  }
0x6a: {  	s11 =	sadd.s32 @!p1 $0x3, s11;
	_ =	strace @!p1 $0x80000059  }
0x6b: {  	_ =	swait.ge @!p1 [sflag:s11], $0x4000  }
0x6c: {  	[sflag:s11] =	ssyncset.done @!p1 $0x0  }
0x6d: {  	s10 =	sadd.s32 $0x1, s10;
	[sflag:s11] =	ssyncadd.s32 @!p1 $0xFFFFC000  }
0x6e: {  	p0 =	sne.s32 s10, s6;
	_ =	strace @!p1 $0x90000059  }
.Ltmp1:
0x6f: {  	_ =	strace $0x8000005A;
	(pc) =	sbr.rel @p0 .LBB2_1-.Ltmp1, $4  }
0x70: {  	_ =	swait.ge [sflag:s9], $0x4000  }
0x71: {  	[sflag:s9] =	ssyncset.done $0x0  }
0x72: {  	[sflag:s9] =	ssyncadd.s32 $0xFFFFC000  }
0x73: {  	_ =	strace $0x9000005A  }
0x74: {  	_ =	sfence.sel $0x180000  }
0x75: {  	[bflag:$0x0] =	sbarrier.arrive $0xFFFF  }
0x76: {  	p0 =	sne.s32 s2, $0x0;
	_ =	strace $0x90000053  }
0x77: {  	s0 =	sadd.s32 @!p0 $0x100000, s0;
	[bflag:$0x2] =	sbarrier.arrive $0xFFFF  }
0x78: {  	[sflag:s0] =	ssyncadd.tile.s32 @!p0 $0x1;
	_ =	shalt  }
.Lfunc_end2:
_tile_overlayer_lowered:
.L_overlay_start_2:
0x79: {  	(tag) =	ssettag $0x2  }
0x7a: {  	s0 =	rddreg [dreg:$0x0];
	s2 =	stileid.u32  }
0x7b: {  	s1 =	rddreg [dreg:$0x1];
	p0 =	sne.s32 s2, $0x0  }
0x7c: {  	s3 =	rddreg [dreg:$0x2];
	[bflag:$0x3] =	sbarrier.arrive $0xFFFF;
	s2 =	simm.s32 @!p0 $0x1C01  }
0x7d: {  	[timem:s3], [sflag:s2] =	dma.local @!p0 [hbm:s0], s1  }
0x7e: {  	s0 =	simm.s32 @!p0 $0x1  }
0x7f: {  	_ =	swait.ge @!p0 [sflag:s0], s1  }
0x80: {  	s1 =	ssub.s32 @!p0 $0x0, s1;
	[sflag:s0] =	ssyncset.done @!p0 $0x0  }
0x81: {  	[sflag:s0] =	ssyncadd.s32 @!p0 s1  }
0x82: {  	[bflag:$0x3] =	sbarrier.arrive $0xFFFF  }
0x83: {  	_ =	shalt  }

// kernel: sparse-core-data-format-call.1.cloned.1.call-start
scs
called_computation.1_lowered:
.L_overlay_start_0:
0x0: {  	s1 =	sld [smem:$0x3FD9]  }
0x1: {  	s2 =	sld [smem:$0x3FFE];
	_ =	sdelay $0x1  }
0x2: {  	s3 =	srdreg.scid  }
0x3: {  	s0 =	sand.u32 $0x1, s3  }
0x4: {  	s17 =	sshll.u32 s0, $0xA;
	s1 =	sadd.s32 s2, s1  }
0x5: {  	s1 =	sadd.s32 s1, s17  }
0x6: {  	[smem:$0x3FB8] =	sst s1  }
0x7: {  	_ = 	snop  }
0x8: {  	(tm) =	ssettm $0x1  }
0x9: {  	s18 =	sld [smem:$0x3FFB];
	_ =	sdelay $0x3  }
0xa: {  	_ =	strace s18  }
0xb: {  	s1 =	sld [smem:$0x3FFC];
	_ =	sdelay $0x3  }
0xc: {  	_ =	strace s1  }
0xd: {  	s1 =	sld [smem:$0x3FFD];
	_ =	sdelay $0x3  }
0xe: {  	_ =	strace s1  }
0xf: {  	_ =	strace $0x8FFFFFFF  }
0x10: {  	s19 =	sld [smem:$0x3FDB];
	_ =	sdelay $0x1  }
0x11: {  	s20 =	simm.s32 $_scs_section_size  }
0x12: {  	s4 =	simm.s32 $_size__tile_overlayer_lowered;
	s5 =	simm.s32 $_tile_overlayer_lowered  }
0x13: {  	s23 =	simm.s32 $0x1BFF;
	s22 =	sshll.u32 s5, $0x1;
	s1 =	sadd.s32 s20, s19  }
0x14: {  	s6 =	simm.s32 $0x0;
	s21 =	sshll.u32 s4, $0x1;
	s4 =	sadd.s32 s22, s1  }
0x15: {  	[timem:s6], [sflag:s23] =	dma.local [hbm:s4], s21  }
0x16: {  	_ =	swait.ge [sflag:s23], s21  }
0x17: {  	s2 =	ssub.s32 $0x0, s21;
	[sflag:s23] =	ssyncset.done $0x0  }
0x18: {  	[sflag:s23] =	ssyncadd.s32 s2;
	_ =	sdelay $0x1  }
0x19: {  	s24 =	simm.s32 $0x1B8B  }
0x1a: {  	_ =	swait.ge [sflag:s24], $0x1  }
0x1b: {  	[sflag:s24] =	ssyncset.done $0x0  }
0x1c: {  	s26 =	simm.s32 $0x1B8E;
	s25 =	sld [smem:$0x3FFE];
	[sflag:s24] =	ssyncadd.s32 $0xFFFFFFFF  }
0x1d: {  	s27 =	simm.s32 $execute0_lowered;
	[smem:$0x3FD2] =	sst s26  }
0x1e: {  	s4 =	sshll.u32 s27, $0x1;
	_ =	strace $0x8000004F;
	[dreg:$0x1] =	wrdreg $0xFFFFFFFF  }
0x1f: {  	s28 =	simm.s32 $_size_execute0_lowered;
	s1 =	sadd.s32 s1, s4;
	[dreg:$0x0] =	wrdreg $0x0  }
0x20: {  	s4 =	sshll.u32 s28, $0x1;
	[dreg:$0x2] =	wrdreg s1  }
0x21: {  	[dreg:$0x3] =	wrdreg s4  }
0x22: {  	[dreg:$0x4] =	wrdreg $0xC0  }
0x23: {  	_ =	task [dreg:s6], $0x5FFFF  }
0x24: {  	[dreg:$0x1] =	wrdreg $0xFFFFFFFF  }
0x25: {  	[dreg:$0x0] =	wrdreg $0x60  }
0x26: {  	[dreg:$0x2] =	wrdreg s25  }
0x27: {  	[dreg:$0x3] =	wrdreg $0x9  }
0x28: {  	_ =	task.clear_ibuf [dreg:s6], $0x4FFFF;
	_ =	strace $0x9000004F  }
0x29: {  	s29 =	simm.s32 $0x9;
	_ =	strace $0x80000051  }
0x2a: {  	_ =	swait.ge [sflag:s29], $0x1  }
0x2b: {  	[sflag:s29] =	ssyncadd.s32 $0xFFFFFFFF  }
0x2c: {  	_ =	strace $0x90000051  }
0x2d: {  	_ =	sfence  }
0x2e: {  	s30 =	sld [smem:$0x0];
	_ =	sdelay $0x2  }
0x2f: {  	s31 =	sshll.u32 s3, $0xD;
	s3 =	sshrl.u32 s3, $0x2  }
0x30: {  	s2 =	sand.u32 $0x4000, s31;
	s1 =	sadd.s32 s3, s30  }
0x31: {  	s0 =	sor.u32 s2, s0;
	s1 =	sshll.u32 s1, $0x11  }
0x32: {  	s0 =	sor.u32 s1, s0  }
0x33: {  	s0 =	sadd.s32 $0x8F2B, s0  }
0x34: {  	[sflag:s0] =	ssyncadd.remote.s32 $0x1  }
0x35: {  	_ =	sfence.sel $0xFFFF  }
0x36: {  	[dreg:$0x0] =	wrdreg $0xFFFFFFFF;
	(pc) =	sbr.abs _section_cstart, $3  }
0x37: {  	[dreg:$0x1] =	wrdreg $0xFFFFFFFF  }
0x38: {  	_ =	task.clear_ibuf [dreg:s6], $0x2FFFF;
	_ =	strace $0x9FFFFFFF  }
0x39: {  	(tm) =	ssettm $0x7FFFFFFF  }
tec
execute0_lowered:
.L_overlay_start_1:
0x0: {  	(tag) =	ssettag $0x1  }
0x1: {  	s0 =	srdreg.scid  }
0x2: {  	s8 =	rddreg [dreg:$0x0];
	s1 =	stileid.u32  }
0x3: {  	s31 =	simm.s32 $0x2;
	s15 =	simm.s32 $0x0;
	s16 =	simm.s32 $0x0  }
0x4: {  	s17 =	simm.s32 $0x0;
	s14 =	simm.s32 $0x0;
	s0 =	sshll.u32 s0, $0x4  }
0x5: {  	s3 =	sshll.u32 s1, $0x6;
	s2 =	sand.u32 $0x10, s0;
	s0 =	rddreg [dreg:$0x1]  }
0x6: {  	s3 =	sand.u32 $0x80, s3;
	_ =	strace $0x80000050;
	s9 =	sor.u32 s1, s2  }
0x7: {  	s2 =	sand.u32 $0x1, s1;
	s7 =	ssub.s32 $0x1800, s3;
	s4 =	sshll.u32 s9, $0x5  }
0x8: {  	s5 =	ssub.s32 $0x2, s2;
	s29 =	sshrl.u32 s7, $0x7;
	s7 =	sshrl.u32 s7, $0x8  }
0x9: {  	s4 =	sand.u32 $0x380, s4;
	s6 =	sshrl.u32 s5, $0x1;
	s5 =	sand.u32 $0x1, s5  }
0xa: {  	s5 =	sadd.s32 s5, s6;
	s10 =	ssub.s32 $0x400, s4;
	s6 =	sand.u32 $0x1, s29  }
0xb: {  	s12 =	smov.u32 s3;
	s11 =	sand.u32 $0x380, s10;
	s6 =	sadd.s32 s7, s6  }
0xc: {  	s7 =	simm.s32 $0x1;
	p0 =	sne.s32 s11, $0x0;
	s30 =	smul.u32 s5, s6  }
.Ltmp0:
0xd: {  	s10 =	sshrl.u32 s10, $0xA;
	s7 =	simm.s32 @!p0 $0x0;
	(pc) =	sbr.rel .LBB1_1-.Ltmp0, $4  }
0xe: {  	s9 =	sshll.u32 s9, $0x8;
	s13 =	smov.u32 s2;
	s7 =	sadd.s32 s7, s10  }
0xf: {  	s5 =	sadd.s32 $0x93E00, s8;
	s6 =	simm.s32 $0x1;
	s7 =	smul.u32 s7, s30  }
0x10: {  	s8 =	sadd.s32 $0x213E00, s8;
	s11 =	simm.s32 $0x3000;
	[sflag:s6] =	ssyncpa.u1 $0x0  }
0x11: {  	p0 =	por $0x0, $0x0;
	[sflag:s31] =	ssyncpa.u1 $0x0;
	s10 =	sadd.s32 $0x1, s7  }
.LBB1_4:
0x12: {  	s23 =	sshrl.u32 s17, $0x1  }
0x13: {  	s24 =	sshll.u32 s16, $0x1;
	s31 =	sshll.u32 s17, $0x7;
	s23 =	smul.u32 $0x3000, s23  }
0x14: {  	v5 =	vld [tilespmem:s21+$0xFFFFFFD0];
	[tilespmem:s20+$0x2040 ss:$0x81] =	vst.msk $0xffff, v4;
	s25 =	sand.u32 $0x7F, s16;
	s24 =	sand.u32 $0xFFFFFF00, s24;
	s17 =	sand.u32 $0x80, s31  }
0x15: {  	v58 =	vld [tilespmem:s21+$0xFFFFFFE0];
	[tilespmem:s20+$0x2850 ss:$0x81] =	vst.msk $0xffff, v2;
	s16 =	sor.u32 s25, s17;
	s23 =	sadd.s32 s23, s24  }
0x16: {  	s26 =	sshra.s32 s22, $0x2;
	v59 =	vld [tilespmem:s21+$0xFFFFFFF0];
	[tilespmem:s20+$0x3060 ss:$0x81] =	vst.msk $0xffff, v3;
	s16 =	sor.u32 s23, s16  }
0x17: {  	v60 =	vld [tilespmem:s21+$0x0];
	[tilespmem:s20+$0x0 ss:$0x81] =	vst.msk $0xffff, v0;
	s17 =	sadd.s32 s26, s19;
	s27 =	smulhi.u32 $0xAAAAAAAB, s16  }
0x18: {  	v61 =	vld [tilespmem:s21+$0x10];
	[tilespmem:s17+$0x3870 ss:$0x81] =	vst.msk $0xffff, v1;
	s28 =	smulhi.u32 $0xAAAAAAAB, s23  }
0x19: {  	v62 =	vld [tilespmem:s21+$0x20];
	[tilespmem:s17+$0x810 ss:$0x81] =	vst.msk $0xffff, v5;
	s19 =	sshrl.u32 s27, $0xC  }
0x1a: {  	v63 =	vld [tilespmem:s21+$0xFFFFFFC0];
	[tilespmem:s17+$0x1020 ss:$0x81] =	vst.msk $0xffff, v58;
	s20 =	sshrl.u32 s28, $0xC;
	s19 =	smul.u32 $0x1800, s19  }
0x1b: {  	s15 =	smul.u32 $0x600, s15;
	[tilespmem:s17+$0x1830 ss:$0x81] =	vst.msk $0xffff, v59;
	s20 =	sand.u32 $0x1, s20  }
0x1c: {  	[tilespmem:s17+$0x2040 ss:$0x81] =	vst.msk $0xffff, v60;
	p1 =	seq.s32 s20, $0x1;
	s16 =	ssub.s32 s16, s19;
	s19 =	simm.s32 $0x300  }
0x1d: {  	s15 =	sadd.s32 s8, s15;
	[tilespmem:s17+$0x2850 ss:$0x81] =	vst.msk $0xffff, v61;
	s19 =	simm.s32 @!p1 $0x0;
	s29 =	sand.u32 $0x7, s16  }
0x1e: {  	[tilespmem:s17+$0x3060 ss:$0x81] =	vst.msk $0xffff, v62;
	s16 =	sshrl.u32 s16, $0x3;
	s15 =	sadd.s32 s19, s15;
	s30 =	sshll.u32 s29, $0x12  }
0x1f: {  	[tilespmem:s17+$0x0 ss:$0x81] =	vst.msk $0xffff, v63;
	s15 =	sadd.s32 s16, s15;
	s31 =	sor.u32 $0x80, s30  }
0x20: {  	[hbm4b:s15+s31] =	stream.strided.scatter [tilespmem:s18], [sflag:$0x2], $0x4000, s11, s31, $0x20;
	[tilespmem:$0x10100] =	vst v63  }
.LBB1_5:
0x21: {  	s18 =	sadd.s32 $0x100, s12  }
0x22: {  	s16 =	sadd.s32 $0x2, s13;
	s19 =	smov.u32 s13;
	p2 =	sgt.s32 s18, $0x17FF  }
0x23: {  	s19 =	smov.u32 @p2 s16  }
0x24: {  	s18 =	smov.u32 @p2 s3;
	p2 =	sgt.s32 s19, $0x1  }
0x25: {  	s19 =	smov.u32 @p2 s2;
	p2 =	sne.s32 s14, s10  }
.Ltmp1:
0x26: {  	p1 =	slt.u32 s14, $0x2;
	(pc) =	sbr.rel @!p2 .LBB1_6-.Ltmp1, $4  }
0x27: {  	s17 =	smov.u32 s13;
	s15 =	simm.s32 @!p1 $0x2  }
0x28: {  	p0 =	por !p0, !p0;
	_ =	swait.ge @!p1 [sflag:s15], $0x4000;
	s16 =	smov.u32 s12  }
0x29: {  	[sflag:s15] =	ssyncset.done @!p1 $0x0;
	s12 =	smov.u32 s18;
	s14 =	sadd.s32 $0x1, s14  }
0x2a: {  	[sflag:s15] =	ssyncadd.s32 @!p1 $0xFFFFC000;
	s15 =	smov.u32 s4;
	s13 =	smov.u32 s19  }
.LBB1_1:
0x2b: {  	p1 =	sge.u32 s14, s7  }
0x2c: {  	s18 =	sshll.u32 @!p1 s12, $0xA  }
0x2d: {  	s18 =	sand.u32 @!p1 $0xFFFFE000, s18  }
0x2e: {  	s18 =	sor.u32 @!p1 s9, s18  }
0x2f: {  	s18 =	sshrl.u32 @!p1 s18, $0xA  }
0x30: {  	s19 =	smulhi.u32 @!p1 $0x2AAAAB, s18;
	_ =	sdelay $0x1  }
0x31: {  	s19 =	sshrl.u32 @!p1 s19, $0x2  }
0x32: {  	s19 =	smul.u32 @!p1 $0x1800, s19  }
0x33: {  	s31 =	sadd.s32 $0xFFFFFFFF, s14;
	s20 =	smul.u32 @!p1 $0xC0000, s13  }
0x34: {  	s21 =	sxor.u32 @!p1 $0xFFFFFFFF, s14;
	s18 =	ssub.s32 @!p1 s18, s19;
	s19 =	sshll.u32 @!p1 s12, $0x4  }
0x35: {  	s21 =	sshll.u32 @!p1 s21, $0xE;
	s20 =	sadd.s32 @!p1 s5, s20;
	s19 =	sand.u32 @!p1 $0x70, s19  }
0x36: {  	s21 =	sand.u32 @!p1 $0x4000, s21;
	s18 =	sshll.u32 @!p1 s18, $0x7;
	s19 =	sadd.s32 @!p1 s19, s20  }
0x37: {  	s20 =	simm.s32 @!p1 $0x2000;
	s18 =	sadd.s32 @!p1 s18, s19;
	s19 =	simm.s32 @!p1 $0x400  }
0x38: {  	[tilespmem:s21], [sflag:$0x1] =	stream.strided.gather @!p1 [hbm4b:s18+s19], $0x4000, s20, s19, $0x38;
	[tilespmem:$0x10100] =	vst v63  }
0x39: {  	p1 =	sge.u32 s31, s7  }
.Ltmp2:
0x3a: {  	_ = 	snop;
	(pc) =	sbr.rel @p1 .LBB1_5-.Ltmp2, $1  }
0x3b: {  	_ =	sdelay $0x3  }
0x3c: {  	s18 =	simm.s32 $0x1  }
0x3d: {  	_ =	swait.ge [sflag:s6], $0x4000;
	s18 =	simm.s32 @!p0 $0x0  }
0x3e: {  	[sflag:s6] =	ssyncset.done $0x0;
	s19 =	sshll.u32 s18, $0xE  }
0x3f: {  	[sflag:s6] =	ssyncadd.s32 $0xFFFFC000;
	s21 =	sor.u32 $0x40, s19  }
0x40: {  	s18 =	smul.u32 $0x10200, s18;
	v0 =	vld [tilespmem:s21+$0x30]  }
0x41: {  	v1 =	vld [tilespmem:s21+$0xFFFFFFD0]  }
0x42: {  	s18 =	sshrl.u32 s18, $0x2;
	v5 =	vld [tilespmem:s21+$0xFFFFFFE0]  }
0x43: {  	v6 =	vld [tilespmem:s21+$0xFFFFFFF0];
	s19 =	sor.u32 $0x8000, s18  }
0x44: {  	s31 =	sand.u32 $0x1, s14;
	v4 =	vld [tilespmem:s21+$0x0];
	s20 =	sadd.s32 $0x0, s19  }
0x45: {  	v2 =	vld [tilespmem:s21+$0x10];
	s18 =	smul.u32 $0x10200, s31;
	[tilespmem:s20+$0x3870 ss:$0x81] =	vst.msk $0xffff, v0  }
0x46: {  	v3 =	vld [tilespmem:s21+$0x20];
	[tilespmem:s20+$0x810 ss:$0x81] =	vst.msk $0xffff, v1  }
0x47: {  	s18 =	sshrl.u32 s18, $0x2;
	v0 =	vld [tilespmem:s21+$0xFFFFFFC0];
	[tilespmem:s20+$0x1020 ss:$0x81] =	vst.msk $0xffff, v5;
	s21 =	sadd.s32 $0x80, s21  }
0x48: {  	s22 =	simm.s32 $0x4;
	s23 =	simm.s32 $0x8;
	s18 =	sor.u32 $0x8000, s18;
	[tilespmem:s20+$0x1830 ss:$0x81] =	vst.msk $0xffff, v6;
	v1 =	vld [tilespmem:s21+$0x30]  }
.LBB1_3:
0x49: {  	p1 =	sne.s32 s23, $0x1FC;
	v5 =	vld [tilespmem:s21+$0xFFFFFFD0];
	[tilespmem:s20+$0x2040 ss:$0x81] =	vst.msk $0xffff, v4  }
0x4a: {  	v6 =	vld [tilespmem:s21+$0xFFFFFFE0];
	[tilespmem:s20+$0x2850 ss:$0x81] =	vst.msk $0xffff, v2  }
0x4b: {  	s24 =	sshra.s32 s22, $0x2;
	s22 =	smov.u32 s23;
	v7 =	vld [tilespmem:s21+$0xFFFFFFF0];
	[tilespmem:s20+$0x3060 ss:$0x81] =	vst.msk $0xffff, v3  }
.Ltmp3:
0x4c: {  	v4 =	vld [tilespmem:s21+$0x0];
	[tilespmem:s20+$0x0 ss:$0x81] =	vst.msk $0xffff, v0;
	s20 =	sadd.s32 s24, s19;
	(pc) =	sbr.rel @p1 .LBB1_3-.Ltmp3, $4  }
0x4d: {  	v2 =	vld [tilespmem:s21+$0x10];
	[tilespmem:s20+$0x3870 ss:$0x81] =	vst.msk $0xffff, v1  }
0x4e: {  	[tilespmem:s20+$0x810 ss:$0x81] =	vst.msk $0xffff, v5;
	v3 =	vld [tilespmem:s21+$0x20]  }
0x4f: {  	v0 =	vld [tilespmem:s21+$0xFFFFFFC0];
	[tilespmem:s20+$0x1020 ss:$0x81] =	vst.msk $0xffff, v6;
	s21 =	sadd.s32 $0x80, s21  }
0x50: {  	s23 =	sadd.s32 $0x4, s23;
	v1 =	vld [tilespmem:s21+$0x30];
	[tilespmem:s20+$0x1830 ss:$0x81] =	vst.msk $0xffff, v7  }
.Ltmp4:
0x51: {  	_ = 	snop;
	(pc) =	sbr.rel .LBB1_4-.Ltmp4, $1  }
0x52: {  	_ =	sdelay $0x3  }
.LBB1_6:
0x53: {  	_ =	sfence.sel $0x180000  }
0x54: {  	s2 =	simm.s32 $0x1;
	[bflag:$0x0] =	sbarrier.arrive $0xFFFF  }
0x55: {  	s31 =	simm.s32 $0x2;
	[sflag:s2] =	ssyncpa.u1 $0x1  }
0x56: {  	[sflag:s31] =	ssyncpa.u1 $0x1  }
0x57: {  	p0 =	sne.s32 s1, $0x0;
	_ =	strace $0x90000050  }
0x58: {  	s0 =	sadd.s32 @!p0 $0x100000, s0;
	[bflag:$0x2] =	sbarrier.arrive $0xFFFF  }
0x59: {  	[sflag:s0] =	ssyncadd.tile.s32 @!p0 $0x1;
	_ =	shalt  }
.Lfunc_end1:
_tile_overlayer_lowered:
.L_overlay_start_2:
0x5a: {  	(tag) =	ssettag $0x2  }
0x5b: {  	s0 =	rddreg [dreg:$0x0];
	s2 =	stileid.u32  }
0x5c: {  	s1 =	rddreg [dreg:$0x1];
	p0 =	sne.s32 s2, $0x0  }
0x5d: {  	s3 =	rddreg [dreg:$0x2];
	[bflag:$0x3] =	sbarrier.arrive $0xFFFF;
	s2 =	simm.s32 @!p0 $0x1C01  }
0x5e: {  	[timem:s3], [sflag:s2] =	dma.local @!p0 [hbm:s0], s1  }
0x5f: {  	s0 =	simm.s32 @!p0 $0x1  }
0x60: {  	_ =	swait.ge @!p0 [sflag:s0], s1  }
0x61: {  	s1 =	ssub.s32 @!p0 $0x0, s1;
	[sflag:s0] =	ssyncset.done @!p0 $0x0  }
0x62: {  	[sflag:s0] =	ssyncadd.s32 @!p0 s1  }
0x63: {  	[bflag:$0x3] =	sbarrier.arrive $0xFFFF  }
0x64: {  	_ =	shalt  }

// kernel: sparse-core-data-format-call.cloned.1.call-start
scs
called_computation_lowered:
.L_overlay_start_0:
0x0: {  	s1 =	sld [smem:$0x3FD9]  }
0x1: {  	s2 =	sld [smem:$0x3FFE];
	_ =	sdelay $0x1  }
0x2: {  	s3 =	srdreg.scid  }
0x3: {  	s0 =	sand.u32 $0x1, s3  }
0x4: {  	s17 =	sshll.u32 s0, $0xA;
	s1 =	sadd.s32 s2, s1  }
0x5: {  	s1 =	sadd.s32 s1, s17  }
0x6: {  	[smem:$0x3FB8] =	sst s1  }
0x7: {  	_ = 	snop  }
0x8: {  	(tm) =	ssettm $0x1  }
0x9: {  	s18 =	sld [smem:$0x3FFB];
	_ =	sdelay $0x3  }
0xa: {  	_ =	strace s18  }
0xb: {  	s1 =	sld [smem:$0x3FFC];
	_ =	sdelay $0x3  }
0xc: {  	_ =	strace s1  }
0xd: {  	s1 =	sld [smem:$0x3FFD];
	_ =	sdelay $0x3  }
0xe: {  	_ =	strace s1  }
0xf: {  	_ =	strace $0x8FFFFFFF  }
0x10: {  	s19 =	sld [smem:$0x3FDB];
	_ =	sdelay $0x1  }
0x11: {  	s20 =	simm.s32 $_scs_section_size  }
0x12: {  	s4 =	simm.s32 $_size__tile_overlayer_lowered;
	s5 =	simm.s32 $_tile_overlayer_lowered  }
0x13: {  	s23 =	simm.s32 $0x1BFF;
	s22 =	sshll.u32 s5, $0x1;
	s1 =	sadd.s32 s20, s19  }
0x14: {  	s6 =	simm.s32 $0x0;
	s21 =	sshll.u32 s4, $0x1;
	s4 =	sadd.s32 s22, s1  }
0x15: {  	[timem:s6], [sflag:s23] =	dma.local [hbm:s4], s21  }
0x16: {  	_ =	swait.ge [sflag:s23], s21  }
0x17: {  	s2 =	ssub.s32 $0x0, s21;
	[sflag:s23] =	ssyncset.done $0x0  }
0x18: {  	[sflag:s23] =	ssyncadd.s32 s2;
	_ =	sdelay $0x1  }
0x19: {  	s24 =	simm.s32 $0x1B8B  }
0x1a: {  	_ =	swait.ge [sflag:s24], $0x1  }
0x1b: {  	[sflag:s24] =	ssyncset.done $0x0  }
0x1c: {  	s26 =	simm.s32 $0x1B8E;
	s25 =	sld [smem:$0x3FFE];
	[sflag:s24] =	ssyncadd.s32 $0xFFFFFFFF  }
0x1d: {  	s27 =	simm.s32 $execute0_lowered;
	[smem:$0x3FD2] =	sst s26  }
0x1e: {  	s4 =	sshll.u32 s27, $0x1;
	_ =	strace $0x8000005C;
	[dreg:$0x1] =	wrdreg $0xFFFFFFFF  }
0x1f: {  	s28 =	simm.s32 $_size_execute0_lowered;
	s1 =	sadd.s32 s1, s4;
	[dreg:$0x0] =	wrdreg $0x0  }
0x20: {  	s4 =	sshll.u32 s28, $0x1;
	[dreg:$0x2] =	wrdreg s1  }
0x21: {  	[dreg:$0x3] =	wrdreg s4  }
0x22: {  	[dreg:$0x4] =	wrdreg $0xC0  }
0x23: {  	_ =	task [dreg:s6], $0x5FFFF  }
0x24: {  	[dreg:$0x1] =	wrdreg $0xFFFFFFFF  }
0x25: {  	[dreg:$0x0] =	wrdreg $0x60  }
0x26: {  	[dreg:$0x2] =	wrdreg s25  }
0x27: {  	[dreg:$0x3] =	wrdreg $0x9  }
0x28: {  	_ =	task.clear_ibuf [dreg:s6], $0x4FFFF;
	_ =	strace $0x9000005C  }
0x29: {  	s29 =	simm.s32 $0x9;
	_ =	strace $0x8000005E  }
0x2a: {  	_ =	swait.ge [sflag:s29], $0x1  }
0x2b: {  	[sflag:s29] =	ssyncadd.s32 $0xFFFFFFFF  }
0x2c: {  	_ =	strace $0x9000005E  }
0x2d: {  	_ =	sfence  }
0x2e: {  	s30 =	sld [smem:$0x0];
	_ =	sdelay $0x2  }
0x2f: {  	s31 =	sshll.u32 s3, $0xD;
	s3 =	sshrl.u32 s3, $0x2  }
0x30: {  	s2 =	sand.u32 $0x4000, s31;
	s1 =	sadd.s32 s3, s30  }
0x31: {  	s0 =	sor.u32 s2, s0;
	s1 =	sshll.u32 s1, $0x11  }
0x32: {  	s0 =	sor.u32 s1, s0  }
0x33: {  	s0 =	sadd.s32 $0x8F2B, s0  }
0x34: {  	[sflag:s0] =	ssyncadd.remote.s32 $0x1  }
0x35: {  	_ =	sfence.sel $0xFFFF  }
0x36: {  	[dreg:$0x0] =	wrdreg $0xFFFFFFFF;
	(pc) =	sbr.abs _section_cstart, $3  }
0x37: {  	[dreg:$0x1] =	wrdreg $0xFFFFFFFF  }
0x38: {  	_ =	task.clear_ibuf [dreg:s6], $0x2FFFF;
	_ =	strace $0x9FFFFFFF  }
0x39: {  	(tm) =	ssettm $0x7FFFFFFF  }
tec
execute0_lowered:
.L_overlay_start_1:
0x0: {  	(tag) =	ssettag $0x1  }
0x1: {  	s0 =	stileid.u32;
	s1 =	srdreg.scid  }
0x2: {  	s7 =	rddreg [dreg:$0x0];
	s31 =	simm.s32 $0x2;
	s14 =	simm.s32 $0x0  }
0x3: {  	s13 =	simm.s32 $0x0;
	s12 =	simm.s32 $0x0;
	s2 =	sshll.u32 s0, $0x7  }
0x4: {  	s3 =	sshll.u32 s0, $0x4;
	s1 =	sshll.u32 s1, $0x8;
	s2 =	sand.u32 $0x380, s2  }
0x5: {  	s3 =	sor.u32 s3, s1;
	s1 =	rddreg [dreg:$0x1];
	_ =	strace $0x8000005D  }
0x6: {  	s3 =	sand.u32 $0x180, s3;
	s4 =	ssub.s32 $0x400, s2;
	s11 =	smov.u32 s2  }
0x7: {  	s5 =	sand.u32 $0x380, s4;
	s6 =	ssub.s32 $0x2000, s3;
	s9 =	sshrl.u32 s4, $0xA  }
0x8: {  	p0 =	sne.s32 s5, $0x0;
	s5 =	simm.s32 $0x1;
	s8 =	sand.u32 $0x180, s6  }
0x9: {  	s5 =	simm.s32 @!p0 $0x0;
	p0 =	sne.s32 s8, $0x0;
	s8 =	simm.s32 $0x1  }
.Ltmp0:
0xa: {  	s6 =	sshrl.u32 s6, $0x9;
	s8 =	simm.s32 @!p0 $0x0;
	(pc) =	sbr.rel .LBB1_1-.Ltmp0, $4  }
0xb: {  	s4 =	simm.s32 $0x1;
	s5 =	sadd.s32 s5, s9;
	s6 =	sadd.s32 s8, s6  }
0xc: {  	s10 =	smov.u32 s3;
	[sflag:s4] =	ssyncpa.u1 $0x0;
	s5 =	smul.u32 s5, s6  }
0xd: {  	[sflag:s31] =	ssyncpa.u1 $0x0;
	p0 =	por $0x0, $0x0;
	s9 =	simm.s32 $0x2000  }
0xe: {  	s6 =	sadd.s32 $0x193E00, s7;
	s7 =	sadd.s32 $0x93E00, s7;
	s8 =	sadd.s32 $0x1, s5  }
.LBB1_4:
0xf: {  	v5 =	vld [tilespmem:s18+$0xFFFFFFD0];
	[tilespmem:s17+$0x2040 ss:$0x81] =	vst.msk $0xffff, v1  }
0x10: {  	v58 =	vld [tilespmem:s18+$0xFFFFFFE0];
	[tilespmem:s17+$0x2850 ss:$0x81] =	vst.msk $0xffff, v2  }
0x11: {  	s19 =	sshra.s32 s19, $0x2;
	v59 =	vld [tilespmem:s18+$0xFFFFFFF0];
	[tilespmem:s17+$0x3060 ss:$0x81] =	vst.msk $0xffff, v3  }
0x12: {  	v60 =	vld [tilespmem:s18+$0x0];
	[tilespmem:s17+$0x0 ss:$0x81] =	vst.msk $0xffff, v0;
	s16 =	sadd.s32 s19, s16  }
0x13: {  	v61 =	vld [tilespmem:s18+$0x10];
	[tilespmem:s16+$0x3870 ss:$0x81] =	vst.msk $0xffff, v4  }
0x14: {  	v62 =	vld [tilespmem:s18+$0x20];
	s26 =	sshll.u32 s14, $0xA;
	s27 =	sshll.u32 s13, $0x3;
	[tilespmem:s16+$0x810 ss:$0x81] =	vst.msk $0xffff, v5  }
0x15: {  	v63 =	vld [tilespmem:s18+$0xFFFFFFC0];
	s29 =	sshll.u32 s14, $0x7;
	s17 =	sand.u32 $0x7FE000, s26;
	s28 =	sand.u32 $0x7FFC00, s27;
	[tilespmem:s16+$0x1020 ss:$0x81] =	vst.msk $0xffff, v58  }
0x16: {  	s30 =	sand.u32 $0x78, s13;
	s14 =	sand.u32 $0x380, s29;
	s17 =	sadd.s32 s28, s17;
	[tilespmem:s16+$0x1830 ss:$0x81] =	vst.msk $0xffff, v59  }
0x17: {  	s14 =	sor.u32 s30, s14;
	s17 =	sand.u32 $0x7FFC00, s17;
	[tilespmem:s16+$0x2040 ss:$0x81] =	vst.msk $0xffff, v60  }
0x18: {  	s31 =	sand.u32 $0x7, s13;
	s14 =	sor.u32 s17, s14;
	[tilespmem:s16+$0x2850 ss:$0x81] =	vst.msk $0xffff, v61  }
0x19: {  	s13 =	sshll.u32 s31, $0x12;
	[tilespmem:s16+$0x3060 ss:$0x81] =	vst.msk $0xffff, v62;
	s14 =	sshrl.u32 s14, $0x3  }
0x1a: {  	s13 =	sor.u32 $0x400, s13;
	[tilespmem:s16+$0x0 ss:$0x81] =	vst.msk $0xffff, v63;
	s14 =	sadd.s32 s7, s14  }
0x1b: {  	[hbm4b:s14+s13] =	stream.strided.scatter [tilespmem:s15], [sflag:$0x2], $0x4000, s9, s13, $0x20;
	[tilespmem:$0x10100] =	vst v63  }
.LBB1_5:
0x1c: {  	s15 =	sadd.s32 $0x200, s10  }
0x1d: {  	s13 =	sadd.s32 $0x400, s11;
	s17 =	smov.u32 s11;
	p2 =	sgt.s32 s15, $0x1FFF  }
0x1e: {  	s17 =	smov.u32 @p2 s13  }
0x1f: {  	s15 =	smov.u32 @p2 s3;
	p2 =	sgt.s32 s17, $0x3FF  }
0x20: {  	s17 =	smov.u32 @p2 s2;
	p2 =	sne.s32 s12, s8  }
.Ltmp1:
0x21: {  	p1 =	slt.u32 s12, $0x2;
	(pc) =	sbr.rel @!p2 .LBB1_6-.Ltmp1, $4  }
0x22: {  	s16 =	simm.s32 @!p1 $0x2  }
0x23: {  	s14 =	smov.u32 s10;
	p0 =	por !p0, !p0;
	_ =	swait.ge @!p1 [sflag:s16], $0x4000  }
0x24: {  	s13 =	smov.u32 s11;
	[sflag:s16] =	ssyncset.done @!p1 $0x0;
	s10 =	smov.u32 s15  }
0x25: {  	s12 =	sadd.s32 $0x1, s12;
	[sflag:s16] =	ssyncadd.s32 @!p1 $0xFFFFC000;
	s11 =	smov.u32 s17  }
.LBB1_1:
0x26: {  	p1 =	sge.u32 s12, s5;
	s31 =	sadd.s32 $0xFFFFFFFF, s12  }
0x27: {  	s15 =	sand.u32 @!p1 $0x78, s10;
	s16 =	sshll.u32 @!p1 s11, $0xD;
	s17 =	sshll.u32 @!p1 s11, $0x7  }
0x28: {  	s18 =	sshll.u32 @!p1 s10, $0x3;
	s16 =	sand.u32 @!p1 $0x7F0000, s16;
	s17 =	sand.u32 @!p1 $0x380, s17  }
0x29: {  	s16 =	sadd.s32 @!p1 s16, s18;
	s18 =	sand.u32 @!p1 $0x1C00, s18;
	s15 =	sor.u32 @!p1 s17, s15  }
0x2a: {  	s17 =	sxor.u32 @!p1 $0xFFFFFFFF, s12;
	s16 =	sand.u32 @!p1 $0x7FE000, s16;
	s15 =	sor.u32 @!p1 s18, s15  }
0x2b: {  	s17 =	sshll.u32 @!p1 s17, $0xE;
	s15 =	sor.u32 @!p1 s16, s15;
	s16 =	sand.u32 @!p1 $0x7, s10  }
0x2c: {  	s18 =	simm.s32 @!p1 $0x10000;
	s15 =	sshrl.u32 @!p1 s15, $0x3;
	s16 =	sshll.u32 @!p1 s16, $0x12  }
0x2d: {  	s17 =	sand.u32 @!p1 $0x4000, s17;
	s15 =	sadd.s32 @!p1 s6, s15;
	s16 =	sor.u32 @!p1 $0x400, s16  }
0x2e: {  	[tilespmem:s17], [sflag:$0x1] =	stream.strided.gather @!p1 [hbm4b:s15+s16], $0x4000, s18, s16, $0x38;
	[tilespmem:$0x10100] =	vst v63  }
0x2f: {  	p1 =	sge.u32 s31, s5  }
.Ltmp2:
0x30: {  	_ = 	snop;
	(pc) =	sbr.rel @p1 .LBB1_5-.Ltmp2, $1  }
0x31: {  	_ =	sdelay $0x3  }
0x32: {  	s15 =	simm.s32 $0x1  }
0x33: {  	_ =	swait.ge [sflag:s4], $0x4000;
	s15 =	simm.s32 @!p0 $0x0  }
0x34: {  	[sflag:s4] =	ssyncset.done $0x0;
	s16 =	sshll.u32 s15, $0xE  }
0x35: {  	[sflag:s4] =	ssyncadd.s32 $0xFFFFC000;
	s18 =	sor.u32 $0x40, s16  }
0x36: {  	s15 =	smul.u32 $0x10200, s15;
	v0 =	vld [tilespmem:s18+$0x30]  }
0x37: {  	v3 =	vld [tilespmem:s18+$0xFFFFFFD0]  }
0x38: {  	s15 =	sshrl.u32 s15, $0x2;
	v4 =	vld [tilespmem:s18+$0xFFFFFFE0]  }
0x39: {  	v5 =	vld [tilespmem:s18+$0xFFFFFFF0];
	s16 =	sor.u32 $0x8000, s15  }
0x3a: {  	s31 =	sand.u32 $0x1, s12;
	v1 =	vld [tilespmem:s18+$0x0];
	s17 =	sadd.s32 $0x0, s16  }
0x3b: {  	v2 =	vld [tilespmem:s18+$0x10];
	s15 =	smul.u32 $0x10200, s31;
	[tilespmem:s17+$0x3870 ss:$0x81] =	vst.msk $0xffff, v0  }
0x3c: {  	[tilespmem:s17+$0x810 ss:$0x81] =	vst.msk $0xffff, v3;
	v3 =	vld [tilespmem:s18+$0x20]  }
0x3d: {  	s15 =	sshrl.u32 s15, $0x2;
	v0 =	vld [tilespmem:s18+$0xFFFFFFC0];
	[tilespmem:s17+$0x1020 ss:$0x81] =	vst.msk $0xffff, v4;
	s18 =	sadd.s32 $0x80, s18  }
0x3e: {  	s19 =	simm.s32 $0x4;
	s20 =	simm.s32 $0x8;
	s15 =	sor.u32 $0x8000, s15;
	[tilespmem:s17+$0x1830 ss:$0x81] =	vst.msk $0xffff, v5;
	v4 =	vld [tilespmem:s18+$0x30]  }
.LBB1_3:
0x3f: {  	p1 =	sne.s32 s20, $0x1FC;
	v5 =	vld [tilespmem:s18+$0xFFFFFFD0];
	[tilespmem:s17+$0x2040 ss:$0x81] =	vst.msk $0xffff, v1  }
0x40: {  	v6 =	vld [tilespmem:s18+$0xFFFFFFE0];
	[tilespmem:s17+$0x2850 ss:$0x81] =	vst.msk $0xffff, v2  }
0x41: {  	s21 =	sshra.s32 s19, $0x2;
	s19 =	smov.u32 s20;
	v7 =	vld [tilespmem:s18+$0xFFFFFFF0];
	[tilespmem:s17+$0x3060 ss:$0x81] =	vst.msk $0xffff, v3  }
.Ltmp3:
0x42: {  	v1 =	vld [tilespmem:s18+$0x0];
	[tilespmem:s17+$0x0 ss:$0x81] =	vst.msk $0xffff, v0;
	s17 =	sadd.s32 s21, s16;
	(pc) =	sbr.rel @p1 .LBB1_3-.Ltmp3, $4  }
0x43: {  	v2 =	vld [tilespmem:s18+$0x10];
	[tilespmem:s17+$0x3870 ss:$0x81] =	vst.msk $0xffff, v4  }
0x44: {  	[tilespmem:s17+$0x810 ss:$0x81] =	vst.msk $0xffff, v5;
	v3 =	vld [tilespmem:s18+$0x20]  }
0x45: {  	v0 =	vld [tilespmem:s18+$0xFFFFFFC0];
	[tilespmem:s17+$0x1020 ss:$0x81] =	vst.msk $0xffff, v6;
	s18 =	sadd.s32 $0x80, s18  }
0x46: {  	s20 =	sadd.s32 $0x4, s20;
	v4 =	vld [tilespmem:s18+$0x30];
	[tilespmem:s17+$0x1830 ss:$0x81] =	vst.msk $0xffff, v7  }
.Ltmp4:
0x47: {  	_ = 	snop;
	(pc) =	sbr.rel .LBB1_4-.Ltmp4, $1  }
0x48: {  	_ =	sdelay $0x3  }
.LBB1_6:
0x49: {  	_ =	sfence.sel $0x180000  }
0x4a: {  	s2 =	simm.s32 $0x1;
	[bflag:$0x0] =	sbarrier.arrive $0xFFFF  }
0x4b: {  	s31 =	simm.s32 $0x2;
	[sflag:s2] =	ssyncpa.u1 $0x1  }
0x4c: {  	[sflag:s31] =	ssyncpa.u1 $0x1  }
0x4d: {  	p0 =	sne.s32 s0, $0x0;
	_ =	strace $0x9000005D  }
0x4e: {  	s0 =	sadd.s32 @!p0 $0x100000, s1;
	[bflag:$0x2] =	sbarrier.arrive $0xFFFF  }
0x4f: {  	[sflag:s0] =	ssyncadd.tile.s32 @!p0 $0x1;
	_ =	shalt  }
.Lfunc_end1:
_tile_overlayer_lowered:
.L_overlay_start_2:
0x50: {  	(tag) =	ssettag $0x2  }
0x51: {  	s0 =	rddreg [dreg:$0x0];
	s2 =	stileid.u32  }
0x52: {  	s1 =	rddreg [dreg:$0x1];
	p0 =	sne.s32 s2, $0x0  }
0x53: {  	s3 =	rddreg [dreg:$0x2];
	[bflag:$0x3] =	sbarrier.arrive $0xFFFF;
	s2 =	simm.s32 @!p0 $0x1C01  }
0x54: {  	[timem:s3], [sflag:s2] =	dma.local @!p0 [hbm:s0], s1  }
0x55: {  	s0 =	simm.s32 @!p0 $0x1  }
0x56: {  	_ =	swait.ge @!p0 [sflag:s0], s1  }
0x57: {  	s1 =	ssub.s32 @!p0 $0x0, s1;
	[sflag:s0] =	ssyncset.done @!p0 $0x0  }
0x58: {  	[sflag:s0] =	ssyncadd.s32 @!p0 s1  }
0x59: {  	[bflag:$0x3] =	sbarrier.arrive $0xFFFF  }
0x5a: {  	_ =	shalt  }

</sc_bundles>
